<compile_context>
chip_gen: v7x
topology: tpu7x:2x2x1
jax: 0.10.2.dev20260603
libtpu: 0.0.44.dev20260713+nightly
codegen_flags: <defaults>
</compile_context>

<pallas_src>
import functools

import jax
import jax.numpy as jnp
from jax import lax
from jax.experimental import pallas as pl
from jax.experimental.pallas import tpu as pltpu
from jax.experimental.pallas import tpu_sc as plsc

N = 10000
E = 160000
F_IN = 256
HID = 512
F_OUT = 256
FH = 128

NT = 16
EPT = E // NT
CH = 80
NCHUNK = EPT // CH
DEG_C0 = 64
NB = 16
NCHB = 128
RPT_A = 632
RPT_B = N - 15 * RPT_A

_sc_mesh = plsc.VectorSubcoreMesh(core_axis_name="c", subcore_axis_name="s")


@functools.partial(
    pl.kernel,
    mesh=_sc_mesh,
    out_type=jax.ShapeDtypeStruct((2, N, FH), jnp.float32),
    scratch_types=[
        pltpu.VMEM((DEG_C0, CH), jnp.int32),
        pltpu.VMEM((CH, FH), jnp.float32),
        pltpu.VMEM_SHARED((N, FH), jnp.float32),
        pltpu.SemaphoreType.DMA,
    ],
)
def _deg_sc(dst3_hbm, zeros_hbm, ones_hbm, degp_hbm, dstd, onesb, accd, sem):
    c = lax.axis_index("c")
    s = lax.axis_index("s")
    r0 = s * RPT_A
    nch = DEG_C0 - 3 * c

    @pl.when(s < NT - 1)
    def _():
        pltpu.sync_copy(zeros_hbm.at[pl.ds(r0, RPT_A)], accd.at[pl.ds(r0, RPT_A)])

    @pl.when(s == NT - 1)
    def _():
        pltpu.sync_copy(zeros_hbm.at[pl.ds(r0, RPT_B)], accd.at[pl.ds(r0, RPT_B)])

    pltpu.sync_copy(dst3_hbm.at[s, pl.ds(c * DEG_C0, DEG_C0)], dstd)
    pltpu.sync_copy(ones_hbm, onesb)
    plsc.subcore_barrier()

    def fire(k, carry):
        @pl.when(k >= 8)
        def _():
            pltpu.make_async_copy(onesb, accd.at[dstd.at[0]], sem).wait()

        pltpu.async_copy(onesb, accd.at[dstd.at[k]], sem, add=True)
        return carry

    lax.fori_loop(0, nch, fire, 0)

    def drain(k, carry):
        pltpu.make_async_copy(onesb, accd.at[dstd.at[0]], sem).wait()
        return carry

    lax.fori_loop(0, 8, drain, 0)
    plsc.subcore_barrier()

    @pl.when(s < NT - 1)
    def _():
        pltpu.sync_copy(accd.at[pl.ds(r0, RPT_A)], degp_hbm.at[c, pl.ds(r0, RPT_A)])

    @pl.when(s == NT - 1)
    def _():
        pltpu.sync_copy(accd.at[pl.ds(r0, RPT_B)], degp_hbm.at[c, pl.ds(r0, RPT_B)])


@functools.partial(
    pl.kernel,
    mesh=_sc_mesh,
    out_type=jax.ShapeDtypeStruct((2 * N, FH), jnp.float32),
    scratch_types=[
        pltpu.VMEM((NB, CH), jnp.int32),
        pltpu.VMEM((NB, CH), jnp.int32),
        pltpu.VMEM((NB, CH), jnp.int32),
        pltpu.VMEM((NB, CH), jnp.int32),
        pltpu.VMEM((CH, FH), jnp.float32),
        pltpu.VMEM((CH, FH), jnp.float32),
        pltpu.VMEM((CH, FH), jnp.float32),
        pltpu.VMEM((CH, FH), jnp.float32),
        pltpu.VMEM_SHARED((N, FH), jnp.float32),
        pltpu.SemaphoreType.DMA,
        pltpu.SemaphoreType.DMA,
        pltpu.SemaphoreType.DMA,
        pltpu.SemaphoreType.DMA,
        pltpu.SemaphoreType.DMA,
        pltpu.SemaphoreType.DMA,
        pltpu.SemaphoreType.DMA,
        pltpu.SemaphoreType.DMA,
        pltpu.SemaphoreType.DMA,
        pltpu.SemaphoreType.DMA,
        pltpu.SemaphoreType.DMA,
        pltpu.SemaphoreType.DMA,
    ],
)
def _agg_sc(xs_hbm, srcadj_hbm, dst3_hbm, out_hbm,
            srcb0, srcb1, dstb0, dstb1, gbuf0, gbuf1, gbuf2, gbuf3, acc,
            gsem0, gsem1, gsem2, gsem3, ssem0, ssem1, ssem2, ssem3,
            bsem0, bsem1, dsem0, dsem1):
    c = lax.axis_index("c")
    s = lax.axis_index("s")
    off = c * N
    r0 = s * RPT_A

    @pl.when(s < NT - 1)
    def _():
        pltpu.sync_copy(xs_hbm.at[pl.ds(off + r0, RPT_A)], acc.at[pl.ds(r0, RPT_A)])

    @pl.when(s == NT - 1)
    def _():
        pltpu.sync_copy(xs_hbm.at[pl.ds(off + r0, RPT_B)], acc.at[pl.ds(r0, RPT_B)])

    gbufs = (gbuf0, gbuf1, gbuf2, gbuf3)
    gsems = (gsem0, gsem1, gsem2, gsem3)
    ssems = (ssem0, ssem1, ssem2, ssem3)
    srcbs = (srcb0, srcb1)
    dstbs = (dstb0, dstb1)
    bsems = (bsem0, bsem1)
    dsems = (dsem0, dsem1)

    def start_batch(bt, r):
        pltpu.async_copy(srcadj_hbm.at[c, s, pl.ds(bt * NB, NB)], srcbs[r], bsems[r])
        pltpu.async_copy(dst3_hbm.at[s, pl.ds(bt * NB, NB)], dstbs[r], dsems[r])

    def wait_batch(r):
        pltpu.make_async_copy(
            srcadj_hbm.at[c, s, pl.ds(0, NB)], srcbs[r], bsems[r]).wait()
        pltpu.make_async_copy(
            dst3_hbm.at[s, pl.ds(0, NB)], dstbs[r], dsems[r]).wait()

    def start_gather(k, b):
        row = lax.rem(k, NB)
        rr = lax.rem(k // NB, 2)
        for r in (0, 1):
            @pl.when(rr == r)
            def _(r=r):
                pltpu.async_copy(xs_hbm.at[srcbs[r].at[row]], gbufs[b], gsems[b])

    def wait_gather(b):
        pltpu.make_async_copy(xs_hbm.at[srcbs[0].at[0]], gbufs[b], gsems[b]).wait()

    def start_scatter(k, b):
        row = lax.rem(k, NB)
        rr = lax.rem(k // NB, 2)
        for r in (0, 1):
            @pl.when(rr == r)
            def _(r=r):
                pltpu.async_copy(gbufs[b], acc.at[dstbs[r].at[row]], ssems[b], add=True)

    def wait_scatter(b):
        pltpu.make_async_copy(gbufs[b], acc.at[dstbs[0].at[0]], ssems[b]).wait()

    start_batch(0, 0)
    start_batch(1, 1)
    wait_batch(0)
    for _b in range(3):
        start_gather(_b, _b)
    plsc.subcore_barrier()

    def step(k, carry):
        par = k % 4

        bt = k // NB
        cond_a = (lax.rem(k, NB) == 3) & (k >= NB) & (bt + 1 <= (NCHUNK - 1) // NB)
        for r in (0, 1):
            @pl.when(cond_a & (lax.rem(bt + 1, 2) == r))
            def _(r=r):
                start_batch(bt + 1, r)

        cond_b = (k + 3 < NCHUNK) & (lax.rem(k + 3, NB) == 0)
        for r in (0, 1):
            @pl.when(cond_b & (lax.rem((k + 3) // NB, 2) == r))
            def _(r=r):
                wait_batch(r)

        for b in (0, 1, 2, 3):
            nb = (b + 3) % 4

            @pl.when(par == b)
            def _(b=b, nb=nb):
                wait_gather(b)
                start_scatter(k, b)

                @pl.when(k + 3 < NCHUNK)
                def _():
                    @pl.when(k >= 1)
                    def _():
                        wait_scatter(nb)

                    start_gather(k + 3, nb)

        return carry

    lax.fori_loop(0, NCHUNK, step, 0)
    wait_scatter((NCHUNK - 4) % 4)
    wait_scatter((NCHUNK - 3) % 4)
    wait_scatter((NCHUNK - 2) % 4)
    wait_scatter((NCHUNK - 1) % 4)
    plsc.subcore_barrier()

    @pl.when(s < NT - 1)
    def _():
        pltpu.sync_copy(acc.at[pl.ds(r0, RPT_A)], out_hbm.at[pl.ds(off + r0, RPT_A)])

    @pl.when(s == NT - 1)
    def _():
        pltpu.sync_copy(acc.at[pl.ds(r0, RPT_B)], out_hbm.at[pl.ds(off + r0, RPT_B)])


def _scale_body(x_ref, degp_ref, xs_ref, normc_ref):
    d = degp_ref[0, :, 0:1] + degp_ref[1, :, 0:1]
    norm = lax.rsqrt(1.0 + d)
    normc_ref[...] = jnp.broadcast_to(norm, normc_ref.shape)
    xs = x_ref[...] * norm
    xs_ref[0] = xs[:, :FH]
    xs_ref[1] = xs[:, FH:]


def _mm_body(agg_ref, normc_ref, w1_ref, b1_ref, w2_ref, ps_ref):
    nc = normc_ref[...]
    a = jnp.concatenate([agg_ref[0] * nc, agg_ref[1] * nc], axis=1)
    h = jnp.dot(a, w1_ref[...], preferred_element_type=jnp.float32)
    h = jnp.maximum(h + b1_ref[...], 0.0)
    p = jnp.dot(h, w2_ref[...], preferred_element_type=jnp.float32)
    ps_ref[0] = p[:, :FH] * nc
    ps_ref[1] = p[:, FH:] * nc


def _final_body(agg_ref, normc_ref, b2_ref, out_ref):
    nc = normc_ref[...]
    out_ref[...] = jnp.concatenate(
        [agg_ref[0] * nc, agg_ref[1] * nc], axis=1) + b2_ref[...]


_BN = 1000
_G = N // _BN

_scale_call = pl.pallas_call(
    _scale_body,
    grid=(_G,),
    in_specs=[
        pl.BlockSpec((_BN, F_IN), lambda i: (i, 0)),
        pl.BlockSpec((2, _BN, FH), lambda i: (0, i, 0)),
    ],
    out_specs=[
        pl.BlockSpec((2, _BN, FH), lambda i: (0, i, 0)),
        pl.BlockSpec((_BN, FH), lambda i: (i, 0)),
    ],
    out_shape=[
        jax.ShapeDtypeStruct((2, N, FH), jnp.float32),
        jax.ShapeDtypeStruct((N, FH), jnp.float32),
    ],
)

_mm_call = pl.pallas_call(
    _mm_body,
    grid=(_G,),
    in_specs=[
        pl.BlockSpec((2, _BN, FH), lambda i: (0, i, 0)),
        pl.BlockSpec((_BN, FH), lambda i: (i, 0)),
        pl.BlockSpec((F_IN, HID), lambda i: (0, 0)),
        pl.BlockSpec((1, HID), lambda i: (0, 0)),
        pl.BlockSpec((HID, F_OUT), lambda i: (0, 0)),
    ],
    out_specs=pl.BlockSpec((2, _BN, FH), lambda i: (0, i, 0)),
    out_shape=jax.ShapeDtypeStruct((2, N, FH), jnp.float32),
)

_final_call = pl.pallas_call(
    _final_body,
    grid=(_G,),
    in_specs=[
        pl.BlockSpec((2, _BN, FH), lambda i: (0, i, 0)),
        pl.BlockSpec((_BN, FH), lambda i: (i, 0)),
        pl.BlockSpec((1, F_OUT), lambda i: (0, 0)),
    ],
    out_specs=pl.BlockSpec((_BN, F_OUT), lambda i: (i, 0)),
    out_shape=jax.ShapeDtypeStruct((N, F_OUT), jnp.float32),
)


def kernel(inputs, edge_index, W1, b1, W2, b2):
    src = edge_index[0].astype(jnp.int32)
    dst = edge_index[1].astype(jnp.int32)

    src_p = src.reshape(NT, NCHUNK, CH)
    src_p = jnp.pad(src_p, ((0, 0), (0, NCHB - NCHUNK), (0, 0)))
    dst_p = dst.reshape(NT, NCHUNK, CH)
    dst_p = jnp.pad(dst_p, ((0, 0), (0, NCHB - NCHUNK), (0, 0)))
    src_adj = jnp.stack([src_p, src_p + N])

    zerosw = jnp.zeros((N, FH), jnp.float32)
    onesw = jnp.ones((CH, FH), jnp.float32)

    degp = _deg_sc(dst_p, zerosw, onesw)
    xs2, normc = _scale_call(inputs, degp)
    agg1 = _agg_sc(xs2.reshape(2 * N, FH), src_adj, dst_p)
    ps2 = _mm_call(agg1.reshape(2, N, FH), normc, W1,
                   b1.reshape(1, HID), W2)
    agg2 = _agg_sc(ps2.reshape(2 * N, FH), src_adj, dst_p)
    out = _final_call(agg2.reshape(2, N, FH), normc,
                      b2.reshape(1, F_OUT))
    return out

# --- scband reference (transcript-rebuilt; emitter-appended) ---
"""Pipeline reference for scband-gcn-6605659701858 (READ-ONLY COPY).

The authoritative reference and input builder live on the scoring server;
editing this copy changes nothing except your own understanding.
"""

import jax, jax.numpy as jnp
import numpy as np

N_NODES = 10000
N_EDGES = 160000
IN_FEATS = 256
HIDDEN = 512
NUM_CLASSES = 256


def setup_inputs(seed: int = 0) -> dict:
    key = jax.random.key(seed)
    k1, k2, k3, k4, k5, k6 = jax.random.split(key, 6)
    inputs = jax.random.normal(k1, (N_NODES, IN_FEATS), dtype=jnp.float32)
    edge_index = jax.random.randint(k2, (2, N_EDGES), 0, N_NODES, dtype=jnp.int64)
    W1 = jax.random.normal(k3, (IN_FEATS, HIDDEN), dtype=jnp.float32) * 0.05
    b1 = jnp.zeros((HIDDEN,), dtype=jnp.float32)
    W2 = jax.random.normal(k4, (HIDDEN, NUM_CLASSES), dtype=jnp.float32) * 0.05
    b2 = jnp.zeros((NUM_CLASSES,), dtype=jnp.float32)
    return {"inputs": inputs, "edge_index": edge_index, "W1": W1, "b1": b1, "W2": W2, "b2": b2}


def _gcn_layer(h, src, dst, norm, W, b, n_nodes):
    # DGL GraphConv, norm='both': out = D^{-1/2} A D^{-1/2} (h W) + b
    h = h @ W
    h = h * norm[:, None]
    msg = h[src]
    agg = jax.ops.segment_sum(msg, dst, num_segments=n_nodes)
    return agg * norm[:, None] + b


def reference(inputs, edge_index, W1, b1, W2, b2):
    N = inputs.shape[0]
    loop = jnp.arange(N, dtype=edge_index.dtype)
    # g = dgl.add_self_loop(g)
    src = jnp.concatenate([edge_index[0], loop])
    dst = jnp.concatenate([edge_index[1], loop])
    deg = jnp.zeros((N,), dtype=inputs.dtype).at[dst].add(1.0)
    norm = jax.lax.rsqrt(jnp.maximum(deg, 1.0))
    h = _gcn_layer(inputs, src, dst, norm, W1, b1, N)
    h = jax.nn.relu(h)
    h = _gcn_layer(h, src, dst, norm, W2, b2, N)
    return h

if __name__ == "__main__":
    import jax
    _d = setup_inputs()
    print(jax.jit(kernel)(*tuple(_d.values())))

</pallas_src>

<mosaic_0001>
#map = affine_map<(d0, d1) -> (0, 0)>
#map1 = affine_map<(d0, d1) -> (0, 0, 0, 0)>
#map2 = affine_map<(d0, d1) -> (0, 0, 0)>
module attributes {stable_mosaic.version = 14 : i64} {
  func.func @_agg_sc(%arg0: i32, %arg1: i32, %arg2: memref<20000x128xf32, #tpu.memory_space<hbm>>, %arg3: memref<2x16x128x80xi32, #tpu.memory_space<hbm>>, %arg4: memref<16x128x80xi32, #tpu.memory_space<hbm>>, %arg5: memref<20000x128xf32, #tpu.memory_space<hbm>>, %arg6: memref<16x80xi32, #tpu.memory_space<vmem>>, %arg7: memref<16x80xi32, #tpu.memory_space<vmem>>, %arg8: memref<16x80xi32, #tpu.memory_space<vmem>>, %arg9: memref<16x80xi32, #tpu.memory_space<vmem>>, %arg10: memref<80x128xf32, #tpu.memory_space<vmem>>, %arg11: memref<80x128xf32, #tpu.memory_space<vmem>>, %arg12: memref<80x128xf32, #tpu.memory_space<vmem>>, %arg13: memref<80x128xf32, #tpu.memory_space<vmem>>, %arg14: memref<10000x128xf32, #tpu.memory_space<vmem_shared>>, %arg15: memref<!tpu.dma_semaphore, #tpu.memory_space<semaphore_mem>>, %arg16: memref<!tpu.dma_semaphore, #tpu.memory_space<semaphore_mem>>, %arg17: memref<!tpu.dma_semaphore, #tpu.memory_space<semaphore_mem>>, %arg18: memref<!tpu.dma_semaphore, #tpu.memory_space<semaphore_mem>>, %arg19: memref<!tpu.dma_semaphore, #tpu.memory_space<semaphore_mem>>, %arg20: memref<!tpu.dma_semaphore, #tpu.memory_space<semaphore_mem>>, %arg21: memref<!tpu.dma_semaphore, #tpu.memory_space<semaphore_mem>>, %arg22: memref<!tpu.dma_semaphore, #tpu.memory_space<semaphore_mem>>, %arg23: memref<!tpu.dma_semaphore, #tpu.memory_space<semaphore_mem>>, %arg24: memref<!tpu.dma_semaphore, #tpu.memory_space<semaphore_mem>>, %arg25: memref<!tpu.dma_semaphore, #tpu.memory_space<semaphore_mem>>, %arg26: memref<!tpu.dma_semaphore, #tpu.memory_space<semaphore_mem>>) attributes {dimension_semantics = [#tpu.dimension_semantics<core_parallel>, #tpu.dimension_semantics<subcore_parallel>], iteration_bounds = array<i64: 2, 16>, scalar_prefetch = 0 : i64, scratch_operands = 21 : i64, tpu.core_type = #tpu.core_type<sc_vector_subcore>, window_params = [{transform_indices = #map}, {transform_indices = #map1}, {transform_indices = #map2}, {transform_indices = #map}]} {
    %mul3A = arith.constant 10000 : i32
    %mul3A_0 = arith.muli %arg0, %mul3A : i32
    %mul3A_1 = arith.constant 632 : i32
    %mul3A_2 = arith.muli %arg1, %mul3A_1 : i32
    %lt3A = arith.constant 15 : i32
    %lt3A_3 = arith.cmpi slt, %arg1, %lt3A : i32
    %convert_element_type3A = arith.extui %lt3A_3 : i1 to i32
    %cond3A = arith.constant 0 : i32
    %cond3A_4 = arith.cmpi ne, %convert_element_type3A, %cond3A : i32
    scf.if %cond3A_4 {
      %add3A = arith.addi %mul3A_0, %mul3A_2 : i32
      "tpu.region"() ({
        %run_scoped3A = tpu.sem_alloc : memref<!tpu.dma_semaphore, #tpu.memory_space<semaphore_mem>>
        %dma_start3A_146 = arith.constant 0 : i32
        %dma_start3A_147 = tpu.memref_slice %arg14[%mul3A_2, %dma_start3A_146] : memref<10000x128xf32, #tpu.memory_space<vmem_shared>> -> memref<632x128xf32, #tpu.memory_space<vmem_shared>>
        %dma_start3A_148 = arith.constant 0 : i32
        %dma_start3A_149 = tpu.memref_slice %arg2[%add3A, %dma_start3A_148] : memref<20000x128xf32, #tpu.memory_space<hbm>> -> memref<632x128xf32, #tpu.memory_space<hbm>>
        tpu.enqueue_dma source(%dma_start3A_149 : memref<632x128xf32, #tpu.memory_space<hbm>>) target(%dma_start3A_147 : memref<632x128xf32, #tpu.memory_space<vmem_shared>>) target_semaphore(%run_scoped3A : memref<!tpu.dma_semaphore, #tpu.memory_space<semaphore_mem>>)
        %dma_wait3A_150 = arith.constant 0 : i32
        %dma_wait3A_151 = tpu.memref_slice %arg14[%mul3A_2, %dma_wait3A_150] : memref<10000x128xf32, #tpu.memory_space<vmem_shared>> -> memref<632x128xf32, #tpu.memory_space<vmem_shared>>
        %dma_wait3A_152 = arith.constant 0 : i32
        %dma_wait3A_153 = tpu.memref_slice %arg2[%add3A, %dma_wait3A_152] : memref<20000x128xf32, #tpu.memory_space<hbm>> -> memref<632x128xf32, #tpu.memory_space<hbm>>
        tpu.wait_dma2 semaphore(%run_scoped3A : memref<!tpu.dma_semaphore, #tpu.memory_space<semaphore_mem>>) src(%dma_wait3A_153 : memref<632x128xf32, #tpu.memory_space<hbm>>) dst(%dma_wait3A_151 : memref<632x128xf32, #tpu.memory_space<vmem_shared>>)
        tpu.yield
      }) : () -> ()
    } else {
    }
    %eq3A = arith.constant 15 : i32
    %eq3A_5 = arith.cmpi eq, %arg1, %eq3A : i32
    %convert_element_type3A_6 = arith.extui %eq3A_5 : i1 to i32
    %cond3A_7 = arith.constant 0 : i32
    %cond3A_8 = arith.cmpi ne, %convert_element_type3A_6, %cond3A_7 : i32
    scf.if %cond3A_8 {
      %add3A = arith.addi %mul3A_0, %mul3A_2 : i32
      "tpu.region"() ({
        %run_scoped3A = tpu.sem_alloc : memref<!tpu.dma_semaphore, #tpu.memory_space<semaphore_mem>>
        %dma_start3A_146 = arith.constant 0 : i32
        %dma_start3A_147 = tpu.memref_slice %arg14[%mul3A_2, %dma_start3A_146] : memref<10000x128xf32, #tpu.memory_space<vmem_shared>> -> memref<520x128xf32, #tpu.memory_space<vmem_shared>>
        %dma_start3A_148 = arith.constant 0 : i32
        %dma_start3A_149 = tpu.memref_slice %arg2[%add3A, %dma_start3A_148] : memref<20000x128xf32, #tpu.memory_space<hbm>> -> memref<520x128xf32, #tpu.memory_space<hbm>>
        tpu.enqueue_dma source(%dma_start3A_149 : memref<520x128xf32, #tpu.memory_space<hbm>>) target(%dma_start3A_147 : memref<520x128xf32, #tpu.memory_space<vmem_shared>>) target_semaphore(%run_scoped3A : memref<!tpu.dma_semaphore, #tpu.memory_space<semaphore_mem>>)
        %dma_wait3A_150 = arith.constant 0 : i32
        %dma_wait3A_151 = tpu.memref_slice %arg14[%mul3A_2, %dma_wait3A_150] : memref<10000x128xf32, #tpu.memory_space<vmem_shared>> -> memref<520x128xf32, #tpu.memory_space<vmem_shared>>
        %dma_wait3A_152 = arith.constant 0 : i32
        %dma_wait3A_153 = tpu.memref_slice %arg2[%add3A, %dma_wait3A_152] : memref<20000x128xf32, #tpu.memory_space<hbm>> -> memref<520x128xf32, #tpu.memory_space<hbm>>
        tpu.wait_dma2 semaphore(%run_scoped3A : memref<!tpu.dma_semaphore, #tpu.memory_space<semaphore_mem>>) src(%dma_wait3A_153 : memref<520x128xf32, #tpu.memory_space<hbm>>) dst(%dma_wait3A_151 : memref<520x128xf32, #tpu.memory_space<vmem_shared>>)
        tpu.yield
      }) : () -> ()
    } else {
    }
    %dma_start3A = arith.constant 0 : i32
    %dma_start3A_9 = arith.constant 0 : i32
    %dma_start3A_10 = tpu.memref_slice %arg3[%arg0, %arg1, %dma_start3A, %dma_start3A_9] : memref<2x16x128x80xi32, #tpu.memory_space<hbm>> -> memref<1x1x16x80xi32, #tpu.memory_space<hbm>>
    %dma_start3A_11 = tpu.memref_squeeze %dma_start3A_10 : memref<1x1x16x80xi32, #tpu.memory_space<hbm>> -> memref<16x80xi32, #tpu.memory_space<hbm>>
    %dma_start3A_12 = arith.constant 0 : i32
    %dma_start3A_13 = arith.constant 0 : i32
    %dma_start3A_14 = tpu.memref_slice %arg3[%arg0, %arg1, %dma_start3A_12, %dma_start3A_13] : memref<2x16x128x80xi32, #tpu.memory_space<hbm>> -> memref<1x1x16x80xi32, #tpu.memory_space<hbm>>
    %dma_start3A_15 = tpu.memref_squeeze %dma_start3A_14 : memref<1x1x16x80xi32, #tpu.memory_space<hbm>> -> memref<16x80xi32, #tpu.memory_space<hbm>>
    tpu.enqueue_dma source(%dma_start3A_15 : memref<16x80xi32, #tpu.memory_space<hbm>>) target(%arg6 : memref<16x80xi32, #tpu.memory_space<vmem>>) target_semaphore(%arg23 : memref<!tpu.dma_semaphore, #tpu.memory_space<semaphore_mem>>)
    %dma_start3A_16 = arith.constant 0 : i32
    %dma_start3A_17 = arith.constant 0 : i32
    %dma_start3A_18 = tpu.memref_slice %arg4[%arg1, %dma_start3A_16, %dma_start3A_17] : memref<16x128x80xi32, #tpu.memory_space<hbm>> -> memref<1x16x80xi32, #tpu.memory_space<hbm>>
    %dma_start3A_19 = tpu.memref_squeeze %dma_start3A_18 : memref<1x16x80xi32, #tpu.memory_space<hbm>> -> memref<16x80xi32, #tpu.memory_space<hbm>>
    %dma_start3A_20 = arith.constant 0 : i32
    %dma_start3A_21 = arith.constant 0 : i32
    %dma_start3A_22 = tpu.memref_slice %arg4[%arg1, %dma_start3A_20, %dma_start3A_21] : memref<16x128x80xi32, #tpu.memory_space<hbm>> -> memref<1x16x80xi32, #tpu.memory_space<hbm>>
    %dma_start3A_23 = tpu.memref_squeeze %dma_start3A_22 : memref<1x16x80xi32, #tpu.memory_space<hbm>> -> memref<16x80xi32, #tpu.memory_space<hbm>>
    tpu.enqueue_dma source(%dma_start3A_23 : memref<16x80xi32, #tpu.memory_space<hbm>>) target(%arg8 : memref<16x80xi32, #tpu.memory_space<vmem>>) target_semaphore(%arg25 : memref<!tpu.dma_semaphore, #tpu.memory_space<semaphore_mem>>)
    %dma_start3A_24 = arith.constant 16 : i32
    %dma_start3A_25 = arith.constant 0 : i32
    %dma_start3A_26 = tpu.memref_slice %arg3[%arg0, %arg1, %dma_start3A_24, %dma_start3A_25] : memref<2x16x128x80xi32, #tpu.memory_space<hbm>> -> memref<1x1x16x80xi32, #tpu.memory_space<hbm>>
    %dma_start3A_27 = tpu.memref_squeeze %dma_start3A_26 : memref<1x1x16x80xi32, #tpu.memory_space<hbm>> -> memref<16x80xi32, #tpu.memory_space<hbm>>
    %dma_start3A_28 = arith.constant 16 : i32
    %dma_start3A_29 = arith.constant 0 : i32
    %dma_start3A_30 = tpu.memref_slice %arg3[%arg0, %arg1, %dma_start3A_28, %dma_start3A_29] : memref<2x16x128x80xi32, #tpu.memory_space<hbm>> -> memref<1x1x16x80xi32, #tpu.memory_space<hbm>>
    %dma_start3A_31 = tpu.memref_squeeze %dma_start3A_30 : memref<1x1x16x80xi32, #tpu.memory_space<hbm>> -> memref<16x80xi32, #tpu.memory_space<hbm>>
    tpu.enqueue_dma source(%dma_start3A_31 : memref<16x80xi32, #tpu.memory_space<hbm>>) target(%arg7 : memref<16x80xi32, #tpu.memory_space<vmem>>) target_semaphore(%arg24 : memref<!tpu.dma_semaphore, #tpu.memory_space<semaphore_mem>>)
    %dma_start3A_32 = arith.constant 16 : i32
    %dma_start3A_33 = arith.constant 0 : i32
    %dma_start3A_34 = tpu.memref_slice %arg4[%arg1, %dma_start3A_32, %dma_start3A_33] : memref<16x128x80xi32, #tpu.memory_space<hbm>> -> memref<1x16x80xi32, #tpu.memory_space<hbm>>
    %dma_start3A_35 = tpu.memref_squeeze %dma_start3A_34 : memref<1x16x80xi32, #tpu.memory_space<hbm>> -> memref<16x80xi32, #tpu.memory_space<hbm>>
    %dma_start3A_36 = arith.constant 16 : i32
    %dma_start3A_37 = arith.constant 0 : i32
    %dma_start3A_38 = tpu.memref_slice %arg4[%arg1, %dma_start3A_36, %dma_start3A_37] : memref<16x128x80xi32, #tpu.memory_space<hbm>> -> memref<1x16x80xi32, #tpu.memory_space<hbm>>
    %dma_start3A_39 = tpu.memref_squeeze %dma_start3A_38 : memref<1x16x80xi32, #tpu.memory_space<hbm>> -> memref<16x80xi32, #tpu.memory_space<hbm>>
    tpu.enqueue_dma source(%dma_start3A_39 : memref<16x80xi32, #tpu.memory_space<hbm>>) target(%arg9 : memref<16x80xi32, #tpu.memory_space<vmem>>) target_semaphore(%arg26 : memref<!tpu.dma_semaphore, #tpu.memory_space<semaphore_mem>>)
    %dma_wait3A = arith.constant 0 : i32
    %dma_wait3A_40 = arith.constant 0 : i32
    %dma_wait3A_41 = tpu.memref_slice %arg3[%arg0, %arg1, %dma_wait3A, %dma_wait3A_40] : memref<2x16x128x80xi32, #tpu.memory_space<hbm>> -> memref<1x1x16x80xi32, #tpu.memory_space<hbm>>
    %dma_wait3A_42 = tpu.memref_squeeze %dma_wait3A_41 : memref<1x1x16x80xi32, #tpu.memory_space<hbm>> -> memref<16x80xi32, #tpu.memory_space<hbm>>
    %dma_wait3A_43 = arith.constant 0 : i32
    %dma_wait3A_44 = arith.constant 0 : i32
    %dma_wait3A_45 = tpu.memref_slice %arg3[%arg0, %arg1, %dma_wait3A_43, %dma_wait3A_44] : memref<2x16x128x80xi32, #tpu.memory_space<hbm>> -> memref<1x1x16x80xi32, #tpu.memory_space<hbm>>
    %dma_wait3A_46 = tpu.memref_squeeze %dma_wait3A_45 : memref<1x1x16x80xi32, #tpu.memory_space<hbm>> -> memref<16x80xi32, #tpu.memory_space<hbm>>
    tpu.wait_dma2 semaphore(%arg23 : memref<!tpu.dma_semaphore, #tpu.memory_space<semaphore_mem>>) src(%dma_wait3A_46 : memref<16x80xi32, #tpu.memory_space<hbm>>) dst(%arg6 : memref<16x80xi32, #tpu.memory_space<vmem>>)
    %dma_wait3A_47 = arith.constant 0 : i32
    %dma_wait3A_48 = arith.constant 0 : i32
    %dma_wait3A_49 = tpu.memref_slice %arg4[%arg1, %dma_wait3A_47, %dma_wait3A_48] : memref<16x128x80xi32, #tpu.memory_space<hbm>> -> memref<1x16x80xi32, #tpu.memory_space<hbm>>
    %dma_wait3A_50 = tpu.memref_squeeze %dma_wait3A_49 : memref<1x16x80xi32, #tpu.memory_space<hbm>> -> memref<16x80xi32, #tpu.memory_space<hbm>>
    %dma_wait3A_51 = arith.constant 0 : i32
    %dma_wait3A_52 = arith.constant 0 : i32
    %dma_wait3A_53 = tpu.memref_slice %arg4[%arg1, %dma_wait3A_51, %dma_wait3A_52] : memref<16x128x80xi32, #tpu.memory_space<hbm>> -> memref<1x16x80xi32, #tpu.memory_space<hbm>>
    %dma_wait3A_54 = tpu.memref_squeeze %dma_wait3A_53 : memref<1x16x80xi32, #tpu.memory_space<hbm>> -> memref<16x80xi32, #tpu.memory_space<hbm>>
    tpu.wait_dma2 semaphore(%arg25 : memref<!tpu.dma_semaphore, #tpu.memory_space<semaphore_mem>>) src(%dma_wait3A_54 : memref<16x80xi32, #tpu.memory_space<hbm>>) dst(%arg8 : memref<16x80xi32, #tpu.memory_space<vmem>>)
    %rem3A = arith.constant 0 : i32
    %rem3A_55 = arith.constant 16 : i32
    %rem3A_56 = arith.remsi %rem3A, %rem3A_55 : i32
    %rem3A_57 = arith.constant 0 : i32
    %rem3A_58 = arith.constant 2 : i32
    %rem3A_59 = arith.remsi %rem3A_57, %rem3A_58 : i32
    %eq3A_60 = arith.constant 0 : i32
    %eq3A_61 = arith.cmpi eq, %rem3A_59, %eq3A_60 : i32
    %convert_element_type3A_62 = arith.extui %eq3A_61 : i1 to i32
    %cond3A_63 = arith.constant 0 : i32
    %cond3A_64 = arith.cmpi ne, %convert_element_type3A_62, %cond3A_63 : i32
    scf.if %cond3A_64 {
      %dma_start3A_146 = arith.constant 0 : i32
      %dma_start3A_147 = tpu.memref_slice %arg6[%rem3A_56, %dma_start3A_146] : memref<16x80xi32, #tpu.memory_space<vmem>> -> memref<1x80xi32, #tpu.memory_space<vmem>>
      %dma_start3A_148 = tpu.memref_squeeze %dma_start3A_147 : memref<1x80xi32, #tpu.memory_space<vmem>> -> memref<80xi32, #tpu.memory_space<vmem>>
      %dma_start3A_149 = arith.constant 0 : i32
      %dma_start3A_150 = arith.constant 0 : i32
      %dma_start3A_151 = tpu.memref_slice %arg2[%dma_start3A_149, %dma_start3A_150] : memref<20000x128xf32, #tpu.memory_space<hbm>> -> memref<20000x128xf32, #tpu.memory_space<hbm>>
      tpu.enqueue_indirect_dma source(%dma_start3A_151 : memref<20000x128xf32, #tpu.memory_space<hbm>>) target(%arg10 : memref<80x128xf32, #tpu.memory_space<vmem>>) offsets(%dma_start3A_148 : memref<80xi32, #tpu.memory_space<vmem>>) semaphore(%arg15 : memref<!tpu.dma_semaphore, #tpu.memory_space<semaphore_mem>>)
    } else {
    }
    %eq3A_65 = arith.constant 1 : i32
    %eq3A_66 = arith.cmpi eq, %rem3A_59, %eq3A_65 : i32
    %convert_element_type3A_67 = arith.extui %eq3A_66 : i1 to i32
    %cond3A_68 = arith.constant 0 : i32
    %cond3A_69 = arith.cmpi ne, %convert_element_type3A_67, %cond3A_68 : i32
    scf.if %cond3A_69 {
      %dma_start3A_146 = arith.constant 0 : i32
      %dma_start3A_147 = tpu.memref_slice %arg7[%rem3A_56, %dma_start3A_146] : memref<16x80xi32, #tpu.memory_space<vmem>> -> memref<1x80xi32, #tpu.memory_space<vmem>>
      %dma_start3A_148 = tpu.memref_squeeze %dma_start3A_147 : memref<1x80xi32, #tpu.memory_space<vmem>> -> memref<80xi32, #tpu.memory_space<vmem>>
      %dma_start3A_149 = arith.constant 0 : i32
      %dma_start3A_150 = arith.constant 0 : i32
      %dma_start3A_151 = tpu.memref_slice %arg2[%dma_start3A_149, %dma_start3A_150] : memref<20000x128xf32, #tpu.memory_space<hbm>> -> memref<20000x128xf32, #tpu.memory_space<hbm>>
      tpu.enqueue_indirect_dma source(%dma_start3A_151 : memref<20000x128xf32, #tpu.memory_space<hbm>>) target(%arg10 : memref<80x128xf32, #tpu.memory_space<vmem>>) offsets(%dma_start3A_148 : memref<80xi32, #tpu.memory_space<vmem>>) semaphore(%arg15 : memref<!tpu.dma_semaphore, #tpu.memory_space<semaphore_mem>>)
    } else {
    }
    %rem3A_70 = arith.constant 1 : i32
    %rem3A_71 = arith.constant 16 : i32
    %rem3A_72 = arith.remsi %rem3A_70, %rem3A_71 : i32
    %rem3A_73 = arith.constant 0 : i32
    %rem3A_74 = arith.constant 2 : i32
    %rem3A_75 = arith.remsi %rem3A_73, %rem3A_74 : i32
    %eq3A_76 = arith.constant 0 : i32
    %eq3A_77 = arith.cmpi eq, %rem3A_75, %eq3A_76 : i32
    %convert_element_type3A_78 = arith.extui %eq3A_77 : i1 to i32
    %cond3A_79 = arith.constant 0 : i32
    %cond3A_80 = arith.cmpi ne, %convert_element_type3A_78, %cond3A_79 : i32
    scf.if %cond3A_80 {
      %dma_start3A_146 = arith.constant 0 : i32
      %dma_start3A_147 = tpu.memref_slice %arg6[%rem3A_72, %dma_start3A_146] : memref<16x80xi32, #tpu.memory_space<vmem>> -> memref<1x80xi32, #tpu.memory_space<vmem>>
      %dma_start3A_148 = tpu.memref_squeeze %dma_start3A_147 : memref<1x80xi32, #tpu.memory_space<vmem>> -> memref<80xi32, #tpu.memory_space<vmem>>
      %dma_start3A_149 = arith.constant 0 : i32
      %dma_start3A_150 = arith.constant 0 : i32
      %dma_start3A_151 = tpu.memref_slice %arg2[%dma_start3A_149, %dma_start3A_150] : memref<20000x128xf32, #tpu.memory_space<hbm>> -> memref<20000x128xf32, #tpu.memory_space<hbm>>
      tpu.enqueue_indirect_dma source(%dma_start3A_151 : memref<20000x128xf32, #tpu.memory_space<hbm>>) target(%arg11 : memref<80x128xf32, #tpu.memory_space<vmem>>) offsets(%dma_start3A_148 : memref<80xi32, #tpu.memory_space<vmem>>) semaphore(%arg16 : memref<!tpu.dma_semaphore, #tpu.memory_space<semaphore_mem>>)
    } else {
    }
    %eq3A_81 = arith.constant 1 : i32
    %eq3A_82 = arith.cmpi eq, %rem3A_75, %eq3A_81 : i32
    %convert_element_type3A_83 = arith.extui %eq3A_82 : i1 to i32
    %cond3A_84 = arith.constant 0 : i32
    %cond3A_85 = arith.cmpi ne, %convert_element_type3A_83, %cond3A_84 : i32
    scf.if %cond3A_85 {
      %dma_start3A_146 = arith.constant 0 : i32
      %dma_start3A_147 = tpu.memref_slice %arg7[%rem3A_72, %dma_start3A_146] : memref<16x80xi32, #tpu.memory_space<vmem>> -> memref<1x80xi32, #tpu.memory_space<vmem>>
      %dma_start3A_148 = tpu.memref_squeeze %dma_start3A_147 : memref<1x80xi32, #tpu.memory_space<vmem>> -> memref<80xi32, #tpu.memory_space<vmem>>
      %dma_start3A_149 = arith.constant 0 : i32
      %dma_start3A_150 = arith.constant 0 : i32
      %dma_start3A_151 = tpu.memref_slice %arg2[%dma_start3A_149, %dma_start3A_150] : memref<20000x128xf32, #tpu.memory_space<hbm>> -> memref<20000x128xf32, #tpu.memory_space<hbm>>
      tpu.enqueue_indirect_dma source(%dma_start3A_151 : memref<20000x128xf32, #tpu.memory_space<hbm>>) target(%arg11 : memref<80x128xf32, #tpu.memory_space<vmem>>) offsets(%dma_start3A_148 : memref<80xi32, #tpu.memory_space<vmem>>) semaphore(%arg16 : memref<!tpu.dma_semaphore, #tpu.memory_space<semaphore_mem>>)
    } else {
    }
    %rem3A_86 = arith.constant 2 : i32
    %rem3A_87 = arith.constant 16 : i32
    %rem3A_88 = arith.remsi %rem3A_86, %rem3A_87 : i32
    %rem3A_89 = arith.constant 0 : i32
    %rem3A_90 = arith.constant 2 : i32
    %rem3A_91 = arith.remsi %rem3A_89, %rem3A_90 : i32
    %eq3A_92 = arith.constant 0 : i32
    %eq3A_93 = arith.cmpi eq, %rem3A_91, %eq3A_92 : i32
    %convert_element_type3A_94 = arith.extui %eq3A_93 : i1 to i32
    %cond3A_95 = arith.constant 0 : i32
    %cond3A_96 = arith.cmpi ne, %convert_element_type3A_94, %cond3A_95 : i32
    scf.if %cond3A_96 {
      %dma_start3A_146 = arith.constant 0 : i32
      %dma_start3A_147 = tpu.memref_slice %arg6[%rem3A_88, %dma_start3A_146] : memref<16x80xi32, #tpu.memory_space<vmem>> -> memref<1x80xi32, #tpu.memory_space<vmem>>
      %dma_start3A_148 = tpu.memref_squeeze %dma_start3A_147 : memref<1x80xi32, #tpu.memory_space<vmem>> -> memref<80xi32, #tpu.memory_space<vmem>>
      %dma_start3A_149 = arith.constant 0 : i32
      %dma_start3A_150 = arith.constant 0 : i32
      %dma_start3A_151 = tpu.memref_slice %arg2[%dma_start3A_149, %dma_start3A_150] : memref<20000x128xf32, #tpu.memory_space<hbm>> -> memref<20000x128xf32, #tpu.memory_space<hbm>>
      tpu.enqueue_indirect_dma source(%dma_start3A_151 : memref<20000x128xf32, #tpu.memory_space<hbm>>) target(%arg12 : memref<80x128xf32, #tpu.memory_space<vmem>>) offsets(%dma_start3A_148 : memref<80xi32, #tpu.memory_space<vmem>>) semaphore(%arg17 : memref<!tpu.dma_semaphore, #tpu.memory_space<semaphore_mem>>)
    } else {
    }
    %eq3A_97 = arith.constant 1 : i32
    %eq3A_98 = arith.cmpi eq, %rem3A_91, %eq3A_97 : i32
    %convert_element_type3A_99 = arith.extui %eq3A_98 : i1 to i32
    %cond3A_100 = arith.constant 0 : i32
    %cond3A_101 = arith.cmpi ne, %convert_element_type3A_99, %cond3A_100 : i32
    scf.if %cond3A_101 {
      %dma_start3A_146 = arith.constant 0 : i32
      %dma_start3A_147 = tpu.memref_slice %arg7[%rem3A_88, %dma_start3A_146] : memref<16x80xi32, #tpu.memory_space<vmem>> -> memref<1x80xi32, #tpu.memory_space<vmem>>
      %dma_start3A_148 = tpu.memref_squeeze %dma_start3A_147 : memref<1x80xi32, #tpu.memory_space<vmem>> -> memref<80xi32, #tpu.memory_space<vmem>>
      %dma_start3A_149 = arith.constant 0 : i32
      %dma_start3A_150 = arith.constant 0 : i32
      %dma_start3A_151 = tpu.memref_slice %arg2[%dma_start3A_149, %dma_start3A_150] : memref<20000x128xf32, #tpu.memory_space<hbm>> -> memref<20000x128xf32, #tpu.memory_space<hbm>>
      tpu.enqueue_indirect_dma source(%dma_start3A_151 : memref<20000x128xf32, #tpu.memory_space<hbm>>) target(%arg12 : memref<80x128xf32, #tpu.memory_space<vmem>>) offsets(%dma_start3A_148 : memref<80xi32, #tpu.memory_space<vmem>>) semaphore(%arg17 : memref<!tpu.dma_semaphore, #tpu.memory_space<semaphore_mem>>)
    } else {
    }
    %barrier3A = arith.constant 0 : index
    tpu.barrier barrier_id(%barrier3A)
    %scan3A = arith.constant 0 : i32
    %scan3A_102 = arith.constant 0 : i32
    %scan3A_103 = arith.constant 125 : i32
    %scan3A_104 = arith.addi %scan3A_102, %scan3A_103 : i32
    %scan3A_105 = arith.constant 1 : i32
    scf.for %scan3A_146 = %scan3A_102 to %scan3A_104 step %scan3A_105  : i32 {
      %jit3A = arith.constant 4 : i32
      %eq3A_147 = arith.constant 0 : i32
      %eq3A_148 = arith.cmpi eq, %jit3A, %eq3A_147 : i32
      %jit3A_149 = arith.constant 1 : i32
      %select_n3A = arith.select %eq3A_148, %jit3A_149, %jit3A : i32
      %rem3A_150 = arith.remsi %scan3A_146, %select_n3A : i32
      %ne3A = arith.constant 0 : i32
      %ne3A_151 = arith.cmpi ne, %rem3A_150, %ne3A : i32
      %lt3A_152 = arith.constant 0 : i32
      %lt3A_153 = arith.cmpi slt, %rem3A_150, %lt3A_152 : i32
      %lt3A_154 = arith.constant 0 : i32
      %lt3A_155 = arith.cmpi slt, %select_n3A, %lt3A_154 : i32
      %ne3A_156 = arith.xori %lt3A_153, %lt3A_155 : i1
      %and3A = arith.andi %ne3A_156, %ne3A_151 : i1
      %add3A = arith.addi %rem3A_150, %select_n3A : i32
      %select_n3A_157 = arith.select %and3A, %add3A, %rem3A_150 : i32
      %jit3A_158 = arith.constant 16 : i32
      %div3A = arith.divsi %scan3A_146, %jit3A_158 : i32
      %sign3A = arith.constant 0 : i32
      %sign3A_159 = arith.cmpi sgt, %scan3A_146, %sign3A : i32
      %sign3A_160 = arith.extui %sign3A_159 : i1 to i32
      %sign3A_161 = arith.constant 0 : i32
      %sign3A_162 = arith.cmpi slt, %scan3A_146, %sign3A_161 : i32
      %sign3A_163 = arith.extui %sign3A_162 : i1 to i32
      %sign3A_164 = arith.subi %sign3A_160, %sign3A_163 : i32
      %sign3A_165 = arith.constant 0 : i32
      %sign3A_166 = arith.cmpi sgt, %jit3A_158, %sign3A_165 : i32
      %sign3A_167 = arith.extui %sign3A_166 : i1 to i32
      %sign3A_168 = arith.constant 0 : i32
      %sign3A_169 = arith.cmpi slt, %jit3A_158, %sign3A_168 : i32
      %sign3A_170 = arith.extui %sign3A_169 : i1 to i32
      %sign3A_171 = arith.subi %sign3A_167, %sign3A_170 : i32
      %ne3A_172 = arith.cmpi ne, %sign3A_164, %sign3A_171 : i32
      %rem3A_173 = arith.remsi %scan3A_146, %jit3A_158 : i32
      %ne3A_174 = arith.constant 0 : i32
      %ne3A_175 = arith.cmpi ne, %rem3A_173, %ne3A_174 : i32
      %and3A_176 = arith.andi %ne3A_172, %ne3A_175 : i1
      %sub3A = arith.constant 1 : i32
      %sub3A_177 = arith.subi %div3A, %sub3A : i32
      %select_n3A_178 = arith.select %and3A_176, %sub3A_177, %div3A : i32
      %rem3A_179 = arith.constant 16 : i32
      %rem3A_180 = arith.remsi %scan3A_146, %rem3A_179 : i32
      %eq3A_181 = arith.constant 3 : i32
      %eq3A_182 = arith.cmpi eq, %rem3A_180, %eq3A_181 : i32
      %ge3A = arith.constant 16 : i32
      %ge3A_183 = arith.cmpi sge, %scan3A_146, %ge3A : i32
      %and3A_184 = arith.andi %eq3A_182, %ge3A_183 : i1
      %add3A_185 = arith.constant 1 : i32
      %add3A_186 = arith.addi %select_n3A_178, %add3A_185 : i32
      %le3A = arith.constant 7 : i32
      %le3A_187 = arith.cmpi sle, %add3A_186, %le3A : i32
      %and3A_188 = arith.andi %and3A_184, %le3A_187 : i1
      %add3A_189 = arith.constant 1 : i32
      %add3A_190 = arith.addi %select_n3A_178, %add3A_189 : i32
      %rem3A_191 = arith.constant 2 : i32
      %rem3A_192 = arith.remsi %add3A_190, %rem3A_191 : i32
      %eq3A_193 = arith.constant 0 : i32
      %eq3A_194 = arith.cmpi eq, %rem3A_192, %eq3A_193 : i32
      %and3A_195 = arith.andi %and3A_188, %eq3A_194 : i1
      %convert_element_type3A_196 = arith.extui %and3A_195 : i1 to i32
      %cond3A_197 = arith.constant 0 : i32
      %cond3A_198 = arith.cmpi ne, %convert_element_type3A_196, %cond3A_197 : i32
      scf.if %cond3A_198 {
        %add3A_308 = arith.constant 1 : i32
        %add3A_309 = arith.addi %select_n3A_178, %add3A_308 : i32
        %mul3A_310 = arith.constant 16 : i32
        %mul3A_311 = arith.muli %add3A_309, %mul3A_310 : i32
        %dma_start3A_312 = arith.constant 0 : i32
        %dma_start3A_313 = tpu.memref_slice %arg3[%arg0, %arg1, %mul3A_311, %dma_start3A_312] : memref<2x16x128x80xi32, #tpu.memory_space<hbm>> -> memref<1x1x16x80xi32, #tpu.memory_space<hbm>>
        %dma_start3A_314 = tpu.memref_squeeze %dma_start3A_313 : memref<1x1x16x80xi32, #tpu.memory_space<hbm>> -> memref<16x80xi32, #tpu.memory_space<hbm>>
        %dma_start3A_315 = arith.constant 0 : i32
        %dma_start3A_316 = tpu.memref_slice %arg3[%arg0, %arg1, %mul3A_311, %dma_start3A_315] : memref<2x16x128x80xi32, #tpu.memory_space<hbm>> -> memref<1x1x16x80xi32, #tpu.memory_space<hbm>>
        %dma_start3A_317 = tpu.memref_squeeze %dma_start3A_316 : memref<1x1x16x80xi32, #tpu.memory_space<hbm>> -> memref<16x80xi32, #tpu.memory_space<hbm>>
        tpu.enqueue_dma source(%dma_start3A_317 : memref<16x80xi32, #tpu.memory_space<hbm>>) target(%arg6 : memref<16x80xi32, #tpu.memory_space<vmem>>) target_semaphore(%arg23 : memref<!tpu.dma_semaphore, #tpu.memory_space<semaphore_mem>>)
        %mul3A_318 = arith.constant 16 : i32
        %mul3A_319 = arith.muli %add3A_309, %mul3A_318 : i32
        %dma_start3A_320 = arith.constant 0 : i32
        %dma_start3A_321 = tpu.memref_slice %arg4[%arg1, %mul3A_319, %dma_start3A_320] : memref<16x128x80xi32, #tpu.memory_space<hbm>> -> memref<1x16x80xi32, #tpu.memory_space<hbm>>
        %dma_start3A_322 = tpu.memref_squeeze %dma_start3A_321 : memref<1x16x80xi32, #tpu.memory_space<hbm>> -> memref<16x80xi32, #tpu.memory_space<hbm>>
        %dma_start3A_323 = arith.constant 0 : i32
        %dma_start3A_324 = tpu.memref_slice %arg4[%arg1, %mul3A_319, %dma_start3A_323] : memref<16x128x80xi32, #tpu.memory_space<hbm>> -> memref<1x16x80xi32, #tpu.memory_space<hbm>>
        %dma_start3A_325 = tpu.memref_squeeze %dma_start3A_324 : memref<1x16x80xi32, #tpu.memory_space<hbm>> -> memref<16x80xi32, #tpu.memory_space<hbm>>
        tpu.enqueue_dma source(%dma_start3A_325 : memref<16x80xi32, #tpu.memory_space<hbm>>) target(%arg8 : memref<16x80xi32, #tpu.memory_space<vmem>>) target_semaphore(%arg25 : memref<!tpu.dma_semaphore, #tpu.memory_space<semaphore_mem>>)
      } else {
      }
      %add3A_199 = arith.constant 1 : i32
      %add3A_200 = arith.addi %select_n3A_178, %add3A_199 : i32
      %rem3A_201 = arith.constant 2 : i32
      %rem3A_202 = arith.remsi %add3A_200, %rem3A_201 : i32
      %eq3A_203 = arith.constant 1 : i32
      %eq3A_204 = arith.cmpi eq, %rem3A_202, %eq3A_203 : i32
      %and3A_205 = arith.andi %and3A_188, %eq3A_204 : i1
      %convert_element_type3A_206 = arith.extui %and3A_205 : i1 to i32
      %cond3A_207 = arith.constant 0 : i32
      %cond3A_208 = arith.cmpi ne, %convert_element_type3A_206, %cond3A_207 : i32
      scf.if %cond3A_208 {
        %add3A_308 = arith.constant 1 : i32
        %add3A_309 = arith.addi %select_n3A_178, %add3A_308 : i32
        %mul3A_310 = arith.constant 16 : i32
        %mul3A_311 = arith.muli %add3A_309, %mul3A_310 : i32
        %dma_start3A_312 = arith.constant 0 : i32
        %dma_start3A_313 = tpu.memref_slice %arg3[%arg0, %arg1, %mul3A_311, %dma_start3A_312] : memref<2x16x128x80xi32, #tpu.memory_space<hbm>> -> memref<1x1x16x80xi32, #tpu.memory_space<hbm>>
        %dma_start3A_314 = tpu.memref_squeeze %dma_start3A_313 : memref<1x1x16x80xi32, #tpu.memory_space<hbm>> -> memref<16x80xi32, #tpu.memory_space<hbm>>
        %dma_start3A_315 = arith.constant 0 : i32
        %dma_start3A_316 = tpu.memref_slice %arg3[%arg0, %arg1, %mul3A_311, %dma_start3A_315] : memref<2x16x128x80xi32, #tpu.memory_space<hbm>> -> memref<1x1x16x80xi32, #tpu.memory_space<hbm>>
        %dma_start3A_317 = tpu.memref_squeeze %dma_start3A_316 : memref<1x1x16x80xi32, #tpu.memory_space<hbm>> -> memref<16x80xi32, #tpu.memory_space<hbm>>
        tpu.enqueue_dma source(%dma_start3A_317 : memref<16x80xi32, #tpu.memory_space<hbm>>) target(%arg7 : memref<16x80xi32, #tpu.memory_space<vmem>>) target_semaphore(%arg24 : memref<!tpu.dma_semaphore, #tpu.memory_space<semaphore_mem>>)
        %mul3A_318 = arith.constant 16 : i32
        %mul3A_319 = arith.muli %add3A_309, %mul3A_318 : i32
        %dma_start3A_320 = arith.constant 0 : i32
        %dma_start3A_321 = tpu.memref_slice %arg4[%arg1, %mul3A_319, %dma_start3A_320] : memref<16x128x80xi32, #tpu.memory_space<hbm>> -> memref<1x16x80xi32, #tpu.memory_space<hbm>>
        %dma_start3A_322 = tpu.memref_squeeze %dma_start3A_321 : memref<1x16x80xi32, #tpu.memory_space<hbm>> -> memref<16x80xi32, #tpu.memory_space<hbm>>
        %dma_start3A_323 = arith.constant 0 : i32
        %dma_start3A_324 = tpu.memref_slice %arg4[%arg1, %mul3A_319, %dma_start3A_323] : memref<16x128x80xi32, #tpu.memory_space<hbm>> -> memref<1x16x80xi32, #tpu.memory_space<hbm>>
        %dma_start3A_325 = tpu.memref_squeeze %dma_start3A_324 : memref<1x16x80xi32, #tpu.memory_space<hbm>> -> memref<16x80xi32, #tpu.memory_space<hbm>>
        tpu.enqueue_dma source(%dma_start3A_325 : memref<16x80xi32, #tpu.memory_space<hbm>>) target(%arg9 : memref<16x80xi32, #tpu.memory_space<vmem>>) target_semaphore(%arg26 : memref<!tpu.dma_semaphore, #tpu.memory_space<semaphore_mem>>)
      } else {
      }
      %add3A_209 = arith.constant 3 : i32
      %add3A_210 = arith.addi %scan3A_146, %add3A_209 : i32
      %lt3A_211 = arith.constant 125 : i32
      %lt3A_212 = arith.cmpi slt, %add3A_210, %lt3A_211 : i32
      %add3A_213 = arith.constant 3 : i32
      %add3A_214 = arith.addi %scan3A_146, %add3A_213 : i32
      %rem3A_215 = arith.constant 16 : i32
      %rem3A_216 = arith.remsi %add3A_214, %rem3A_215 : i32
      %eq3A_217 = arith.constant 0 : i32
      %eq3A_218 = arith.cmpi eq, %rem3A_216, %eq3A_217 : i32
      %and3A_219 = arith.andi %lt3A_212, %eq3A_218 : i1
      %add3A_220 = arith.constant 3 : i32
      %add3A_221 = arith.addi %scan3A_146, %add3A_220 : i32
      %jit3A_222 = arith.constant 16 : i32
      %div3A_223 = arith.divsi %add3A_221, %jit3A_222 : i32
      %sign3A_224 = arith.constant 0 : i32
      %sign3A_225 = arith.cmpi sgt, %add3A_221, %sign3A_224 : i32
      %sign3A_226 = arith.extui %sign3A_225 : i1 to i32
      %sign3A_227 = arith.constant 0 : i32
      %sign3A_228 = arith.cmpi slt, %add3A_221, %sign3A_227 : i32
      %sign3A_229 = arith.extui %sign3A_228 : i1 to i32
      %sign3A_230 = arith.subi %sign3A_226, %sign3A_229 : i32
      %sign3A_231 = arith.constant 0 : i32
      %sign3A_232 = arith.cmpi sgt, %jit3A_222, %sign3A_231 : i32
      %sign3A_233 = arith.extui %sign3A_232 : i1 to i32
      %sign3A_234 = arith.constant 0 : i32
      %sign3A_235 = arith.cmpi slt, %jit3A_222, %sign3A_234 : i32
      %sign3A_236 = arith.extui %sign3A_235 : i1 to i32
      %sign3A_237 = arith.subi %sign3A_233, %sign3A_236 : i32
      %ne3A_238 = arith.cmpi ne, %sign3A_230, %sign3A_237 : i32
      %rem3A_239 = arith.remsi %add3A_221, %jit3A_222 : i32
      %ne3A_240 = arith.constant 0 : i32
      %ne3A_241 = arith.cmpi ne, %rem3A_239, %ne3A_240 : i32
      %and3A_242 = arith.andi %ne3A_238, %ne3A_241 : i1
      %sub3A_243 = arith.constant 1 : i32
      %sub3A_244 = arith.subi %div3A_223, %sub3A_243 : i32
      %select_n3A_245 = arith.select %and3A_242, %sub3A_244, %div3A_223 : i32
      %rem3A_246 = arith.constant 2 : i32
      %rem3A_247 = arith.remsi %select_n3A_245, %rem3A_246 : i32
      %eq3A_248 = arith.constant 0 : i32
      %eq3A_249 = arith.cmpi eq, %rem3A_247, %eq3A_248 : i32
      %and3A_250 = arith.andi %and3A_219, %eq3A_249 : i1
      %convert_element_type3A_251 = arith.extui %and3A_250 : i1 to i32
      %cond3A_252 = arith.constant 0 : i32
      %cond3A_253 = arith.cmpi ne, %convert_element_type3A_251, %cond3A_252 : i32
      scf.if %cond3A_253 {
        %dma_wait3A_308 = arith.constant 0 : i32
        %dma_wait3A_309 = arith.constant 0 : i32
        %dma_wait3A_310 = tpu.memref_slice %arg3[%arg0, %arg1, %dma_wait3A_308, %dma_wait3A_309] : memref<2x16x128x80xi32, #tpu.memory_space<hbm>> -> memref<1x1x16x80xi32, #tpu.memory_space<hbm>>
        %dma_wait3A_311 = tpu.memref_squeeze %dma_wait3A_310 : memref<1x1x16x80xi32, #tpu.memory_space<hbm>> -> memref<16x80xi32, #tpu.memory_space<hbm>>
        %dma_wait3A_312 = arith.constant 0 : i32
        %dma_wait3A_313 = arith.constant 0 : i32
        %dma_wait3A_314 = tpu.memref_slice %arg3[%arg0, %arg1, %dma_wait3A_312, %dma_wait3A_313] : memref<2x16x128x80xi32, #tpu.memory_space<hbm>> -> memref<1x1x16x80xi32, #tpu.memory_space<hbm>>
        %dma_wait3A_315 = tpu.memref_squeeze %dma_wait3A_314 : memref<1x1x16x80xi32, #tpu.memory_space<hbm>> -> memref<16x80xi32, #tpu.memory_space<hbm>>
        tpu.wait_dma2 semaphore(%arg23 : memref<!tpu.dma_semaphore, #tpu.memory_space<semaphore_mem>>) src(%dma_wait3A_315 : memref<16x80xi32, #tpu.memory_space<hbm>>) dst(%arg6 : memref<16x80xi32, #tpu.memory_space<vmem>>)
        %dma_wait3A_316 = arith.constant 0 : i32
        %dma_wait3A_317 = arith.constant 0 : i32
        %dma_wait3A_318 = tpu.memref_slice %arg4[%arg1, %dma_wait3A_316, %dma_wait3A_317] : memref<16x128x80xi32, #tpu.memory_space<hbm>> -> memref<1x16x80xi32, #tpu.memory_space<hbm>>
        %dma_wait3A_319 = tpu.memref_squeeze %dma_wait3A_318 : memref<1x16x80xi32, #tpu.memory_space<hbm>> -> memref<16x80xi32, #tpu.memory_space<hbm>>
        %dma_wait3A_320 = arith.constant 0 : i32
        %dma_wait3A_321 = arith.constant 0 : i32
        %dma_wait3A_322 = tpu.memref_slice %arg4[%arg1, %dma_wait3A_320, %dma_wait3A_321] : memref<16x128x80xi32, #tpu.memory_space<hbm>> -> memref<1x16x80xi32, #tpu.memory_space<hbm>>
        %dma_wait3A_323 = tpu.memref_squeeze %dma_wait3A_322 : memref<1x16x80xi32, #tpu.memory_space<hbm>> -> memref<16x80xi32, #tpu.memory_space<hbm>>
        tpu.wait_dma2 semaphore(%arg25 : memref<!tpu.dma_semaphore, #tpu.memory_space<semaphore_mem>>) src(%dma_wait3A_323 : memref<16x80xi32, #tpu.memory_space<hbm>>) dst(%arg8 : memref<16x80xi32, #tpu.memory_space<vmem>>)
      } else {
      }
      %add3A_254 = arith.constant 3 : i32
      %add3A_255 = arith.addi %scan3A_146, %add3A_254 : i32
      %jit3A_256 = arith.constant 16 : i32
      %div3A_257 = arith.divsi %add3A_255, %jit3A_256 : i32
      %sign3A_258 = arith.constant 0 : i32
      %sign3A_259 = arith.cmpi sgt, %add3A_255, %sign3A_258 : i32
      %sign3A_260 = arith.extui %sign3A_259 : i1 to i32
      %sign3A_261 = arith.constant 0 : i32
      %sign3A_262 = arith.cmpi slt, %add3A_255, %sign3A_261 : i32
      %sign3A_263 = arith.extui %sign3A_262 : i1 to i32
      %sign3A_264 = arith.subi %sign3A_260, %sign3A_263 : i32
      %sign3A_265 = arith.constant 0 : i32
      %sign3A_266 = arith.cmpi sgt, %jit3A_256, %sign3A_265 : i32
      %sign3A_267 = arith.extui %sign3A_266 : i1 to i32
      %sign3A_268 = arith.constant 0 : i32
      %sign3A_269 = arith.cmpi slt, %jit3A_256, %sign3A_268 : i32
      %sign3A_270 = arith.extui %sign3A_269 : i1 to i32
      %sign3A_271 = arith.subi %sign3A_267, %sign3A_270 : i32
      %ne3A_272 = arith.cmpi ne, %sign3A_264, %sign3A_271 : i32
      %rem3A_273 = arith.remsi %add3A_255, %jit3A_256 : i32
      %ne3A_274 = arith.constant 0 : i32
      %ne3A_275 = arith.cmpi ne, %rem3A_273, %ne3A_274 : i32
      %and3A_276 = arith.andi %ne3A_272, %ne3A_275 : i1
      %sub3A_277 = arith.constant 1 : i32
      %sub3A_278 = arith.subi %div3A_257, %sub3A_277 : i32
      %select_n3A_279 = arith.select %and3A_276, %sub3A_278, %div3A_257 : i32
      %rem3A_280 = arith.constant 2 : i32
      %rem3A_281 = arith.remsi %select_n3A_279, %rem3A_280 : i32
      %eq3A_282 = arith.constant 1 : i32
      %eq3A_283 = arith.cmpi eq, %rem3A_281, %eq3A_282 : i32
      %and3A_284 = arith.andi %and3A_219, %eq3A_283 : i1
      %convert_element_type3A_285 = arith.extui %and3A_284 : i1 to i32
      %cond3A_286 = arith.constant 0 : i32
      %cond3A_287 = arith.cmpi ne, %convert_element_type3A_285, %cond3A_286 : i32
      scf.if %cond3A_287 {
        %dma_wait3A_308 = arith.constant 0 : i32
        %dma_wait3A_309 = arith.constant 0 : i32
        %dma_wait3A_310 = tpu.memref_slice %arg3[%arg0, %arg1, %dma_wait3A_308, %dma_wait3A_309] : memref<2x16x128x80xi32, #tpu.memory_space<hbm>> -> memref<1x1x16x80xi32, #tpu.memory_space<hbm>>
        %dma_wait3A_311 = tpu.memref_squeeze %dma_wait3A_310 : memref<1x1x16x80xi32, #tpu.memory_space<hbm>> -> memref<16x80xi32, #tpu.memory_space<hbm>>
        %dma_wait3A_312 = arith.constant 0 : i32
        %dma_wait3A_313 = arith.constant 0 : i32
        %dma_wait3A_314 = tpu.memref_slice %arg3[%arg0, %arg1, %dma_wait3A_312, %dma_wait3A_313] : memref<2x16x128x80xi32, #tpu.memory_space<hbm>> -> memref<1x1x16x80xi32, #tpu.memory_space<hbm>>
        %dma_wait3A_315 = tpu.memref_squeeze %dma_wait3A_314 : memref<1x1x16x80xi32, #tpu.memory_space<hbm>> -> memref<16x80xi32, #tpu.memory_space<hbm>>
        tpu.wait_dma2 semaphore(%arg24 : memref<!tpu.dma_semaphore, #tpu.memory_space<semaphore_mem>>) src(%dma_wait3A_315 : memref<16x80xi32, #tpu.memory_space<hbm>>) dst(%arg7 : memref<16x80xi32, #tpu.memory_space<vmem>>)
        %dma_wait3A_316 = arith.constant 0 : i32
        %dma_wait3A_317 = arith.constant 0 : i32
        %dma_wait3A_318 = tpu.memref_slice %arg4[%arg1, %dma_wait3A_316, %dma_wait3A_317] : memref<16x128x80xi32, #tpu.memory_space<hbm>> -> memref<1x16x80xi32, #tpu.memory_space<hbm>>
        %dma_wait3A_319 = tpu.memref_squeeze %dma_wait3A_318 : memref<1x16x80xi32, #tpu.memory_space<hbm>> -> memref<16x80xi32, #tpu.memory_space<hbm>>
        %dma_wait3A_320 = arith.constant 0 : i32
        %dma_wait3A_321 = arith.constant 0 : i32
        %dma_wait3A_322 = tpu.memref_slice %arg4[%arg1, %dma_wait3A_320, %dma_wait3A_321] : memref<16x128x80xi32, #tpu.memory_space<hbm>> -> memref<1x16x80xi32, #tpu.memory_space<hbm>>
        %dma_wait3A_323 = tpu.memref_squeeze %dma_wait3A_322 : memref<1x16x80xi32, #tpu.memory_space<hbm>> -> memref<16x80xi32, #tpu.memory_space<hbm>>
        tpu.wait_dma2 semaphore(%arg26 : memref<!tpu.dma_semaphore, #tpu.memory_space<semaphore_mem>>) src(%dma_wait3A_323 : memref<16x80xi32, #tpu.memory_space<hbm>>) dst(%arg9 : memref<16x80xi32, #tpu.memory_space<vmem>>)
      } else {
      }
      %eq3A_288 = arith.constant 0 : i32
      %eq3A_289 = arith.cmpi eq, %select_n3A_157, %eq3A_288 : i32
      %convert_element_type3A_290 = arith.extui %eq3A_289 : i1 to i32
      %cond3A_291 = arith.constant 0 : i32
      %cond3A_292 = arith.cmpi ne, %convert_element_type3A_290, %cond3A_291 : i32
      scf.if %cond3A_292 {
        %dma_wait3A_308 = arith.constant 0 : i32
        %dma_wait3A_309 = arith.constant 0 : i32
        %dma_wait3A_310 = tpu.memref_slice %arg6[%dma_wait3A_308, %dma_wait3A_309] : memref<16x80xi32, #tpu.memory_space<vmem>> -> memref<1x80xi32, #tpu.memory_space<vmem>>
        %dma_wait3A_311 = tpu.memref_squeeze %dma_wait3A_310 : memref<1x80xi32, #tpu.memory_space<vmem>> -> memref<80xi32, #tpu.memory_space<vmem>>
        %dma_wait3A_312 = arith.constant 0 : i32
        %dma_wait3A_313 = arith.constant 0 : i32
        %dma_wait3A_314 = tpu.memref_slice %arg2[%dma_wait3A_312, %dma_wait3A_313] : memref<20000x128xf32, #tpu.memory_space<hbm>> -> memref<20000x128xf32, #tpu.memory_space<hbm>>
        tpu.wait_indirect_dma semaphore(%arg15 : memref<!tpu.dma_semaphore, #tpu.memory_space<semaphore_mem>>) src(%dma_wait3A_314 : memref<20000x128xf32, #tpu.memory_space<hbm>>) dst(%arg10 : memref<80x128xf32, #tpu.memory_space<vmem>>)
        %rem3A_315 = arith.constant 16 : i32
        %rem3A_316 = arith.remsi %scan3A_146, %rem3A_315 : i32
        %jit3A_317 = arith.constant 16 : i32
        %div3A_318 = arith.divsi %scan3A_146, %jit3A_317 : i32
        %sign3A_319 = arith.constant 0 : i32
        %sign3A_320 = arith.cmpi sgt, %scan3A_146, %sign3A_319 : i32
        %sign3A_321 = arith.extui %sign3A_320 : i1 to i32
        %sign3A_322 = arith.constant 0 : i32
        %sign3A_323 = arith.cmpi slt, %scan3A_146, %sign3A_322 : i32
        %sign3A_324 = arith.extui %sign3A_323 : i1 to i32
        %sign3A_325 = arith.subi %sign3A_321, %sign3A_324 : i32
        %sign3A_326 = arith.constant 0 : i32
        %sign3A_327 = arith.cmpi sgt, %jit3A_317, %sign3A_326 : i32
        %sign3A_328 = arith.extui %sign3A_327 : i1 to i32
        %sign3A_329 = arith.constant 0 : i32
        %sign3A_330 = arith.cmpi slt, %jit3A_317, %sign3A_329 : i32
        %sign3A_331 = arith.extui %sign3A_330 : i1 to i32
        %sign3A_332 = arith.subi %sign3A_328, %sign3A_331 : i32
        %ne3A_333 = arith.cmpi ne, %sign3A_325, %sign3A_332 : i32
        %rem3A_334 = arith.remsi %scan3A_146, %jit3A_317 : i32
        %ne3A_335 = arith.constant 0 : i32
        %ne3A_336 = arith.cmpi ne, %rem3A_334, %ne3A_335 : i32
        %and3A_337 = arith.andi %ne3A_333, %ne3A_336 : i1
        %sub3A_338 = arith.constant 1 : i32
        %sub3A_339 = arith.subi %div3A_318, %sub3A_338 : i32
        %select_n3A_340 = arith.select %and3A_337, %sub3A_339, %div3A_318 : i32
        %rem3A_341 = arith.constant 2 : i32
        %rem3A_342 = arith.remsi %select_n3A_340, %rem3A_341 : i32
        %eq3A_343 = arith.constant 0 : i32
        %eq3A_344 = arith.cmpi eq, %rem3A_342, %eq3A_343 : i32
        %convert_element_type3A_345 = arith.extui %eq3A_344 : i1 to i32
        %cond3A_346 = arith.constant 0 : i32
        %cond3A_347 = arith.cmpi ne, %convert_element_type3A_345, %cond3A_346 : i32
        scf.if %cond3A_347 {
          %dma_start3A_360 = arith.constant 0 : i32
          %dma_start3A_361 = tpu.memref_slice %arg8[%rem3A_316, %dma_start3A_360] : memref<16x80xi32, #tpu.memory_space<vmem>> -> memref<1x80xi32, #tpu.memory_space<vmem>>
          %dma_start3A_362 = tpu.memref_squeeze %dma_start3A_361 : memref<1x80xi32, #tpu.memory_space<vmem>> -> memref<80xi32, #tpu.memory_space<vmem>>
          %dma_start3A_363 = arith.constant 0 : i32
          %dma_start3A_364 = arith.constant 0 : i32
          %dma_start3A_365 = tpu.memref_slice %arg14[%dma_start3A_363, %dma_start3A_364] : memref<10000x128xf32, #tpu.memory_space<vmem_shared>> -> memref<10000x128xf32, #tpu.memory_space<vmem_shared>>
          tpu.enqueue_indirect_dma source(%arg10 : memref<80x128xf32, #tpu.memory_space<vmem>>) target(%dma_start3A_365 : memref<10000x128xf32, #tpu.memory_space<vmem_shared>>) offsets(%dma_start3A_362 : memref<80xi32, #tpu.memory_space<vmem>>) semaphore(%arg19 : memref<!tpu.dma_semaphore, #tpu.memory_space<semaphore_mem>>) {add = true}
        } else {
        }
        %eq3A_348 = arith.constant 1 : i32
        %eq3A_349 = arith.cmpi eq, %rem3A_342, %eq3A_348 : i32
        %convert_element_type3A_350 = arith.extui %eq3A_349 : i1 to i32
        %cond3A_351 = arith.constant 0 : i32
        %cond3A_352 = arith.cmpi ne, %convert_element_type3A_350, %cond3A_351 : i32
        scf.if %cond3A_352 {
          %dma_start3A_360 = arith.constant 0 : i32
          %dma_start3A_361 = tpu.memref_slice %arg9[%rem3A_316, %dma_start3A_360] : memref<16x80xi32, #tpu.memory_space<vmem>> -> memref<1x80xi32, #tpu.memory_space<vmem>>
          %dma_start3A_362 = tpu.memref_squeeze %dma_start3A_361 : memref<1x80xi32, #tpu.memory_space<vmem>> -> memref<80xi32, #tpu.memory_space<vmem>>
          %dma_start3A_363 = arith.constant 0 : i32
          %dma_start3A_364 = arith.constant 0 : i32
          %dma_start3A_365 = tpu.memref_slice %arg14[%dma_start3A_363, %dma_start3A_364] : memref<10000x128xf32, #tpu.memory_space<vmem_shared>> -> memref<10000x128xf32, #tpu.memory_space<vmem_shared>>
          tpu.enqueue_indirect_dma source(%arg10 : memref<80x128xf32, #tpu.memory_space<vmem>>) target(%dma_start3A_365 : memref<10000x128xf32, #tpu.memory_space<vmem_shared>>) offsets(%dma_start3A_362 : memref<80xi32, #tpu.memory_space<vmem>>) semaphore(%arg19 : memref<!tpu.dma_semaphore, #tpu.memory_space<semaphore_mem>>) {add = true}
        } else {
        }
        %add3A_353 = arith.constant 3 : i32
        %add3A_354 = arith.addi %scan3A_146, %add3A_353 : i32
        %lt3A_355 = arith.constant 125 : i32
        %lt3A_356 = arith.cmpi slt, %add3A_354, %lt3A_355 : i32
        %convert_element_type3A_357 = arith.extui %lt3A_356 : i1 to i32
        %cond3A_358 = arith.constant 0 : i32
        %cond3A_359 = arith.cmpi ne, %convert_element_type3A_357, %cond3A_358 : i32
        scf.if %cond3A_359 {
          %ge3A_360 = arith.constant 1 : i32
          %ge3A_361 = arith.cmpi sge, %scan3A_146, %ge3A_360 : i32
          %convert_element_type3A_362 = arith.extui %ge3A_361 : i1 to i32
          %cond3A_363 = arith.constant 0 : i32
          %cond3A_364 = arith.cmpi ne, %convert_element_type3A_362, %cond3A_363 : i32
          scf.if %cond3A_364 {
            %dma_wait3A_405 = arith.constant 0 : i32
            %dma_wait3A_406 = arith.constant 0 : i32
            %dma_wait3A_407 = tpu.memref_slice %arg8[%dma_wait3A_405, %dma_wait3A_406] : memref<16x80xi32, #tpu.memory_space<vmem>> -> memref<1x80xi32, #tpu.memory_space<vmem>>
            %dma_wait3A_408 = tpu.memref_squeeze %dma_wait3A_407 : memref<1x80xi32, #tpu.memory_space<vmem>> -> memref<80xi32, #tpu.memory_space<vmem>>
            %dma_wait3A_409 = arith.constant 0 : i32
            %dma_wait3A_410 = arith.constant 0 : i32
            %dma_wait3A_411 = tpu.memref_slice %arg14[%dma_wait3A_409, %dma_wait3A_410] : memref<10000x128xf32, #tpu.memory_space<vmem_shared>> -> memref<10000x128xf32, #tpu.memory_space<vmem_shared>>
            tpu.wait_indirect_dma semaphore(%arg22 : memref<!tpu.dma_semaphore, #tpu.memory_space<semaphore_mem>>) src(%arg13 : memref<80x128xf32, #tpu.memory_space<vmem>>) dst(%dma_wait3A_411 : memref<10000x128xf32, #tpu.memory_space<vmem_shared>>)
          } else {
          }
          %add3A_365 = arith.constant 3 : i32
          %add3A_366 = arith.addi %scan3A_146, %add3A_365 : i32
          %rem3A_367 = arith.constant 16 : i32
          %rem3A_368 = arith.remsi %add3A_366, %rem3A_367 : i32
          %jit3A_369 = arith.constant 16 : i32
          %div3A_370 = arith.divsi %add3A_366, %jit3A_369 : i32
          %sign3A_371 = arith.constant 0 : i32
          %sign3A_372 = arith.cmpi sgt, %add3A_366, %sign3A_371 : i32
          %sign3A_373 = arith.extui %sign3A_372 : i1 to i32
          %sign3A_374 = arith.constant 0 : i32
          %sign3A_375 = arith.cmpi slt, %add3A_366, %sign3A_374 : i32
          %sign3A_376 = arith.extui %sign3A_375 : i1 to i32
          %sign3A_377 = arith.subi %sign3A_373, %sign3A_376 : i32
          %sign3A_378 = arith.constant 0 : i32
          %sign3A_379 = arith.cmpi sgt, %jit3A_369, %sign3A_378 : i32
          %sign3A_380 = arith.extui %sign3A_379 : i1 to i32
          %sign3A_381 = arith.constant 0 : i32
          %sign3A_382 = arith.cmpi slt, %jit3A_369, %sign3A_381 : i32
          %sign3A_383 = arith.extui %sign3A_382 : i1 to i32
          %sign3A_384 = arith.subi %sign3A_380, %sign3A_383 : i32
          %ne3A_385 = arith.cmpi ne, %sign3A_377, %sign3A_384 : i32
          %rem3A_386 = arith.remsi %add3A_366, %jit3A_369 : i32
          %ne3A_387 = arith.constant 0 : i32
          %ne3A_388 = arith.cmpi ne, %rem3A_386, %ne3A_387 : i32
          %and3A_389 = arith.andi %ne3A_385, %ne3A_388 : i1
          %sub3A_390 = arith.constant 1 : i32
          %sub3A_391 = arith.subi %div3A_370, %sub3A_390 : i32
          %select_n3A_392 = arith.select %and3A_389, %sub3A_391, %div3A_370 : i32
          %rem3A_393 = arith.constant 2 : i32
          %rem3A_394 = arith.remsi %select_n3A_392, %rem3A_393 : i32
          %eq3A_395 = arith.constant 0 : i32
          %eq3A_396 = arith.cmpi eq, %rem3A_394, %eq3A_395 : i32
          %convert_element_type3A_397 = arith.extui %eq3A_396 : i1 to i32
          %cond3A_398 = arith.constant 0 : i32
          %cond3A_399 = arith.cmpi ne, %convert_element_type3A_397, %cond3A_398 : i32
          scf.if %cond3A_399 {
            %dma_start3A_405 = arith.constant 0 : i32
            %dma_start3A_406 = tpu.memref_slice %arg6[%rem3A_368, %dma_start3A_405] : memref<16x80xi32, #tpu.memory_space<vmem>> -> memref<1x80xi32, #tpu.memory_space<vmem>>
            %dma_start3A_407 = tpu.memref_squeeze %dma_start3A_406 : memref<1x80xi32, #tpu.memory_space<vmem>> -> memref<80xi32, #tpu.memory_space<vmem>>
            %dma_start3A_408 = arith.constant 0 : i32
            %dma_start3A_409 = arith.constant 0 : i32
            %dma_start3A_410 = tpu.memref_slice %arg2[%dma_start3A_408, %dma_start3A_409] : memref<20000x128xf32, #tpu.memory_space<hbm>> -> memref<20000x128xf32, #tpu.memory_space<hbm>>
            tpu.enqueue_indirect_dma source(%dma_start3A_410 : memref<20000x128xf32, #tpu.memory_space<hbm>>) target(%arg13 : memref<80x128xf32, #tpu.memory_space<vmem>>) offsets(%dma_start3A_407 : memref<80xi32, #tpu.memory_space<vmem>>) semaphore(%arg18 : memref<!tpu.dma_semaphore, #tpu.memory_space<semaphore_mem>>)
          } else {
          }
          %eq3A_400 = arith.constant 1 : i32
          %eq3A_401 = arith.cmpi eq, %rem3A_394, %eq3A_400 : i32
          %convert_element_type3A_402 = arith.extui %eq3A_401 : i1 to i32
          %cond3A_403 = arith.constant 0 : i32
          %cond3A_404 = arith.cmpi ne, %convert_element_type3A_402, %cond3A_403 : i32
          scf.if %cond3A_404 {
            %dma_start3A_405 = arith.constant 0 : i32
            %dma_start3A_406 = tpu.memref_slice %arg7[%rem3A_368, %dma_start3A_405] : memref<16x80xi32, #tpu.memory_space<vmem>> -> memref<1x80xi32, #tpu.memory_space<vmem>>
            %dma_start3A_407 = tpu.memref_squeeze %dma_start3A_406 : memref<1x80xi32, #tpu.memory_space<vmem>> -> memref<80xi32, #tpu.memory_space<vmem>>
            %dma_start3A_408 = arith.constant 0 : i32
            %dma_start3A_409 = arith.constant 0 : i32
            %dma_start3A_410 = tpu.memref_slice %arg2[%dma_start3A_408, %dma_start3A_409] : memref<20000x128xf32, #tpu.memory_space<hbm>> -> memref<20000x128xf32, #tpu.memory_space<hbm>>
            tpu.enqueue_indirect_dma source(%dma_start3A_410 : memref<20000x128xf32, #tpu.memory_space<hbm>>) target(%arg13 : memref<80x128xf32, #tpu.memory_space<vmem>>) offsets(%dma_start3A_407 : memref<80xi32, #tpu.memory_space<vmem>>) semaphore(%arg18 : memref<!tpu.dma_semaphore, #tpu.memory_space<semaphore_mem>>)
          } else {
          }
        } else {
        }
      } else {
      }
      %eq3A_293 = arith.constant 1 : i32
      %eq3A_294 = arith.cmpi eq, %select_n3A_157, %eq3A_293 : i32
      %convert_element_type3A_295 = arith.extui %eq3A_294 : i1 to i32
      %cond3A_296 = arith.constant 0 : i32
      %cond3A_297 = arith.cmpi ne, %convert_element_type3A_295, %cond3A_296 : i32
      scf.if %cond3A_297 {
        %dma_wait3A_308 = arith.constant 0 : i32
        %dma_wait3A_309 = arith.constant 0 : i32
        %dma_wait3A_310 = tpu.memref_slice %arg6[%dma_wait3A_308, %dma_wait3A_309] : memref<16x80xi32, #tpu.memory_space<vmem>> -> memref<1x80xi32, #tpu.memory_space<vmem>>
        %dma_wait3A_311 = tpu.memref_squeeze %dma_wait3A_310 : memref<1x80xi32, #tpu.memory_space<vmem>> -> memref<80xi32, #tpu.memory_space<vmem>>
        %dma_wait3A_312 = arith.constant 0 : i32
        %dma_wait3A_313 = arith.constant 0 : i32
        %dma_wait3A_314 = tpu.memref_slice %arg2[%dma_wait3A_312, %dma_wait3A_313] : memref<20000x128xf32, #tpu.memory_space<hbm>> -> memref<20000x128xf32, #tpu.memory_space<hbm>>
        tpu.wait_indirect_dma semaphore(%arg16 : memref<!tpu.dma_semaphore, #tpu.memory_space<semaphore_mem>>) src(%dma_wait3A_314 : memref<20000x128xf32, #tpu.memory_space<hbm>>) dst(%arg11 : memref<80x128xf32, #tpu.memory_space<vmem>>)
        %rem3A_315 = arith.constant 16 : i32
        %rem3A_316 = arith.remsi %scan3A_146, %rem3A_315 : i32
        %jit3A_317 = arith.constant 16 : i32
        %div3A_318 = arith.divsi %scan3A_146, %jit3A_317 : i32
        %sign3A_319 = arith.constant 0 : i32
        %sign3A_320 = arith.cmpi sgt, %scan3A_146, %sign3A_319 : i32
        %sign3A_321 = arith.extui %sign3A_320 : i1 to i32
        %sign3A_322 = arith.constant 0 : i32
        %sign3A_323 = arith.cmpi slt, %scan3A_146, %sign3A_322 : i32
        %sign3A_324 = arith.extui %sign3A_323 : i1 to i32
        %sign3A_325 = arith.subi %sign3A_321, %sign3A_324 : i32
        %sign3A_326 = arith.constant 0 : i32
        %sign3A_327 = arith.cmpi sgt, %jit3A_317, %sign3A_326 : i32
        %sign3A_328 = arith.extui %sign3A_327 : i1 to i32
        %sign3A_329 = arith.constant 0 : i32
        %sign3A_330 = arith.cmpi slt, %jit3A_317, %sign3A_329 : i32
        %sign3A_331 = arith.extui %sign3A_330 : i1 to i32
        %sign3A_332 = arith.subi %sign3A_328, %sign3A_331 : i32
        %ne3A_333 = arith.cmpi ne, %sign3A_325, %sign3A_332 : i32
        %rem3A_334 = arith.remsi %scan3A_146, %jit3A_317 : i32
        %ne3A_335 = arith.constant 0 : i32
        %ne3A_336 = arith.cmpi ne, %rem3A_334, %ne3A_335 : i32
        %and3A_337 = arith.andi %ne3A_333, %ne3A_336 : i1
        %sub3A_338 = arith.constant 1 : i32
        %sub3A_339 = arith.subi %div3A_318, %sub3A_338 : i32
        %select_n3A_340 = arith.select %and3A_337, %sub3A_339, %div3A_318 : i32
        %rem3A_341 = arith.constant 2 : i32
        %rem3A_342 = arith.remsi %select_n3A_340, %rem3A_341 : i32
        %eq3A_343 = arith.constant 0 : i32
        %eq3A_344 = arith.cmpi eq, %rem3A_342, %eq3A_343 : i32
        %convert_element_type3A_345 = arith.extui %eq3A_344 : i1 to i32
        %cond3A_346 = arith.constant 0 : i32
        %cond3A_347 = arith.cmpi ne, %convert_element_type3A_345, %cond3A_346 : i32
        scf.if %cond3A_347 {
          %dma_start3A_360 = arith.constant 0 : i32
          %dma_start3A_361 = tpu.memref_slice %arg8[%rem3A_316, %dma_start3A_360] : memref<16x80xi32, #tpu.memory_space<vmem>> -> memref<1x80xi32, #tpu.memory_space<vmem>>
          %dma_start3A_362 = tpu.memref_squeeze %dma_start3A_361 : memref<1x80xi32, #tpu.memory_space<vmem>> -> memref<80xi32, #tpu.memory_space<vmem>>
          %dma_start3A_363 = arith.constant 0 : i32
          %dma_start3A_364 = arith.constant 0 : i32
          %dma_start3A_365 = tpu.memref_slice %arg14[%dma_start3A_363, %dma_start3A_364] : memref<10000x128xf32, #tpu.memory_space<vmem_shared>> -> memref<10000x128xf32, #tpu.memory_space<vmem_shared>>
          tpu.enqueue_indirect_dma source(%arg11 : memref<80x128xf32, #tpu.memory_space<vmem>>) target(%dma_start3A_365 : memref<10000x128xf32, #tpu.memory_space<vmem_shared>>) offsets(%dma_start3A_362 : memref<80xi32, #tpu.memory_space<vmem>>) semaphore(%arg20 : memref<!tpu.dma_semaphore, #tpu.memory_space<semaphore_mem>>) {add = true}
        } else {
        }
        %eq3A_348 = arith.constant 1 : i32
        %eq3A_349 = arith.cmpi eq, %rem3A_342, %eq3A_348 : i32
        %convert_element_type3A_350 = arith.extui %eq3A_349 : i1 to i32
        %cond3A_351 = arith.constant 0 : i32
        %cond3A_352 = arith.cmpi ne, %convert_element_type3A_350, %cond3A_351 : i32
        scf.if %cond3A_352 {
          %dma_start3A_360 = arith.constant 0 : i32
          %dma_start3A_361 = tpu.memref_slice %arg9[%rem3A_316, %dma_start3A_360] : memref<16x80xi32, #tpu.memory_space<vmem>> -> memref<1x80xi32, #tpu.memory_space<vmem>>
          %dma_start3A_362 = tpu.memref_squeeze %dma_start3A_361 : memref<1x80xi32, #tpu.memory_space<vmem>> -> memref<80xi32, #tpu.memory_space<vmem>>
          %dma_start3A_363 = arith.constant 0 : i32
          %dma_start3A_364 = arith.constant 0 : i32
          %dma_start3A_365 = tpu.memref_slice %arg14[%dma_start3A_363, %dma_start3A_364] : memref<10000x128xf32, #tpu.memory_space<vmem_shared>> -> memref<10000x128xf32, #tpu.memory_space<vmem_shared>>
          tpu.enqueue_indirect_dma source(%arg11 : memref<80x128xf32, #tpu.memory_space<vmem>>) target(%dma_start3A_365 : memref<10000x128xf32, #tpu.memory_space<vmem_shared>>) offsets(%dma_start3A_362 : memref<80xi32, #tpu.memory_space<vmem>>) semaphore(%arg20 : memref<!tpu.dma_semaphore, #tpu.memory_space<semaphore_mem>>) {add = true}
        } else {
        }
        %add3A_353 = arith.constant 3 : i32
        %add3A_354 = arith.addi %scan3A_146, %add3A_353 : i32
        %lt3A_355 = arith.constant 125 : i32
        %lt3A_356 = arith.cmpi slt, %add3A_354, %lt3A_355 : i32
        %convert_element_type3A_357 = arith.extui %lt3A_356 : i1 to i32
        %cond3A_358 = arith.constant 0 : i32
        %cond3A_359 = arith.cmpi ne, %convert_element_type3A_357, %cond3A_358 : i32
        scf.if %cond3A_359 {
          %ge3A_360 = arith.constant 1 : i32
          %ge3A_361 = arith.cmpi sge, %scan3A_146, %ge3A_360 : i32
          %convert_element_type3A_362 = arith.extui %ge3A_361 : i1 to i32
          %cond3A_363 = arith.constant 0 : i32
          %cond3A_364 = arith.cmpi ne, %convert_element_type3A_362, %cond3A_363 : i32
          scf.if %cond3A_364 {
            %dma_wait3A_405 = arith.constant 0 : i32
            %dma_wait3A_406 = arith.constant 0 : i32
            %dma_wait3A_407 = tpu.memref_slice %arg8[%dma_wait3A_405, %dma_wait3A_406] : memref<16x80xi32, #tpu.memory_space<vmem>> -> memref<1x80xi32, #tpu.memory_space<vmem>>
            %dma_wait3A_408 = tpu.memref_squeeze %dma_wait3A_407 : memref<1x80xi32, #tpu.memory_space<vmem>> -> memref<80xi32, #tpu.memory_space<vmem>>
            %dma_wait3A_409 = arith.constant 0 : i32
            %dma_wait3A_410 = arith.constant 0 : i32
            %dma_wait3A_411 = tpu.memref_slice %arg14[%dma_wait3A_409, %dma_wait3A_410] : memref<10000x128xf32, #tpu.memory_space<vmem_shared>> -> memref<10000x128xf32, #tpu.memory_space<vmem_shared>>
            tpu.wait_indirect_dma semaphore(%arg19 : memref<!tpu.dma_semaphore, #tpu.memory_space<semaphore_mem>>) src(%arg10 : memref<80x128xf32, #tpu.memory_space<vmem>>) dst(%dma_wait3A_411 : memref<10000x128xf32, #tpu.memory_space<vmem_shared>>)
          } else {
          }
          %add3A_365 = arith.constant 3 : i32
          %add3A_366 = arith.addi %scan3A_146, %add3A_365 : i32
          %rem3A_367 = arith.constant 16 : i32
          %rem3A_368 = arith.remsi %add3A_366, %rem3A_367 : i32
          %jit3A_369 = arith.constant 16 : i32
          %div3A_370 = arith.divsi %add3A_366, %jit3A_369 : i32
          %sign3A_371 = arith.constant 0 : i32
          %sign3A_372 = arith.cmpi sgt, %add3A_366, %sign3A_371 : i32
          %sign3A_373 = arith.extui %sign3A_372 : i1 to i32
          %sign3A_374 = arith.constant 0 : i32
          %sign3A_375 = arith.cmpi slt, %add3A_366, %sign3A_374 : i32
          %sign3A_376 = arith.extui %sign3A_375 : i1 to i32
          %sign3A_377 = arith.subi %sign3A_373, %sign3A_376 : i32
          %sign3A_378 = arith.constant 0 : i32
          %sign3A_379 = arith.cmpi sgt, %jit3A_369, %sign3A_378 : i32
          %sign3A_380 = arith.extui %sign3A_379 : i1 to i32
          %sign3A_381 = arith.constant 0 : i32
          %sign3A_382 = arith.cmpi slt, %jit3A_369, %sign3A_381 : i32
          %sign3A_383 = arith.extui %sign3A_382 : i1 to i32
          %sign3A_384 = arith.subi %sign3A_380, %sign3A_383 : i32
          %ne3A_385 = arith.cmpi ne, %sign3A_377, %sign3A_384 : i32
          %rem3A_386 = arith.remsi %add3A_366, %jit3A_369 : i32
          %ne3A_387 = arith.constant 0 : i32
          %ne3A_388 = arith.cmpi ne, %rem3A_386, %ne3A_387 : i32
          %and3A_389 = arith.andi %ne3A_385, %ne3A_388 : i1
          %sub3A_390 = arith.constant 1 : i32
          %sub3A_391 = arith.subi %div3A_370, %sub3A_390 : i32
          %select_n3A_392 = arith.select %and3A_389, %sub3A_391, %div3A_370 : i32
          %rem3A_393 = arith.constant 2 : i32
          %rem3A_394 = arith.remsi %select_n3A_392, %rem3A_393 : i32
          %eq3A_395 = arith.constant 0 : i32
          %eq3A_396 = arith.cmpi eq, %rem3A_394, %eq3A_395 : i32
          %convert_element_type3A_397 = arith.extui %eq3A_396 : i1 to i32
          %cond3A_398 = arith.constant 0 : i32
          %cond3A_399 = arith.cmpi ne, %convert_element_type3A_397, %cond3A_398 : i32
          scf.if %cond3A_399 {
            %dma_start3A_405 = arith.constant 0 : i32
            %dma_start3A_406 = tpu.memref_slice %arg6[%rem3A_368, %dma_start3A_405] : memref<16x80xi32, #tpu.memory_space<vmem>> -> memref<1x80xi32, #tpu.memory_space<vmem>>
            %dma_start3A_407 = tpu.memref_squeeze %dma_start3A_406 : memref<1x80xi32, #tpu.memory_space<vmem>> -> memref<80xi32, #tpu.memory_space<vmem>>
            %dma_start3A_408 = arith.constant 0 : i32
            %dma_start3A_409 = arith.constant 0 : i32
            %dma_start3A_410 = tpu.memref_slice %arg2[%dma_start3A_408, %dma_start3A_409] : memref<20000x128xf32, #tpu.memory_space<hbm>> -> memref<20000x128xf32, #tpu.memory_space<hbm>>
            tpu.enqueue_indirect_dma source(%dma_start3A_410 : memref<20000x128xf32, #tpu.memory_space<hbm>>) target(%arg10 : memref<80x128xf32, #tpu.memory_space<vmem>>) offsets(%dma_start3A_407 : memref<80xi32, #tpu.memory_space<vmem>>) semaphore(%arg15 : memref<!tpu.dma_semaphore, #tpu.memory_space<semaphore_mem>>)
          } else {
          }
          %eq3A_400 = arith.constant 1 : i32
          %eq3A_401 = arith.cmpi eq, %rem3A_394, %eq3A_400 : i32
          %convert_element_type3A_402 = arith.extui %eq3A_401 : i1 to i32
          %cond3A_403 = arith.constant 0 : i32
          %cond3A_404 = arith.cmpi ne, %convert_element_type3A_402, %cond3A_403 : i32
          scf.if %cond3A_404 {
            %dma_start3A_405 = arith.constant 0 : i32
            %dma_start3A_406 = tpu.memref_slice %arg7[%rem3A_368, %dma_start3A_405] : memref<16x80xi32, #tpu.memory_space<vmem>> -> memref<1x80xi32, #tpu.memory_space<vmem>>
            %dma_start3A_407 = tpu.memref_squeeze %dma_start3A_406 : memref<1x80xi32, #tpu.memory_space<vmem>> -> memref<80xi32, #tpu.memory_space<vmem>>
            %dma_start3A_408 = arith.constant 0 : i32
            %dma_start3A_409 = arith.constant 0 : i32
            %dma_start3A_410 = tpu.memref_slice %arg2[%dma_start3A_408, %dma_start3A_409] : memref<20000x128xf32, #tpu.memory_space<hbm>> -> memref<20000x128xf32, #tpu.memory_space<hbm>>
            tpu.enqueue_indirect_dma source(%dma_start3A_410 : memref<20000x128xf32, #tpu.memory_space<hbm>>) target(%arg10 : memref<80x128xf32, #tpu.memory_space<vmem>>) offsets(%dma_start3A_407 : memref<80xi32, #tpu.memory_space<vmem>>) semaphore(%arg15 : memref<!tpu.dma_semaphore, #tpu.memory_space<semaphore_mem>>)
          } else {
          }
        } else {
        }
      } else {
      }
      %eq3A_298 = arith.constant 2 : i32
      %eq3A_299 = arith.cmpi eq, %select_n3A_157, %eq3A_298 : i32
      %convert_element_type3A_300 = arith.extui %eq3A_299 : i1 to i32
      %cond3A_301 = arith.constant 0 : i32
      %cond3A_302 = arith.cmpi ne, %convert_element_type3A_300, %cond3A_301 : i32
      scf.if %cond3A_302 {
        %dma_wait3A_308 = arith.constant 0 : i32
        %dma_wait3A_309 = arith.constant 0 : i32
        %dma_wait3A_310 = tpu.memref_slice %arg6[%dma_wait3A_308, %dma_wait3A_309] : memref<16x80xi32, #tpu.memory_space<vmem>> -> memref<1x80xi32, #tpu.memory_space<vmem>>
        %dma_wait3A_311 = tpu.memref_squeeze %dma_wait3A_310 : memref<1x80xi32, #tpu.memory_space<vmem>> -> memref<80xi32, #tpu.memory_space<vmem>>
        %dma_wait3A_312 = arith.constant 0 : i32
        %dma_wait3A_313 = arith.constant 0 : i32
        %dma_wait3A_314 = tpu.memref_slice %arg2[%dma_wait3A_312, %dma_wait3A_313] : memref<20000x128xf32, #tpu.memory_space<hbm>> -> memref<20000x128xf32, #tpu.memory_space<hbm>>
        tpu.wait_indirect_dma semaphore(%arg17 : memref<!tpu.dma_semaphore, #tpu.memory_space<semaphore_mem>>) src(%dma_wait3A_314 : memref<20000x128xf32, #tpu.memory_space<hbm>>) dst(%arg12 : memref<80x128xf32, #tpu.memory_space<vmem>>)
        %rem3A_315 = arith.constant 16 : i32
        %rem3A_316 = arith.remsi %scan3A_146, %rem3A_315 : i32
        %jit3A_317 = arith.constant 16 : i32
        %div3A_318 = arith.divsi %scan3A_146, %jit3A_317 : i32
        %sign3A_319 = arith.constant 0 : i32
        %sign3A_320 = arith.cmpi sgt, %scan3A_146, %sign3A_319 : i32
        %sign3A_321 = arith.extui %sign3A_320 : i1 to i32
        %sign3A_322 = arith.constant 0 : i32
        %sign3A_323 = arith.cmpi slt, %scan3A_146, %sign3A_322 : i32
        %sign3A_324 = arith.extui %sign3A_323 : i1 to i32
        %sign3A_325 = arith.subi %sign3A_321, %sign3A_324 : i32
        %sign3A_326 = arith.constant 0 : i32
        %sign3A_327 = arith.cmpi sgt, %jit3A_317, %sign3A_326 : i32
        %sign3A_328 = arith.extui %sign3A_327 : i1 to i32
        %sign3A_329 = arith.constant 0 : i32
        %sign3A_330 = arith.cmpi slt, %jit3A_317, %sign3A_329 : i32
        %sign3A_331 = arith.extui %sign3A_330 : i1 to i32
        %sign3A_332 = arith.subi %sign3A_328, %sign3A_331 : i32
        %ne3A_333 = arith.cmpi ne, %sign3A_325, %sign3A_332 : i32
        %rem3A_334 = arith.remsi %scan3A_146, %jit3A_317 : i32
        %ne3A_335 = arith.constant 0 : i32
        %ne3A_336 = arith.cmpi ne, %rem3A_334, %ne3A_335 : i32
        %and3A_337 = arith.andi %ne3A_333, %ne3A_336 : i1
        %sub3A_338 = arith.constant 1 : i32
        %sub3A_339 = arith.subi %div3A_318, %sub3A_338 : i32
        %select_n3A_340 = arith.select %and3A_337, %sub3A_339, %div3A_318 : i32
        %rem3A_341 = arith.constant 2 : i32
        %rem3A_342 = arith.remsi %select_n3A_340, %rem3A_341 : i32
        %eq3A_343 = arith.constant 0 : i32
        %eq3A_344 = arith.cmpi eq, %rem3A_342, %eq3A_343 : i32
        %convert_element_type3A_345 = arith.extui %eq3A_344 : i1 to i32
        %cond3A_346 = arith.constant 0 : i32
        %cond3A_347 = arith.cmpi ne, %convert_element_type3A_345, %cond3A_346 : i32
        scf.if %cond3A_347 {
          %dma_start3A_360 = arith.constant 0 : i32
          %dma_start3A_361 = tpu.memref_slice %arg8[%rem3A_316, %dma_start3A_360] : memref<16x80xi32, #tpu.memory_space<vmem>> -> memref<1x80xi32, #tpu.memory_space<vmem>>
          %dma_start3A_362 = tpu.memref_squeeze %dma_start3A_361 : memref<1x80xi32, #tpu.memory_space<vmem>> -> memref<80xi32, #tpu.memory_space<vmem>>
          %dma_start3A_363 = arith.constant 0 : i32
          %dma_start3A_364 = arith.constant 0 : i32
          %dma_start3A_365 = tpu.memref_slice %arg14[%dma_start3A_363, %dma_start3A_364] : memref<10000x128xf32, #tpu.memory_space<vmem_shared>> -> memref<10000x128xf32, #tpu.memory_space<vmem_shared>>
          tpu.enqueue_indirect_dma source(%arg12 : memref<80x128xf32, #tpu.memory_space<vmem>>) target(%dma_start3A_365 : memref<10000x128xf32, #tpu.memory_space<vmem_shared>>) offsets(%dma_start3A_362 : memref<80xi32, #tpu.memory_space<vmem>>) semaphore(%arg21 : memref<!tpu.dma_semaphore, #tpu.memory_space<semaphore_mem>>) {add = true}
        } else {
        }
        %eq3A_348 = arith.constant 1 : i32
        %eq3A_349 = arith.cmpi eq, %rem3A_342, %eq3A_348 : i32
        %convert_element_type3A_350 = arith.extui %eq3A_349 : i1 to i32
        %cond3A_351 = arith.constant 0 : i32
        %cond3A_352 = arith.cmpi ne, %convert_element_type3A_350, %cond3A_351 : i32
        scf.if %cond3A_352 {
          %dma_start3A_360 = arith.constant 0 : i32
          %dma_start3A_361 = tpu.memref_slice %arg9[%rem3A_316, %dma_start3A_360] : memref<16x80xi32, #tpu.memory_space<vmem>> -> memref<1x80xi32, #tpu.memory_space<vmem>>
          %dma_start3A_362 = tpu.memref_squeeze %dma_start3A_361 : memref<1x80xi32, #tpu.memory_space<vmem>> -> memref<80xi32, #tpu.memory_space<vmem>>
          %dma_start3A_363 = arith.constant 0 : i32
          %dma_start3A_364 = arith.constant 0 : i32
          %dma_start3A_365 = tpu.memref_slice %arg14[%dma_start3A_363, %dma_start3A_364] : memref<10000x128xf32, #tpu.memory_space<vmem_shared>> -> memref<10000x128xf32, #tpu.memory_space<vmem_shared>>
          tpu.enqueue_indirect_dma source(%arg12 : memref<80x128xf32, #tpu.memory_space<vmem>>) target(%dma_start3A_365 : memref<10000x128xf32, #tpu.memory_space<vmem_shared>>) offsets(%dma_start3A_362 : memref<80xi32, #tpu.memory_space<vmem>>) semaphore(%arg21 : memref<!tpu.dma_semaphore, #tpu.memory_space<semaphore_mem>>) {add = true}
        } else {
        }
        %add3A_353 = arith.constant 3 : i32
        %add3A_354 = arith.addi %scan3A_146, %add3A_353 : i32
        %lt3A_355 = arith.constant 125 : i32
        %lt3A_356 = arith.cmpi slt, %add3A_354, %lt3A_355 : i32
        %convert_element_type3A_357 = arith.extui %lt3A_356 : i1 to i32
        %cond3A_358 = arith.constant 0 : i32
        %cond3A_359 = arith.cmpi ne, %convert_element_type3A_357, %cond3A_358 : i32
        scf.if %cond3A_359 {
          %ge3A_360 = arith.constant 1 : i32
          %ge3A_361 = arith.cmpi sge, %scan3A_146, %ge3A_360 : i32
          %convert_element_type3A_362 = arith.extui %ge3A_361 : i1 to i32
          %cond3A_363 = arith.constant 0 : i32
          %cond3A_364 = arith.cmpi ne, %convert_element_type3A_362, %cond3A_363 : i32
          scf.if %cond3A_364 {
            %dma_wait3A_405 = arith.constant 0 : i32
            %dma_wait3A_406 = arith.constant 0 : i32
            %dma_wait3A_407 = tpu.memref_slice %arg8[%dma_wait3A_405, %dma_wait3A_406] : memref<16x80xi32, #tpu.memory_space<vmem>> -> memref<1x80xi32, #tpu.memory_space<vmem>>
            %dma_wait3A_408 = tpu.memref_squeeze %dma_wait3A_407 : memref<1x80xi32, #tpu.memory_space<vmem>> -> memref<80xi32, #tpu.memory_space<vmem>>
            %dma_wait3A_409 = arith.constant 0 : i32
            %dma_wait3A_410 = arith.constant 0 : i32
            %dma_wait3A_411 = tpu.memref_slice %arg14[%dma_wait3A_409, %dma_wait3A_410] : memref<10000x128xf32, #tpu.memory_space<vmem_shared>> -> memref<10000x128xf32, #tpu.memory_space<vmem_shared>>
            tpu.wait_indirect_dma semaphore(%arg20 : memref<!tpu.dma_semaphore, #tpu.memory_space<semaphore_mem>>) src(%arg11 : memref<80x128xf32, #tpu.memory_space<vmem>>) dst(%dma_wait3A_411 : memref<10000x128xf32, #tpu.memory_space<vmem_shared>>)
          } else {
          }
          %add3A_365 = arith.constant 3 : i32
          %add3A_366 = arith.addi %scan3A_146, %add3A_365 : i32
          %rem3A_367 = arith.constant 16 : i32
          %rem3A_368 = arith.remsi %add3A_366, %rem3A_367 : i32
          %jit3A_369 = arith.constant 16 : i32
          %div3A_370 = arith.divsi %add3A_366, %jit3A_369 : i32
          %sign3A_371 = arith.constant 0 : i32
          %sign3A_372 = arith.cmpi sgt, %add3A_366, %sign3A_371 : i32
          %sign3A_373 = arith.extui %sign3A_372 : i1 to i32
          %sign3A_374 = arith.constant 0 : i32
          %sign3A_375 = arith.cmpi slt, %add3A_366, %sign3A_374 : i32
          %sign3A_376 = arith.extui %sign3A_375 : i1 to i32
          %sign3A_377 = arith.subi %sign3A_373, %sign3A_376 : i32
          %sign3A_378 = arith.constant 0 : i32
          %sign3A_379 = arith.cmpi sgt, %jit3A_369, %sign3A_378 : i32
          %sign3A_380 = arith.extui %sign3A_379 : i1 to i32
          %sign3A_381 = arith.constant 0 : i32
          %sign3A_382 = arith.cmpi slt, %jit3A_369, %sign3A_381 : i32
          %sign3A_383 = arith.extui %sign3A_382 : i1 to i32
          %sign3A_384 = arith.subi %sign3A_380, %sign3A_383 : i32
          %ne3A_385 = arith.cmpi ne, %sign3A_377, %sign3A_384 : i32
          %rem3A_386 = arith.remsi %add3A_366, %jit3A_369 : i32
          %ne3A_387 = arith.constant 0 : i32
          %ne3A_388 = arith.cmpi ne, %rem3A_386, %ne3A_387 : i32
          %and3A_389 = arith.andi %ne3A_385, %ne3A_388 : i1
          %sub3A_390 = arith.constant 1 : i32
          %sub3A_391 = arith.subi %div3A_370, %sub3A_390 : i32
          %select_n3A_392 = arith.select %and3A_389, %sub3A_391, %div3A_370 : i32
          %rem3A_393 = arith.constant 2 : i32
          %rem3A_394 = arith.remsi %select_n3A_392, %rem3A_393 : i32
          %eq3A_395 = arith.constant 0 : i32
          %eq3A_396 = arith.cmpi eq, %rem3A_394, %eq3A_395 : i32
          %convert_element_type3A_397 = arith.extui %eq3A_396 : i1 to i32
          %cond3A_398 = arith.constant 0 : i32
          %cond3A_399 = arith.cmpi ne, %convert_element_type3A_397, %cond3A_398 : i32
          scf.if %cond3A_399 {
            %dma_start3A_405 = arith.constant 0 : i32
            %dma_start3A_406 = tpu.memref_slice %arg6[%rem3A_368, %dma_start3A_405] : memref<16x80xi32, #tpu.memory_space<vmem>> -> memref<1x80xi32, #tpu.memory_space<vmem>>
            %dma_start3A_407 = tpu.memref_squeeze %dma_start3A_406 : memref<1x80xi32, #tpu.memory_space<vmem>> -> memref<80xi32, #tpu.memory_space<vmem>>
            %dma_start3A_408 = arith.constant 0 : i32
            %dma_start3A_409 = arith.constant 0 : i32
            %dma_start3A_410 = tpu.memref_slice %arg2[%dma_start3A_408, %dma_start3A_409] : memref<20000x128xf32, #tpu.memory_space<hbm>> -> memref<20000x128xf32, #tpu.memory_space<hbm>>
            tpu.enqueue_indirect_dma source(%dma_start3A_410 : memref<20000x128xf32, #tpu.memory_space<hbm>>) target(%arg11 : memref<80x128xf32, #tpu.memory_space<vmem>>) offsets(%dma_start3A_407 : memref<80xi32, #tpu.memory_space<vmem>>) semaphore(%arg16 : memref<!tpu.dma_semaphore, #tpu.memory_space<semaphore_mem>>)
          } else {
          }
          %eq3A_400 = arith.constant 1 : i32
          %eq3A_401 = arith.cmpi eq, %rem3A_394, %eq3A_400 : i32
          %convert_element_type3A_402 = arith.extui %eq3A_401 : i1 to i32
          %cond3A_403 = arith.constant 0 : i32
          %cond3A_404 = arith.cmpi ne, %convert_element_type3A_402, %cond3A_403 : i32
          scf.if %cond3A_404 {
            %dma_start3A_405 = arith.constant 0 : i32
            %dma_start3A_406 = tpu.memref_slice %arg7[%rem3A_368, %dma_start3A_405] : memref<16x80xi32, #tpu.memory_space<vmem>> -> memref<1x80xi32, #tpu.memory_space<vmem>>
            %dma_start3A_407 = tpu.memref_squeeze %dma_start3A_406 : memref<1x80xi32, #tpu.memory_space<vmem>> -> memref<80xi32, #tpu.memory_space<vmem>>
            %dma_start3A_408 = arith.constant 0 : i32
            %dma_start3A_409 = arith.constant 0 : i32
            %dma_start3A_410 = tpu.memref_slice %arg2[%dma_start3A_408, %dma_start3A_409] : memref<20000x128xf32, #tpu.memory_space<hbm>> -> memref<20000x128xf32, #tpu.memory_space<hbm>>
            tpu.enqueue_indirect_dma source(%dma_start3A_410 : memref<20000x128xf32, #tpu.memory_space<hbm>>) target(%arg11 : memref<80x128xf32, #tpu.memory_space<vmem>>) offsets(%dma_start3A_407 : memref<80xi32, #tpu.memory_space<vmem>>) semaphore(%arg16 : memref<!tpu.dma_semaphore, #tpu.memory_space<semaphore_mem>>)
          } else {
          }
        } else {
        }
      } else {
      }
      %eq3A_303 = arith.constant 3 : i32
      %eq3A_304 = arith.cmpi eq, %select_n3A_157, %eq3A_303 : i32
      %convert_element_type3A_305 = arith.extui %eq3A_304 : i1 to i32
      %cond3A_306 = arith.constant 0 : i32
      %cond3A_307 = arith.cmpi ne, %convert_element_type3A_305, %cond3A_306 : i32
      scf.if %cond3A_307 {
        %dma_wait3A_308 = arith.constant 0 : i32
        %dma_wait3A_309 = arith.constant 0 : i32
        %dma_wait3A_310 = tpu.memref_slice %arg6[%dma_wait3A_308, %dma_wait3A_309] : memref<16x80xi32, #tpu.memory_space<vmem>> -> memref<1x80xi32, #tpu.memory_space<vmem>>
        %dma_wait3A_311 = tpu.memref_squeeze %dma_wait3A_310 : memref<1x80xi32, #tpu.memory_space<vmem>> -> memref<80xi32, #tpu.memory_space<vmem>>
        %dma_wait3A_312 = arith.constant 0 : i32
        %dma_wait3A_313 = arith.constant 0 : i32
        %dma_wait3A_314 = tpu.memref_slice %arg2[%dma_wait3A_312, %dma_wait3A_313] : memref<20000x128xf32, #tpu.memory_space<hbm>> -> memref<20000x128xf32, #tpu.memory_space<hbm>>
        tpu.wait_indirect_dma semaphore(%arg18 : memref<!tpu.dma_semaphore, #tpu.memory_space<semaphore_mem>>) src(%dma_wait3A_314 : memref<20000x128xf32, #tpu.memory_space<hbm>>) dst(%arg13 : memref<80x128xf32, #tpu.memory_space<vmem>>)
        %rem3A_315 = arith.constant 16 : i32
        %rem3A_316 = arith.remsi %scan3A_146, %rem3A_315 : i32
        %jit3A_317 = arith.constant 16 : i32
        %div3A_318 = arith.divsi %scan3A_146, %jit3A_317 : i32
        %sign3A_319 = arith.constant 0 : i32
        %sign3A_320 = arith.cmpi sgt, %scan3A_146, %sign3A_319 : i32
        %sign3A_321 = arith.extui %sign3A_320 : i1 to i32
        %sign3A_322 = arith.constant 0 : i32
        %sign3A_323 = arith.cmpi slt, %scan3A_146, %sign3A_322 : i32
        %sign3A_324 = arith.extui %sign3A_323 : i1 to i32
        %sign3A_325 = arith.subi %sign3A_321, %sign3A_324 : i32
        %sign3A_326 = arith.constant 0 : i32
        %sign3A_327 = arith.cmpi sgt, %jit3A_317, %sign3A_326 : i32
        %sign3A_328 = arith.extui %sign3A_327 : i1 to i32
        %sign3A_329 = arith.constant 0 : i32
        %sign3A_330 = arith.cmpi slt, %jit3A_317, %sign3A_329 : i32
        %sign3A_331 = arith.extui %sign3A_330 : i1 to i32
        %sign3A_332 = arith.subi %sign3A_328, %sign3A_331 : i32
        %ne3A_333 = arith.cmpi ne, %sign3A_325, %sign3A_332 : i32
        %rem3A_334 = arith.remsi %scan3A_146, %jit3A_317 : i32
        %ne3A_335 = arith.constant 0 : i32
        %ne3A_336 = arith.cmpi ne, %rem3A_334, %ne3A_335 : i32
        %and3A_337 = arith.andi %ne3A_333, %ne3A_336 : i1
        %sub3A_338 = arith.constant 1 : i32
        %sub3A_339 = arith.subi %div3A_318, %sub3A_338 : i32
        %select_n3A_340 = arith.select %and3A_337, %sub3A_339, %div3A_318 : i32
        %rem3A_341 = arith.constant 2 : i32
        %rem3A_342 = arith.remsi %select_n3A_340, %rem3A_341 : i32
        %eq3A_343 = arith.constant 0 : i32
        %eq3A_344 = arith.cmpi eq, %rem3A_342, %eq3A_343 : i32
        %convert_element_type3A_345 = arith.extui %eq3A_344 : i1 to i32
        %cond3A_346 = arith.constant 0 : i32
        %cond3A_347 = arith.cmpi ne, %convert_element_type3A_345, %cond3A_346 : i32
        scf.if %cond3A_347 {
          %dma_start3A_360 = arith.constant 0 : i32
          %dma_start3A_361 = tpu.memref_slice %arg8[%rem3A_316, %dma_start3A_360] : memref<16x80xi32, #tpu.memory_space<vmem>> -> memref<1x80xi32, #tpu.memory_space<vmem>>
          %dma_start3A_362 = tpu.memref_squeeze %dma_start3A_361 : memref<1x80xi32, #tpu.memory_space<vmem>> -> memref<80xi32, #tpu.memory_space<vmem>>
          %dma_start3A_363 = arith.constant 0 : i32
          %dma_start3A_364 = arith.constant 0 : i32
          %dma_start3A_365 = tpu.memref_slice %arg14[%dma_start3A_363, %dma_start3A_364] : memref<10000x128xf32, #tpu.memory_space<vmem_shared>> -> memref<10000x128xf32, #tpu.memory_space<vmem_shared>>
          tpu.enqueue_indirect_dma source(%arg13 : memref<80x128xf32, #tpu.memory_space<vmem>>) target(%dma_start3A_365 : memref<10000x128xf32, #tpu.memory_space<vmem_shared>>) offsets(%dma_start3A_362 : memref<80xi32, #tpu.memory_space<vmem>>) semaphore(%arg22 : memref<!tpu.dma_semaphore, #tpu.memory_space<semaphore_mem>>) {add = true}
        } else {
        }
        %eq3A_348 = arith.constant 1 : i32
        %eq3A_349 = arith.cmpi eq, %rem3A_342, %eq3A_348 : i32
        %convert_element_type3A_350 = arith.extui %eq3A_349 : i1 to i32
        %cond3A_351 = arith.constant 0 : i32
        %cond3A_352 = arith.cmpi ne, %convert_element_type3A_350, %cond3A_351 : i32
        scf.if %cond3A_352 {
          %dma_start3A_360 = arith.constant 0 : i32
          %dma_start3A_361 = tpu.memref_slice %arg9[%rem3A_316, %dma_start3A_360] : memref<16x80xi32, #tpu.memory_space<vmem>> -> memref<1x80xi32, #tpu.memory_space<vmem>>
          %dma_start3A_362 = tpu.memref_squeeze %dma_start3A_361 : memref<1x80xi32, #tpu.memory_space<vmem>> -> memref<80xi32, #tpu.memory_space<vmem>>
          %dma_start3A_363 = arith.constant 0 : i32
          %dma_start3A_364 = arith.constant 0 : i32
          %dma_start3A_365 = tpu.memref_slice %arg14[%dma_start3A_363, %dma_start3A_364] : memref<10000x128xf32, #tpu.memory_space<vmem_shared>> -> memref<10000x128xf32, #tpu.memory_space<vmem_shared>>
          tpu.enqueue_indirect_dma source(%arg13 : memref<80x128xf32, #tpu.memory_space<vmem>>) target(%dma_start3A_365 : memref<10000x128xf32, #tpu.memory_space<vmem_shared>>) offsets(%dma_start3A_362 : memref<80xi32, #tpu.memory_space<vmem>>) semaphore(%arg22 : memref<!tpu.dma_semaphore, #tpu.memory_space<semaphore_mem>>) {add = true}
        } else {
        }
        %add3A_353 = arith.constant 3 : i32
        %add3A_354 = arith.addi %scan3A_146, %add3A_353 : i32
        %lt3A_355 = arith.constant 125 : i32
        %lt3A_356 = arith.cmpi slt, %add3A_354, %lt3A_355 : i32
        %convert_element_type3A_357 = arith.extui %lt3A_356 : i1 to i32
        %cond3A_358 = arith.constant 0 : i32
        %cond3A_359 = arith.cmpi ne, %convert_element_type3A_357, %cond3A_358 : i32
        scf.if %cond3A_359 {
          %ge3A_360 = arith.constant 1 : i32
          %ge3A_361 = arith.cmpi sge, %scan3A_146, %ge3A_360 : i32
          %convert_element_type3A_362 = arith.extui %ge3A_361 : i1 to i32
          %cond3A_363 = arith.constant 0 : i32
          %cond3A_364 = arith.cmpi ne, %convert_element_type3A_362, %cond3A_363 : i32
          scf.if %cond3A_364 {
            %dma_wait3A_405 = arith.constant 0 : i32
            %dma_wait3A_406 = arith.constant 0 : i32
            %dma_wait3A_407 = tpu.memref_slice %arg8[%dma_wait3A_405, %dma_wait3A_406] : memref<16x80xi32, #tpu.memory_space<vmem>> -> memref<1x80xi32, #tpu.memory_space<vmem>>
            %dma_wait3A_408 = tpu.memref_squeeze %dma_wait3A_407 : memref<1x80xi32, #tpu.memory_space<vmem>> -> memref<80xi32, #tpu.memory_space<vmem>>
            %dma_wait3A_409 = arith.constant 0 : i32
            %dma_wait3A_410 = arith.constant 0 : i32
            %dma_wait3A_411 = tpu.memref_slice %arg14[%dma_wait3A_409, %dma_wait3A_410] : memref<10000x128xf32, #tpu.memory_space<vmem_shared>> -> memref<10000x128xf32, #tpu.memory_space<vmem_shared>>
            tpu.wait_indirect_dma semaphore(%arg21 : memref<!tpu.dma_semaphore, #tpu.memory_space<semaphore_mem>>) src(%arg12 : memref<80x128xf32, #tpu.memory_space<vmem>>) dst(%dma_wait3A_411 : memref<10000x128xf32, #tpu.memory_space<vmem_shared>>)
          } else {
          }
          %add3A_365 = arith.constant 3 : i32
          %add3A_366 = arith.addi %scan3A_146, %add3A_365 : i32
          %rem3A_367 = arith.constant 16 : i32
          %rem3A_368 = arith.remsi %add3A_366, %rem3A_367 : i32
          %jit3A_369 = arith.constant 16 : i32
          %div3A_370 = arith.divsi %add3A_366, %jit3A_369 : i32
          %sign3A_371 = arith.constant 0 : i32
          %sign3A_372 = arith.cmpi sgt, %add3A_366, %sign3A_371 : i32
          %sign3A_373 = arith.extui %sign3A_372 : i1 to i32
          %sign3A_374 = arith.constant 0 : i32
          %sign3A_375 = arith.cmpi slt, %add3A_366, %sign3A_374 : i32
          %sign3A_376 = arith.extui %sign3A_375 : i1 to i32
          %sign3A_377 = arith.subi %sign3A_373, %sign3A_376 : i32
          %sign3A_378 = arith.constant 0 : i32
          %sign3A_379 = arith.cmpi sgt, %jit3A_369, %sign3A_378 : i32
          %sign3A_380 = arith.extui %sign3A_379 : i1 to i32
          %sign3A_381 = arith.constant 0 : i32
          %sign3A_382 = arith.cmpi slt, %jit3A_369, %sign3A_381 : i32
          %sign3A_383 = arith.extui %sign3A_382 : i1 to i32
          %sign3A_384 = arith.subi %sign3A_380, %sign3A_383 : i32
          %ne3A_385 = arith.cmpi ne, %sign3A_377, %sign3A_384 : i32
          %rem3A_386 = arith.remsi %add3A_366, %jit3A_369 : i32
          %ne3A_387 = arith.constant 0 : i32
          %ne3A_388 = arith.cmpi ne, %rem3A_386, %ne3A_387 : i32
          %and3A_389 = arith.andi %ne3A_385, %ne3A_388 : i1
          %sub3A_390 = arith.constant 1 : i32
          %sub3A_391 = arith.subi %div3A_370, %sub3A_390 : i32
          %select_n3A_392 = arith.select %and3A_389, %sub3A_391, %div3A_370 : i32
          %rem3A_393 = arith.constant 2 : i32
          %rem3A_394 = arith.remsi %select_n3A_392, %rem3A_393 : i32
          %eq3A_395 = arith.constant 0 : i32
          %eq3A_396 = arith.cmpi eq, %rem3A_394, %eq3A_395 : i32
          %convert_element_type3A_397 = arith.extui %eq3A_396 : i1 to i32
          %cond3A_398 = arith.constant 0 : i32
          %cond3A_399 = arith.cmpi ne, %convert_element_type3A_397, %cond3A_398 : i32
          scf.if %cond3A_399 {
            %dma_start3A_405 = arith.constant 0 : i32
            %dma_start3A_406 = tpu.memref_slice %arg6[%rem3A_368, %dma_start3A_405] : memref<16x80xi32, #tpu.memory_space<vmem>> -> memref<1x80xi32, #tpu.memory_space<vmem>>
            %dma_start3A_407 = tpu.memref_squeeze %dma_start3A_406 : memref<1x80xi32, #tpu.memory_space<vmem>> -> memref<80xi32, #tpu.memory_space<vmem>>
            %dma_start3A_408 = arith.constant 0 : i32
            %dma_start3A_409 = arith.constant 0 : i32
            %dma_start3A_410 = tpu.memref_slice %arg2[%dma_start3A_408, %dma_start3A_409] : memref<20000x128xf32, #tpu.memory_space<hbm>> -> memref<20000x128xf32, #tpu.memory_space<hbm>>
            tpu.enqueue_indirect_dma source(%dma_start3A_410 : memref<20000x128xf32, #tpu.memory_space<hbm>>) target(%arg12 : memref<80x128xf32, #tpu.memory_space<vmem>>) offsets(%dma_start3A_407 : memref<80xi32, #tpu.memory_space<vmem>>) semaphore(%arg17 : memref<!tpu.dma_semaphore, #tpu.memory_space<semaphore_mem>>)
          } else {
          }
          %eq3A_400 = arith.constant 1 : i32
          %eq3A_401 = arith.cmpi eq, %rem3A_394, %eq3A_400 : i32
          %convert_element_type3A_402 = arith.extui %eq3A_401 : i1 to i32
          %cond3A_403 = arith.constant 0 : i32
          %cond3A_404 = arith.cmpi ne, %convert_element_type3A_402, %cond3A_403 : i32
          scf.if %cond3A_404 {
            %dma_start3A_405 = arith.constant 0 : i32
            %dma_start3A_406 = tpu.memref_slice %arg7[%rem3A_368, %dma_start3A_405] : memref<16x80xi32, #tpu.memory_space<vmem>> -> memref<1x80xi32, #tpu.memory_space<vmem>>
            %dma_start3A_407 = tpu.memref_squeeze %dma_start3A_406 : memref<1x80xi32, #tpu.memory_space<vmem>> -> memref<80xi32, #tpu.memory_space<vmem>>
            %dma_start3A_408 = arith.constant 0 : i32
            %dma_start3A_409 = arith.constant 0 : i32
            %dma_start3A_410 = tpu.memref_slice %arg2[%dma_start3A_408, %dma_start3A_409] : memref<20000x128xf32, #tpu.memory_space<hbm>> -> memref<20000x128xf32, #tpu.memory_space<hbm>>
            tpu.enqueue_indirect_dma source(%dma_start3A_410 : memref<20000x128xf32, #tpu.memory_space<hbm>>) target(%arg12 : memref<80x128xf32, #tpu.memory_space<vmem>>) offsets(%dma_start3A_407 : memref<80xi32, #tpu.memory_space<vmem>>) semaphore(%arg17 : memref<!tpu.dma_semaphore, #tpu.memory_space<semaphore_mem>>)
          } else {
          }
        } else {
        }
      } else {
      }
    }
    %scan3A_106 = arith.constant 125 : i32
    %dma_wait3A_107 = arith.constant 0 : i32
    %dma_wait3A_108 = arith.constant 0 : i32
    %dma_wait3A_109 = tpu.memref_slice %arg8[%dma_wait3A_107, %dma_wait3A_108] : memref<16x80xi32, #tpu.memory_space<vmem>> -> memref<1x80xi32, #tpu.memory_space<vmem>>
    %dma_wait3A_110 = tpu.memref_squeeze %dma_wait3A_109 : memref<1x80xi32, #tpu.memory_space<vmem>> -> memref<80xi32, #tpu.memory_space<vmem>>
    %dma_wait3A_111 = arith.constant 0 : i32
    %dma_wait3A_112 = arith.constant 0 : i32
    %dma_wait3A_113 = tpu.memref_slice %arg14[%dma_wait3A_111, %dma_wait3A_112] : memref<10000x128xf32, #tpu.memory_space<vmem_shared>> -> memref<10000x128xf32, #tpu.memory_space<vmem_shared>>
    tpu.wait_indirect_dma semaphore(%arg20 : memref<!tpu.dma_semaphore, #tpu.memory_space<semaphore_mem>>) src(%arg11 : memref<80x128xf32, #tpu.memory_space<vmem>>) dst(%dma_wait3A_113 : memref<10000x128xf32, #tpu.memory_space<vmem_shared>>)
    %dma_wait3A_114 = arith.constant 0 : i32
    %dma_wait3A_115 = arith.constant 0 : i32
    %dma_wait3A_116 = tpu.memref_slice %arg8[%dma_wait3A_114, %dma_wait3A_115] : memref<16x80xi32, #tpu.memory_space<vmem>> -> memref<1x80xi32, #tpu.memory_space<vmem>>
    %dma_wait3A_117 = tpu.memref_squeeze %dma_wait3A_116 : memref<1x80xi32, #tpu.memory_space<vmem>> -> memref<80xi32, #tpu.memory_space<vmem>>
    %dma_wait3A_118 = arith.constant 0 : i32
    %dma_wait3A_119 = arith.constant 0 : i32
    %dma_wait3A_120 = tpu.memref_slice %arg14[%dma_wait3A_118, %dma_wait3A_119] : memref<10000x128xf32, #tpu.memory_space<vmem_shared>> -> memref<10000x128xf32, #tpu.memory_space<vmem_shared>>
    tpu.wait_indirect_dma semaphore(%arg21 : memref<!tpu.dma_semaphore, #tpu.memory_space<semaphore_mem>>) src(%arg12 : memref<80x128xf32, #tpu.memory_space<vmem>>) dst(%dma_wait3A_120 : memref<10000x128xf32, #tpu.memory_space<vmem_shared>>)
    %dma_wait3A_121 = arith.constant 0 : i32
    %dma_wait3A_122 = arith.constant 0 : i32
    %dma_wait3A_123 = tpu.memref_slice %arg8[%dma_wait3A_121, %dma_wait3A_122] : memref<16x80xi32, #tpu.memory_space<vmem>> -> memref<1x80xi32, #tpu.memory_space<vmem>>
    %dma_wait3A_124 = tpu.memref_squeeze %dma_wait3A_123 : memref<1x80xi32, #tpu.memory_space<vmem>> -> memref<80xi32, #tpu.memory_space<vmem>>
    %dma_wait3A_125 = arith.constant 0 : i32
    %dma_wait3A_126 = arith.constant 0 : i32
    %dma_wait3A_127 = tpu.memref_slice %arg14[%dma_wait3A_125, %dma_wait3A_126] : memref<10000x128xf32, #tpu.memory_space<vmem_shared>> -> memref<10000x128xf32, #tpu.memory_space<vmem_shared>>
    tpu.wait_indirect_dma semaphore(%arg22 : memref<!tpu.dma_semaphore, #tpu.memory_space<semaphore_mem>>) src(%arg13 : memref<80x128xf32, #tpu.memory_space<vmem>>) dst(%dma_wait3A_127 : memref<10000x128xf32, #tpu.memory_space<vmem_shared>>)
    %dma_wait3A_128 = arith.constant 0 : i32
    %dma_wait3A_129 = arith.constant 0 : i32
    %dma_wait3A_130 = tpu.memref_slice %arg8[%dma_wait3A_128, %dma_wait3A_129] : memref<16x80xi32, #tpu.memory_space<vmem>> -> memref<1x80xi32, #tpu.memory_space<vmem>>
    %dma_wait3A_131 = tpu.memref_squeeze %dma_wait3A_130 : memref<1x80xi32, #tpu.memory_space<vmem>> -> memref<80xi32, #tpu.memory_space<vmem>>
    %dma_wait3A_132 = arith.constant 0 : i32
    %dma_wait3A_133 = arith.constant 0 : i32
    %dma_wait3A_134 = tpu.memref_slice %arg14[%dma_wait3A_132, %dma_wait3A_133] : memref<10000x128xf32, #tpu.memory_space<vmem_shared>> -> memref<10000x128xf32, #tpu.memory_space<vmem_shared>>
    tpu.wait_indirect_dma semaphore(%arg19 : memref<!tpu.dma_semaphore, #tpu.memory_space<semaphore_mem>>) src(%arg10 : memref<80x128xf32, #tpu.memory_space<vmem>>) dst(%dma_wait3A_134 : memref<10000x128xf32, #tpu.memory_space<vmem_shared>>)
    %barrier3A_135 = arith.constant 0 : index
    tpu.barrier barrier_id(%barrier3A_135)
    %lt3A_136 = arith.constant 15 : i32
    %lt3A_137 = arith.cmpi slt, %arg1, %lt3A_136 : i32
    %convert_element_type3A_138 = arith.extui %lt3A_137 : i1 to i32
    %cond3A_139 = arith.constant 0 : i32
    %cond3A_140 = arith.cmpi ne, %convert_element_type3A_138, %cond3A_139 : i32
    scf.if %cond3A_140 {
      %add3A = arith.addi %mul3A_0, %mul3A_2 : i32
      "tpu.region"() ({
        %run_scoped3A = tpu.sem_alloc : memref<!tpu.dma_semaphore, #tpu.memory_space<semaphore_mem>>
        %dma_start3A_146 = arith.constant 0 : i32
        %dma_start3A_147 = tpu.memref_slice %arg5[%add3A, %dma_start3A_146] : memref<20000x128xf32, #tpu.memory_space<hbm>> -> memref<632x128xf32, #tpu.memory_space<hbm>>
        %dma_start3A_148 = arith.constant 0 : i32
        %dma_start3A_149 = tpu.memref_slice %arg14[%mul3A_2, %dma_start3A_148] : memref<10000x128xf32, #tpu.memory_space<vmem_shared>> -> memref<632x128xf32, #tpu.memory_space<vmem_shared>>
        tpu.enqueue_dma source(%dma_start3A_149 : memref<632x128xf32, #tpu.memory_space<vmem_shared>>) target(%dma_start3A_147 : memref<632x128xf32, #tpu.memory_space<hbm>>) target_semaphore(%run_scoped3A : memref<!tpu.dma_semaphore, #tpu.memory_space<semaphore_mem>>)
        %dma_wait3A_150 = arith.constant 0 : i32
        %dma_wait3A_151 = tpu.memref_slice %arg5[%add3A, %dma_wait3A_150] : memref<20000x128xf32, #tpu.memory_space<hbm>> -> memref<632x128xf32, #tpu.memory_space<hbm>>
        %dma_wait3A_152 = arith.constant 0 : i32
        %dma_wait3A_153 = tpu.memref_slice %arg14[%mul3A_2, %dma_wait3A_152] : memref<10000x128xf32, #tpu.memory_space<vmem_shared>> -> memref<632x128xf32, #tpu.memory_space<vmem_shared>>
        tpu.wait_dma2 semaphore(%run_scoped3A : memref<!tpu.dma_semaphore, #tpu.memory_space<semaphore_mem>>) src(%dma_wait3A_153 : memref<632x128xf32, #tpu.memory_space<vmem_shared>>) dst(%dma_wait3A_151 : memref<632x128xf32, #tpu.memory_space<hbm>>)
        tpu.yield
      }) : () -> ()
    } else {
    }
    %eq3A_141 = arith.constant 15 : i32
    %eq3A_142 = arith.cmpi eq, %arg1, %eq3A_141 : i32
    %convert_element_type3A_143 = arith.extui %eq3A_142 : i1 to i32
    %cond3A_144 = arith.constant 0 : i32
    %cond3A_145 = arith.cmpi ne, %convert_element_type3A_143, %cond3A_144 : i32
    scf.if %cond3A_145 {
      %add3A = arith.addi %mul3A_0, %mul3A_2 : i32
      "tpu.region"() ({
        %run_scoped3A = tpu.sem_alloc : memref<!tpu.dma_semaphore, #tpu.memory_space<semaphore_mem>>
        %dma_start3A_146 = arith.constant 0 : i32
        %dma_start3A_147 = tpu.memref_slice %arg5[%add3A, %dma_start3A_146] : memref<20000x128xf32, #tpu.memory_space<hbm>> -> memref<520x128xf32, #tpu.memory_space<hbm>>
        %dma_start3A_148 = arith.constant 0 : i32
        %dma_start3A_149 = tpu.memref_slice %arg14[%mul3A_2, %dma_start3A_148] : memref<10000x128xf32, #tpu.memory_space<vmem_shared>> -> memref<520x128xf32, #tpu.memory_space<vmem_shared>>
        tpu.enqueue_dma source(%dma_start3A_149 : memref<520x128xf32, #tpu.memory_space<vmem_shared>>) target(%dma_start3A_147 : memref<520x128xf32, #tpu.memory_space<hbm>>) target_semaphore(%run_scoped3A : memref<!tpu.dma_semaphore, #tpu.memory_space<semaphore_mem>>)
        %dma_wait3A_150 = arith.constant 0 : i32
        %dma_wait3A_151 = tpu.memref_slice %arg5[%add3A, %dma_wait3A_150] : memref<20000x128xf32, #tpu.memory_space<hbm>> -> memref<520x128xf32, #tpu.memory_space<hbm>>
        %dma_wait3A_152 = arith.constant 0 : i32
        %dma_wait3A_153 = tpu.memref_slice %arg14[%mul3A_2, %dma_wait3A_152] : memref<10000x128xf32, #tpu.memory_space<vmem_shared>> -> memref<520x128xf32, #tpu.memory_space<vmem_shared>>
        tpu.wait_dma2 semaphore(%run_scoped3A : memref<!tpu.dma_semaphore, #tpu.memory_space<semaphore_mem>>) src(%dma_wait3A_153 : memref<520x128xf32, #tpu.memory_space<vmem_shared>>) dst(%dma_wait3A_151 : memref<520x128xf32, #tpu.memory_space<hbm>>)
        tpu.yield
      }) : () -> ()
    } else {
    }
    return
  }
}

#map = affine_map<(d0, d1) -> (0, 0, 0)>
#map1 = affine_map<(d0, d1) -> (0, 0)>
module attributes {stable_mosaic.version = 14 : i64} {
  func.func @_deg_sc(%arg0: i32, %arg1: i32, %arg2: memref<16x128x80xi32, #tpu.memory_space<hbm>>, %arg3: memref<10000x128xf32, #tpu.memory_space<hbm>>, %arg4: memref<80x128xf32, #tpu.memory_space<hbm>>, %arg5: memref<2x10000x128xf32, #tpu.memory_space<hbm>>, %arg6: memref<64x80xi32, #tpu.memory_space<vmem>>, %arg7: memref<80x128xf32, #tpu.memory_space<vmem>>, %arg8: memref<10000x128xf32, #tpu.memory_space<vmem_shared>>, %arg9: memref<!tpu.dma_semaphore, #tpu.memory_space<semaphore_mem>>) attributes {dimension_semantics = [#tpu.dimension_semantics<core_parallel>, #tpu.dimension_semantics<subcore_parallel>], iteration_bounds = array<i64: 2, 16>, scalar_prefetch = 0 : i64, scratch_operands = 4 : i64, tpu.core_type = #tpu.core_type<sc_vector_subcore>, window_params = [{transform_indices = #map}, {transform_indices = #map1}, {transform_indices = #map1}, {transform_indices = #map}]} {
    %mul3A = arith.constant 632 : i32
    %mul3A_0 = arith.muli %arg1, %mul3A : i32
    %mul3A_1 = arith.constant 3 : i32
    %mul3A_2 = arith.muli %mul3A_1, %arg0 : i32
    %sub3A = arith.constant 64 : i32
    %sub3A_3 = arith.subi %sub3A, %mul3A_2 : i32
    %lt3A = arith.constant 15 : i32
    %lt3A_4 = arith.cmpi slt, %arg1, %lt3A : i32
    %convert_element_type3A = arith.extui %lt3A_4 : i1 to i32
    %cond3A = arith.constant 0 : i32
    %cond3A_5 = arith.cmpi ne, %convert_element_type3A, %cond3A : i32
    scf.if %cond3A_5 {
      "tpu.region"() ({
        %run_scoped3A = tpu.sem_alloc : memref<!tpu.dma_semaphore, #tpu.memory_space<semaphore_mem>>
        %dma_start3A = arith.constant 0 : i32
        %dma_start3A_37 = tpu.memref_slice %arg8[%mul3A_0, %dma_start3A] : memref<10000x128xf32, #tpu.memory_space<vmem_shared>> -> memref<632x128xf32, #tpu.memory_space<vmem_shared>>
        %dma_start3A_38 = arith.constant 0 : i32
        %dma_start3A_39 = tpu.memref_slice %arg3[%mul3A_0, %dma_start3A_38] : memref<10000x128xf32, #tpu.memory_space<hbm>> -> memref<632x128xf32, #tpu.memory_space<hbm>>
        tpu.enqueue_dma source(%dma_start3A_39 : memref<632x128xf32, #tpu.memory_space<hbm>>) target(%dma_start3A_37 : memref<632x128xf32, #tpu.memory_space<vmem_shared>>) target_semaphore(%run_scoped3A : memref<!tpu.dma_semaphore, #tpu.memory_space<semaphore_mem>>)
        %dma_wait3A = arith.constant 0 : i32
        %dma_wait3A_40 = tpu.memref_slice %arg8[%mul3A_0, %dma_wait3A] : memref<10000x128xf32, #tpu.memory_space<vmem_shared>> -> memref<632x128xf32, #tpu.memory_space<vmem_shared>>
        %dma_wait3A_41 = arith.constant 0 : i32
        %dma_wait3A_42 = tpu.memref_slice %arg3[%mul3A_0, %dma_wait3A_41] : memref<10000x128xf32, #tpu.memory_space<hbm>> -> memref<632x128xf32, #tpu.memory_space<hbm>>
        tpu.wait_dma2 semaphore(%run_scoped3A : memref<!tpu.dma_semaphore, #tpu.memory_space<semaphore_mem>>) src(%dma_wait3A_42 : memref<632x128xf32, #tpu.memory_space<hbm>>) dst(%dma_wait3A_40 : memref<632x128xf32, #tpu.memory_space<vmem_shared>>)
        tpu.yield
      }) : () -> ()
    } else {
    }
    %eq3A = arith.constant 15 : i32
    %eq3A_6 = arith.cmpi eq, %arg1, %eq3A : i32
    %convert_element_type3A_7 = arith.extui %eq3A_6 : i1 to i32
    %cond3A_8 = arith.constant 0 : i32
    %cond3A_9 = arith.cmpi ne, %convert_element_type3A_7, %cond3A_8 : i32
    scf.if %cond3A_9 {
      "tpu.region"() ({
        %run_scoped3A = tpu.sem_alloc : memref<!tpu.dma_semaphore, #tpu.memory_space<semaphore_mem>>
        %dma_start3A = arith.constant 0 : i32
        %dma_start3A_37 = tpu.memref_slice %arg8[%mul3A_0, %dma_start3A] : memref<10000x128xf32, #tpu.memory_space<vmem_shared>> -> memref<520x128xf32, #tpu.memory_space<vmem_shared>>
        %dma_start3A_38 = arith.constant 0 : i32
        %dma_start3A_39 = tpu.memref_slice %arg3[%mul3A_0, %dma_start3A_38] : memref<10000x128xf32, #tpu.memory_space<hbm>> -> memref<520x128xf32, #tpu.memory_space<hbm>>
        tpu.enqueue_dma source(%dma_start3A_39 : memref<520x128xf32, #tpu.memory_space<hbm>>) target(%dma_start3A_37 : memref<520x128xf32, #tpu.memory_space<vmem_shared>>) target_semaphore(%run_scoped3A : memref<!tpu.dma_semaphore, #tpu.memory_space<semaphore_mem>>)
        %dma_wait3A = arith.constant 0 : i32
        %dma_wait3A_40 = tpu.memref_slice %arg8[%mul3A_0, %dma_wait3A] : memref<10000x128xf32, #tpu.memory_space<vmem_shared>> -> memref<520x128xf32, #tpu.memory_space<vmem_shared>>
        %dma_wait3A_41 = arith.constant 0 : i32
        %dma_wait3A_42 = tpu.memref_slice %arg3[%mul3A_0, %dma_wait3A_41] : memref<10000x128xf32, #tpu.memory_space<hbm>> -> memref<520x128xf32, #tpu.memory_space<hbm>>
        tpu.wait_dma2 semaphore(%run_scoped3A : memref<!tpu.dma_semaphore, #tpu.memory_space<semaphore_mem>>) src(%dma_wait3A_42 : memref<520x128xf32, #tpu.memory_space<hbm>>) dst(%dma_wait3A_40 : memref<520x128xf32, #tpu.memory_space<vmem_shared>>)
        tpu.yield
      }) : () -> ()
    } else {
    }
    %mul3A_10 = arith.constant 64 : i32
    %mul3A_11 = arith.muli %arg0, %mul3A_10 : i32
    "tpu.region"() ({
      %run_scoped3A = tpu.sem_alloc : memref<!tpu.dma_semaphore, #tpu.memory_space<semaphore_mem>>
      %dma_start3A = arith.constant 0 : i32
      %dma_start3A_37 = tpu.memref_slice %arg2[%arg1, %mul3A_11, %dma_start3A] : memref<16x128x80xi32, #tpu.memory_space<hbm>> -> memref<1x64x80xi32, #tpu.memory_space<hbm>>
      %dma_start3A_38 = tpu.memref_squeeze %dma_start3A_37 : memref<1x64x80xi32, #tpu.memory_space<hbm>> -> memref<64x80xi32, #tpu.memory_space<hbm>>
      %dma_start3A_39 = arith.constant 0 : i32
      %dma_start3A_40 = tpu.memref_slice %arg2[%arg1, %mul3A_11, %dma_start3A_39] : memref<16x128x80xi32, #tpu.memory_space<hbm>> -> memref<1x64x80xi32, #tpu.memory_space<hbm>>
      %dma_start3A_41 = tpu.memref_squeeze %dma_start3A_40 : memref<1x64x80xi32, #tpu.memory_space<hbm>> -> memref<64x80xi32, #tpu.memory_space<hbm>>
      tpu.enqueue_dma source(%dma_start3A_41 : memref<64x80xi32, #tpu.memory_space<hbm>>) target(%arg6 : memref<64x80xi32, #tpu.memory_space<vmem>>) target_semaphore(%run_scoped3A : memref<!tpu.dma_semaphore, #tpu.memory_space<semaphore_mem>>)
      %dma_wait3A = arith.constant 0 : i32
      %dma_wait3A_42 = tpu.memref_slice %arg2[%arg1, %mul3A_11, %dma_wait3A] : memref<16x128x80xi32, #tpu.memory_space<hbm>> -> memref<1x64x80xi32, #tpu.memory_space<hbm>>
      %dma_wait3A_43 = tpu.memref_squeeze %dma_wait3A_42 : memref<1x64x80xi32, #tpu.memory_space<hbm>> -> memref<64x80xi32, #tpu.memory_space<hbm>>
      %dma_wait3A_44 = arith.constant 0 : i32
      %dma_wait3A_45 = tpu.memref_slice %arg2[%arg1, %mul3A_11, %dma_wait3A_44] : memref<16x128x80xi32, #tpu.memory_space<hbm>> -> memref<1x64x80xi32, #tpu.memory_space<hbm>>
      %dma_wait3A_46 = tpu.memref_squeeze %dma_wait3A_45 : memref<1x64x80xi32, #tpu.memory_space<hbm>> -> memref<64x80xi32, #tpu.memory_space<hbm>>
      tpu.wait_dma2 semaphore(%run_scoped3A : memref<!tpu.dma_semaphore, #tpu.memory_space<semaphore_mem>>) src(%dma_wait3A_46 : memref<64x80xi32, #tpu.memory_space<hbm>>) dst(%arg6 : memref<64x80xi32, #tpu.memory_space<vmem>>)
      tpu.yield
    }) : () -> ()
    "tpu.region"() ({
      %run_scoped3A = tpu.sem_alloc : memref<!tpu.dma_semaphore, #tpu.memory_space<semaphore_mem>>
      tpu.enqueue_dma source(%arg4 : memref<80x128xf32, #tpu.memory_space<hbm>>) target(%arg7 : memref<80x128xf32, #tpu.memory_space<vmem>>) target_semaphore(%run_scoped3A : memref<!tpu.dma_semaphore, #tpu.memory_space<semaphore_mem>>)
      tpu.wait_dma2 semaphore(%run_scoped3A : memref<!tpu.dma_semaphore, #tpu.memory_space<semaphore_mem>>) src(%arg4 : memref<80x128xf32, #tpu.memory_space<hbm>>) dst(%arg7 : memref<80x128xf32, #tpu.memory_space<vmem>>)
      tpu.yield
    }) : () -> ()
    %barrier3A = arith.constant 0 : index
    tpu.barrier barrier_id(%barrier3A)
    %while3A = arith.constant 0 : i32
    %while3A_12 = arith.constant 0 : i32
    %while3A_13 = arith.subi %sub3A_3, %while3A_12 : i32
    %while3A_14 = arith.addi %while3A_12, %while3A_13 : i32
    %while3A_15 = arith.constant 1 : i32
    %while3A_16 = arith.divsi %while3A_13, %while3A_15 : i32
    %while3A_17 = arith.muli %while3A_16, %while3A_15 : i32
    %while3A_18 = arith.addi %while3A_12, %while3A_17 : i32
    %while3A_19 = arith.constant 1 : i32
    scf.for %while3A_37 = %while3A_12 to %while3A_18 step %while3A_19  : i32 {
      %ge3A = arith.constant 8 : i32
      %ge3A_38 = arith.cmpi sge, %while3A_37, %ge3A : i32
      %convert_element_type3A_39 = arith.extui %ge3A_38 : i1 to i32
      %cond3A_40 = arith.constant 0 : i32
      %cond3A_41 = arith.cmpi ne, %convert_element_type3A_39, %cond3A_40 : i32
      scf.if %cond3A_41 {
        %dma_wait3A = arith.constant 0 : i32
        %dma_wait3A_47 = arith.constant 0 : i32
        %dma_wait3A_48 = tpu.memref_slice %arg6[%dma_wait3A, %dma_wait3A_47] : memref<64x80xi32, #tpu.memory_space<vmem>> -> memref<1x80xi32, #tpu.memory_space<vmem>>
        %dma_wait3A_49 = tpu.memref_squeeze %dma_wait3A_48 : memref<1x80xi32, #tpu.memory_space<vmem>> -> memref<80xi32, #tpu.memory_space<vmem>>
        %dma_wait3A_50 = arith.constant 0 : i32
        %dma_wait3A_51 = arith.constant 0 : i32
        %dma_wait3A_52 = tpu.memref_slice %arg8[%dma_wait3A_50, %dma_wait3A_51] : memref<10000x128xf32, #tpu.memory_space<vmem_shared>> -> memref<10000x128xf32, #tpu.memory_space<vmem_shared>>
        tpu.wait_indirect_dma semaphore(%arg9 : memref<!tpu.dma_semaphore, #tpu.memory_space<semaphore_mem>>) src(%arg7 : memref<80x128xf32, #tpu.memory_space<vmem>>) dst(%dma_wait3A_52 : memref<10000x128xf32, #tpu.memory_space<vmem_shared>>)
      } else {
      }
      %dma_start3A = arith.constant 0 : i32
      %dma_start3A_42 = tpu.memref_slice %arg6[%while3A_37, %dma_start3A] : memref<64x80xi32, #tpu.memory_space<vmem>> -> memref<1x80xi32, #tpu.memory_space<vmem>>
      %dma_start3A_43 = tpu.memref_squeeze %dma_start3A_42 : memref<1x80xi32, #tpu.memory_space<vmem>> -> memref<80xi32, #tpu.memory_space<vmem>>
      %dma_start3A_44 = arith.constant 0 : i32
      %dma_start3A_45 = arith.constant 0 : i32
      %dma_start3A_46 = tpu.memref_slice %arg8[%dma_start3A_44, %dma_start3A_45] : memref<10000x128xf32, #tpu.memory_space<vmem_shared>> -> memref<10000x128xf32, #tpu.memory_space<vmem_shared>>
      tpu.enqueue_indirect_dma source(%arg7 : memref<80x128xf32, #tpu.memory_space<vmem>>) target(%dma_start3A_46 : memref<10000x128xf32, #tpu.memory_space<vmem_shared>>) offsets(%dma_start3A_43 : memref<80xi32, #tpu.memory_space<vmem>>) semaphore(%arg9 : memref<!tpu.dma_semaphore, #tpu.memory_space<semaphore_mem>>) {add = true}
    }
    %while3A_20 = arith.constant 1 : i32
    scf.for %while3A_37 = %while3A_18 to %while3A_14 step %while3A_20  : i32 {
      %ge3A = arith.constant 8 : i32
      %ge3A_38 = arith.cmpi sge, %while3A_37, %ge3A : i32
      %convert_element_type3A_39 = arith.extui %ge3A_38 : i1 to i32
      %cond3A_40 = arith.constant 0 : i32
      %cond3A_41 = arith.cmpi ne, %convert_element_type3A_39, %cond3A_40 : i32
      scf.if %cond3A_41 {
        %dma_wait3A = arith.constant 0 : i32
        %dma_wait3A_47 = arith.constant 0 : i32
        %dma_wait3A_48 = tpu.memref_slice %arg6[%dma_wait3A, %dma_wait3A_47] : memref<64x80xi32, #tpu.memory_space<vmem>> -> memref<1x80xi32, #tpu.memory_space<vmem>>
        %dma_wait3A_49 = tpu.memref_squeeze %dma_wait3A_48 : memref<1x80xi32, #tpu.memory_space<vmem>> -> memref<80xi32, #tpu.memory_space<vmem>>
        %dma_wait3A_50 = arith.constant 0 : i32
        %dma_wait3A_51 = arith.constant 0 : i32
        %dma_wait3A_52 = tpu.memref_slice %arg8[%dma_wait3A_50, %dma_wait3A_51] : memref<10000x128xf32, #tpu.memory_space<vmem_shared>> -> memref<10000x128xf32, #tpu.memory_space<vmem_shared>>
        tpu.wait_indirect_dma semaphore(%arg9 : memref<!tpu.dma_semaphore, #tpu.memory_space<semaphore_mem>>) src(%arg7 : memref<80x128xf32, #tpu.memory_space<vmem>>) dst(%dma_wait3A_52 : memref<10000x128xf32, #tpu.memory_space<vmem_shared>>)
      } else {
      }
      %dma_start3A = arith.constant 0 : i32
      %dma_start3A_42 = tpu.memref_slice %arg6[%while3A_37, %dma_start3A] : memref<64x80xi32, #tpu.memory_space<vmem>> -> memref<1x80xi32, #tpu.memory_space<vmem>>
      %dma_start3A_43 = tpu.memref_squeeze %dma_start3A_42 : memref<1x80xi32, #tpu.memory_space<vmem>> -> memref<80xi32, #tpu.memory_space<vmem>>
      %dma_start3A_44 = arith.constant 0 : i32
      %dma_start3A_45 = arith.constant 0 : i32
      %dma_start3A_46 = tpu.memref_slice %arg8[%dma_start3A_44, %dma_start3A_45] : memref<10000x128xf32, #tpu.memory_space<vmem_shared>> -> memref<10000x128xf32, #tpu.memory_space<vmem_shared>>
      tpu.enqueue_indirect_dma source(%arg7 : memref<80x128xf32, #tpu.memory_space<vmem>>) target(%dma_start3A_46 : memref<10000x128xf32, #tpu.memory_space<vmem_shared>>) offsets(%dma_start3A_43 : memref<80xi32, #tpu.memory_space<vmem>>) semaphore(%arg9 : memref<!tpu.dma_semaphore, #tpu.memory_space<semaphore_mem>>) {add = true}
    }
    %scan3A = arith.constant 0 : i32
    %scan3A_21 = arith.constant 0 : i32
    %scan3A_22 = arith.constant 8 : i32
    %scan3A_23 = arith.addi %scan3A_21, %scan3A_22 : i32
    %scan3A_24 = arith.constant 1 : i32
    scf.for %scan3A_37 = %scan3A_21 to %scan3A_23 step %scan3A_24  : i32 {
      %dma_wait3A = arith.constant 0 : i32
      %dma_wait3A_38 = arith.constant 0 : i32
      %dma_wait3A_39 = tpu.memref_slice %arg6[%dma_wait3A, %dma_wait3A_38] : memref<64x80xi32, #tpu.memory_space<vmem>> -> memref<1x80xi32, #tpu.memory_space<vmem>>
      %dma_wait3A_40 = tpu.memref_squeeze %dma_wait3A_39 : memref<1x80xi32, #tpu.memory_space<vmem>> -> memref<80xi32, #tpu.memory_space<vmem>>
      %dma_wait3A_41 = arith.constant 0 : i32
      %dma_wait3A_42 = arith.constant 0 : i32
      %dma_wait3A_43 = tpu.memref_slice %arg8[%dma_wait3A_41, %dma_wait3A_42] : memref<10000x128xf32, #tpu.memory_space<vmem_shared>> -> memref<10000x128xf32, #tpu.memory_space<vmem_shared>>
      tpu.wait_indirect_dma semaphore(%arg9 : memref<!tpu.dma_semaphore, #tpu.memory_space<semaphore_mem>>) src(%arg7 : memref<80x128xf32, #tpu.memory_space<vmem>>) dst(%dma_wait3A_43 : memref<10000x128xf32, #tpu.memory_space<vmem_shared>>)
    }
    %scan3A_25 = arith.constant 8 : i32
    %barrier3A_26 = arith.constant 0 : index
    tpu.barrier barrier_id(%barrier3A_26)
    %lt3A_27 = arith.constant 15 : i32
    %lt3A_28 = arith.cmpi slt, %arg1, %lt3A_27 : i32
    %convert_element_type3A_29 = arith.extui %lt3A_28 : i1 to i32
    %cond3A_30 = arith.constant 0 : i32
    %cond3A_31 = arith.cmpi ne, %convert_element_type3A_29, %cond3A_30 : i32
    scf.if %cond3A_31 {
      "tpu.region"() ({
        %run_scoped3A = tpu.sem_alloc : memref<!tpu.dma_semaphore, #tpu.memory_space<semaphore_mem>>
        %dma_start3A = arith.constant 0 : i32
        %dma_start3A_37 = tpu.memref_slice %arg5[%arg0, %mul3A_0, %dma_start3A] : memref<2x10000x128xf32, #tpu.memory_space<hbm>> -> memref<1x632x128xf32, #tpu.memory_space<hbm>>
        %dma_start3A_38 = tpu.memref_squeeze %dma_start3A_37 : memref<1x632x128xf32, #tpu.memory_space<hbm>> -> memref<632x128xf32, #tpu.memory_space<hbm>>
        %dma_start3A_39 = arith.constant 0 : i32
        %dma_start3A_40 = tpu.memref_slice %arg8[%mul3A_0, %dma_start3A_39] : memref<10000x128xf32, #tpu.memory_space<vmem_shared>> -> memref<632x128xf32, #tpu.memory_space<vmem_shared>>
        tpu.enqueue_dma source(%dma_start3A_40 : memref<632x128xf32, #tpu.memory_space<vmem_shared>>) target(%dma_start3A_38 : memref<632x128xf32, #tpu.memory_space<hbm>>) target_semaphore(%run_scoped3A : memref<!tpu.dma_semaphore, #tpu.memory_space<semaphore_mem>>)
        %dma_wait3A = arith.constant 0 : i32
        %dma_wait3A_41 = tpu.memref_slice %arg5[%arg0, %mul3A_0, %dma_wait3A] : memref<2x10000x128xf32, #tpu.memory_space<hbm>> -> memref<1x632x128xf32, #tpu.memory_space<hbm>>
        %dma_wait3A_42 = tpu.memref_squeeze %dma_wait3A_41 : memref<1x632x128xf32, #tpu.memory_space<hbm>> -> memref<632x128xf32, #tpu.memory_space<hbm>>
        %dma_wait3A_43 = arith.constant 0 : i32
        %dma_wait3A_44 = tpu.memref_slice %arg8[%mul3A_0, %dma_wait3A_43] : memref<10000x128xf32, #tpu.memory_space<vmem_shared>> -> memref<632x128xf32, #tpu.memory_space<vmem_shared>>
        tpu.wait_dma2 semaphore(%run_scoped3A : memref<!tpu.dma_semaphore, #tpu.memory_space<semaphore_mem>>) src(%dma_wait3A_44 : memref<632x128xf32, #tpu.memory_space<vmem_shared>>) dst(%dma_wait3A_42 : memref<632x128xf32, #tpu.memory_space<hbm>>)
        tpu.yield
      }) : () -> ()
    } else {
    }
    %eq3A_32 = arith.constant 15 : i32
    %eq3A_33 = arith.cmpi eq, %arg1, %eq3A_32 : i32
    %convert_element_type3A_34 = arith.extui %eq3A_33 : i1 to i32
    %cond3A_35 = arith.constant 0 : i32
    %cond3A_36 = arith.cmpi ne, %convert_element_type3A_34, %cond3A_35 : i32
    scf.if %cond3A_36 {
      "tpu.region"() ({
        %run_scoped3A = tpu.sem_alloc : memref<!tpu.dma_semaphore, #tpu.memory_space<semaphore_mem>>
        %dma_start3A = arith.constant 0 : i32
        %dma_start3A_37 = tpu.memref_slice %arg5[%arg0, %mul3A_0, %dma_start3A] : memref<2x10000x128xf32, #tpu.memory_space<hbm>> -> memref<1x520x128xf32, #tpu.memory_space<hbm>>
        %dma_start3A_38 = tpu.memref_squeeze %dma_start3A_37 : memref<1x520x128xf32, #tpu.memory_space<hbm>> -> memref<520x128xf32, #tpu.memory_space<hbm>>
        %dma_start3A_39 = arith.constant 0 : i32
        %dma_start3A_40 = tpu.memref_slice %arg8[%mul3A_0, %dma_start3A_39] : memref<10000x128xf32, #tpu.memory_space<vmem_shared>> -> memref<520x128xf32, #tpu.memory_space<vmem_shared>>
        tpu.enqueue_dma source(%dma_start3A_40 : memref<520x128xf32, #tpu.memory_space<vmem_shared>>) target(%dma_start3A_38 : memref<520x128xf32, #tpu.memory_space<hbm>>) target_semaphore(%run_scoped3A : memref<!tpu.dma_semaphore, #tpu.memory_space<semaphore_mem>>)
        %dma_wait3A = arith.constant 0 : i32
        %dma_wait3A_41 = tpu.memref_slice %arg5[%arg0, %mul3A_0, %dma_wait3A] : memref<2x10000x128xf32, #tpu.memory_space<hbm>> -> memref<1x520x128xf32, #tpu.memory_space<hbm>>
        %dma_wait3A_42 = tpu.memref_squeeze %dma_wait3A_41 : memref<1x520x128xf32, #tpu.memory_space<hbm>> -> memref<520x128xf32, #tpu.memory_space<hbm>>
        %dma_wait3A_43 = arith.constant 0 : i32
        %dma_wait3A_44 = tpu.memref_slice %arg8[%mul3A_0, %dma_wait3A_43] : memref<10000x128xf32, #tpu.memory_space<vmem_shared>> -> memref<520x128xf32, #tpu.memory_space<vmem_shared>>
        tpu.wait_dma2 semaphore(%run_scoped3A : memref<!tpu.dma_semaphore, #tpu.memory_space<semaphore_mem>>) src(%dma_wait3A_44 : memref<520x128xf32, #tpu.memory_space<vmem_shared>>) dst(%dma_wait3A_42 : memref<520x128xf32, #tpu.memory_space<hbm>>)
        tpu.yield
      }) : () -> ()
    } else {
    }
    return
  }
}

#map = affine_map<(d0, d1) -> (0, 0)>
#map1 = affine_map<(d0, d1) -> (0, 0, 0, 0)>
#map2 = affine_map<(d0, d1) -> (0, 0, 0)>
module attributes {stable_mosaic.version = 14 : i64} {
  func.func @_agg_sc(%arg0: i32, %arg1: i32, %arg2: memref<20000x128xf32, #tpu.memory_space<hbm>>, %arg3: memref<2x16x128x80xi32, #tpu.memory_space<hbm>>, %arg4: memref<16x128x80xi32, #tpu.memory_space<hbm>>, %arg5: memref<20000x128xf32, #tpu.memory_space<hbm>>, %arg6: memref<16x80xi32, #tpu.memory_space<vmem>>, %arg7: memref<16x80xi32, #tpu.memory_space<vmem>>, %arg8: memref<16x80xi32, #tpu.memory_space<vmem>>, %arg9: memref<16x80xi32, #tpu.memory_space<vmem>>, %arg10: memref<80x128xf32, #tpu.memory_space<vmem>>, %arg11: memref<80x128xf32, #tpu.memory_space<vmem>>, %arg12: memref<80x128xf32, #tpu.memory_space<vmem>>, %arg13: memref<80x128xf32, #tpu.memory_space<vmem>>, %arg14: memref<10000x128xf32, #tpu.memory_space<vmem_shared>>, %arg15: memref<!tpu.dma_semaphore, #tpu.memory_space<semaphore_mem>>, %arg16: memref<!tpu.dma_semaphore, #tpu.memory_space<semaphore_mem>>, %arg17: memref<!tpu.dma_semaphore, #tpu.memory_space<semaphore_mem>>, %arg18: memref<!tpu.dma_semaphore, #tpu.memory_space<semaphore_mem>>, %arg19: memref<!tpu.dma_semaphore, #tpu.memory_space<semaphore_mem>>, %arg20: memref<!tpu.dma_semaphore, #tpu.memory_space<semaphore_mem>>, %arg21: memref<!tpu.dma_semaphore, #tpu.memory_space<semaphore_mem>>, %arg22: memref<!tpu.dma_semaphore, #tpu.memory_space<semaphore_mem>>, %arg23: memref<!tpu.dma_semaphore, #tpu.memory_space<semaphore_mem>>, %arg24: memref<!tpu.dma_semaphore, #tpu.memory_space<semaphore_mem>>, %arg25: memref<!tpu.dma_semaphore, #tpu.memory_space<semaphore_mem>>, %arg26: memref<!tpu.dma_semaphore, #tpu.memory_space<semaphore_mem>>) attributes {dimension_semantics = [#tpu.dimension_semantics<core_parallel>, #tpu.dimension_semantics<subcore_parallel>], iteration_bounds = array<i64: 2, 16>, scalar_prefetch = 0 : i64, scratch_operands = 21 : i64, tpu.core_type = #tpu.core_type<sc_vector_subcore>, window_params = [{transform_indices = #map}, {transform_indices = #map1}, {transform_indices = #map2}, {transform_indices = #map}]} {
    %mul3A = arith.constant 10000 : i32
    %mul3A_0 = arith.muli %arg0, %mul3A : i32
    %mul3A_1 = arith.constant 632 : i32
    %mul3A_2 = arith.muli %arg1, %mul3A_1 : i32
    %lt3A = arith.constant 15 : i32
    %lt3A_3 = arith.cmpi slt, %arg1, %lt3A : i32
    %convert_element_type3A = arith.extui %lt3A_3 : i1 to i32
    %cond3A = arith.constant 0 : i32
    %cond3A_4 = arith.cmpi ne, %convert_element_type3A, %cond3A : i32
    scf.if %cond3A_4 {
      %add3A = arith.addi %mul3A_0, %mul3A_2 : i32
      "tpu.region"() ({
        %run_scoped3A = tpu.sem_alloc : memref<!tpu.dma_semaphore, #tpu.memory_space<semaphore_mem>>
        %dma_start3A_146 = arith.constant 0 : i32
        %dma_start3A_147 = tpu.memref_slice %arg14[%mul3A_2, %dma_start3A_146] : memref<10000x128xf32, #tpu.memory_space<vmem_shared>> -> memref<632x128xf32, #tpu.memory_space<vmem_shared>>
        %dma_start3A_148 = arith.constant 0 : i32
        %dma_start3A_149 = tpu.memref_slice %arg2[%add3A, %dma_start3A_148] : memref<20000x128xf32, #tpu.memory_space<hbm>> -> memref<632x128xf32, #tpu.memory_space<hbm>>
        tpu.enqueue_dma source(%dma_start3A_149 : memref<632x128xf32, #tpu.memory_space<hbm>>) target(%dma_start3A_147 : memref<632x128xf32, #tpu.memory_space<vmem_shared>>) target_semaphore(%run_scoped3A : memref<!tpu.dma_semaphore, #tpu.memory_space<semaphore_mem>>)
        %dma_wait3A_150 = arith.constant 0 : i32
        %dma_wait3A_151 = tpu.memref_slice %arg14[%mul3A_2, %dma_wait3A_150] : memref<10000x128xf32, #tpu.memory_space<vmem_shared>> -> memref<632x128xf32, #tpu.memory_space<vmem_shared>>
        %dma_wait3A_152 = arith.constant 0 : i32
        %dma_wait3A_153 = tpu.memref_slice %arg2[%add3A, %dma_wait3A_152] : memref<20000x128xf32, #tpu.memory_space<hbm>> -> memref<632x128xf32, #tpu.memory_space<hbm>>
        tpu.wait_dma2 semaphore(%run_scoped3A : memref<!tpu.dma_semaphore, #tpu.memory_space<semaphore_mem>>) src(%dma_wait3A_153 : memref<632x128xf32, #tpu.memory_space<hbm>>) dst(%dma_wait3A_151 : memref<632x128xf32, #tpu.memory_space<vmem_shared>>)
        tpu.yield
      }) : () -> ()
    } else {
    }
    %eq3A = arith.constant 15 : i32
    %eq3A_5 = arith.cmpi eq, %arg1, %eq3A : i32
    %convert_element_type3A_6 = arith.extui %eq3A_5 : i1 to i32
    %cond3A_7 = arith.constant 0 : i32
    %cond3A_8 = arith.cmpi ne, %convert_element_type3A_6, %cond3A_7 : i32
    scf.if %cond3A_8 {
      %add3A = arith.addi %mul3A_0, %mul3A_2 : i32
      "tpu.region"() ({
        %run_scoped3A = tpu.sem_alloc : memref<!tpu.dma_semaphore, #tpu.memory_space<semaphore_mem>>
        %dma_start3A_146 = arith.constant 0 : i32
        %dma_start3A_147 = tpu.memref_slice %arg14[%mul3A_2, %dma_start3A_146] : memref<10000x128xf32, #tpu.memory_space<vmem_shared>> -> memref<520x128xf32, #tpu.memory_space<vmem_shared>>
        %dma_start3A_148 = arith.constant 0 : i32
        %dma_start3A_149 = tpu.memref_slice %arg2[%add3A, %dma_start3A_148] : memref<20000x128xf32, #tpu.memory_space<hbm>> -> memref<520x128xf32, #tpu.memory_space<hbm>>
        tpu.enqueue_dma source(%dma_start3A_149 : memref<520x128xf32, #tpu.memory_space<hbm>>) target(%dma_start3A_147 : memref<520x128xf32, #tpu.memory_space<vmem_shared>>) target_semaphore(%run_scoped3A : memref<!tpu.dma_semaphore, #tpu.memory_space<semaphore_mem>>)
        %dma_wait3A_150 = arith.constant 0 : i32
        %dma_wait3A_151 = tpu.memref_slice %arg14[%mul3A_2, %dma_wait3A_150] : memref<10000x128xf32, #tpu.memory_space<vmem_shared>> -> memref<520x128xf32, #tpu.memory_space<vmem_shared>>
        %dma_wait3A_152 = arith.constant 0 : i32
        %dma_wait3A_153 = tpu.memref_slice %arg2[%add3A, %dma_wait3A_152] : memref<20000x128xf32, #tpu.memory_space<hbm>> -> memref<520x128xf32, #tpu.memory_space<hbm>>
        tpu.wait_dma2 semaphore(%run_scoped3A : memref<!tpu.dma_semaphore, #tpu.memory_space<semaphore_mem>>) src(%dma_wait3A_153 : memref<520x128xf32, #tpu.memory_space<hbm>>) dst(%dma_wait3A_151 : memref<520x128xf32, #tpu.memory_space<vmem_shared>>)
        tpu.yield
      }) : () -> ()
    } else {
    }
    %dma_start3A = arith.constant 0 : i32
    %dma_start3A_9 = arith.constant 0 : i32
    %dma_start3A_10 = tpu.memref_slice %arg3[%arg0, %arg1, %dma_start3A, %dma_start3A_9] : memref<2x16x128x80xi32, #tpu.memory_space<hbm>> -> memref<1x1x16x80xi32, #tpu.memory_space<hbm>>
    %dma_start3A_11 = tpu.memref_squeeze %dma_start3A_10 : memref<1x1x16x80xi32, #tpu.memory_space<hbm>> -> memref<16x80xi32, #tpu.memory_space<hbm>>
    %dma_start3A_12 = arith.constant 0 : i32
    %dma_start3A_13 = arith.constant 0 : i32
    %dma_start3A_14 = tpu.memref_slice %arg3[%arg0, %arg1, %dma_start3A_12, %dma_start3A_13] : memref<2x16x128x80xi32, #tpu.memory_space<hbm>> -> memref<1x1x16x80xi32, #tpu.memory_space<hbm>>
    %dma_start3A_15 = tpu.memref_squeeze %dma_start3A_14 : memref<1x1x16x80xi32, #tpu.memory_space<hbm>> -> memref<16x80xi32, #tpu.memory_space<hbm>>
    tpu.enqueue_dma source(%dma_start3A_15 : memref<16x80xi32, #tpu.memory_space<hbm>>) target(%arg6 : memref<16x80xi32, #tpu.memory_space<vmem>>) target_semaphore(%arg23 : memref<!tpu.dma_semaphore, #tpu.memory_space<semaphore_mem>>)
    %dma_start3A_16 = arith.constant 0 : i32
    %dma_start3A_17 = arith.constant 0 : i32
    %dma_start3A_18 = tpu.memref_slice %arg4[%arg1, %dma_start3A_16, %dma_start3A_17] : memref<16x128x80xi32, #tpu.memory_space<hbm>> -> memref<1x16x80xi32, #tpu.memory_space<hbm>>
    %dma_start3A_19 = tpu.memref_squeeze %dma_start3A_18 : memref<1x16x80xi32, #tpu.memory_space<hbm>> -> memref<16x80xi32, #tpu.memory_space<hbm>>
    %dma_start3A_20 = arith.constant 0 : i32
    %dma_start3A_21 = arith.constant 0 : i32
    %dma_start3A_22 = tpu.memref_slice %arg4[%arg1, %dma_start3A_20, %dma_start3A_21] : memref<16x128x80xi32, #tpu.memory_space<hbm>> -> memref<1x16x80xi32, #tpu.memory_space<hbm>>
    %dma_start3A_23 = tpu.memref_squeeze %dma_start3A_22 : memref<1x16x80xi32, #tpu.memory_space<hbm>> -> memref<16x80xi32, #tpu.memory_space<hbm>>
    tpu.enqueue_dma source(%dma_start3A_23 : memref<16x80xi32, #tpu.memory_space<hbm>>) target(%arg8 : memref<16x80xi32, #tpu.memory_space<vmem>>) target_semaphore(%arg25 : memref<!tpu.dma_semaphore, #tpu.memory_space<semaphore_mem>>)
    %dma_start3A_24 = arith.constant 16 : i32
    %dma_start3A_25 = arith.constant 0 : i32
    %dma_start3A_26 = tpu.memref_slice %arg3[%arg0, %arg1, %dma_start3A_24, %dma_start3A_25] : memref<2x16x128x80xi32, #tpu.memory_space<hbm>> -> memref<1x1x16x80xi32, #tpu.memory_space<hbm>>
    %dma_start3A_27 = tpu.memref_squeeze %dma_start3A_26 : memref<1x1x16x80xi32, #tpu.memory_space<hbm>> -> memref<16x80xi32, #tpu.memory_space<hbm>>
    %dma_start3A_28 = arith.constant 16 : i32
    %dma_start3A_29 = arith.constant 0 : i32
    %dma_start3A_30 = tpu.memref_slice %arg3[%arg0, %arg1, %dma_start3A_28, %dma_start3A_29] : memref<2x16x128x80xi32, #tpu.memory_space<hbm>> -> memref<1x1x16x80xi32, #tpu.memory_space<hbm>>
    %dma_start3A_31 = tpu.memref_squeeze %dma_start3A_30 : memref<1x1x16x80xi32, #tpu.memory_space<hbm>> -> memref<16x80xi32, #tpu.memory_space<hbm>>
    tpu.enqueue_dma source(%dma_start3A_31 : memref<16x80xi32, #tpu.memory_space<hbm>>) target(%arg7 : memref<16x80xi32, #tpu.memory_space<vmem>>) target_semaphore(%arg24 : memref<!tpu.dma_semaphore, #tpu.memory_space<semaphore_mem>>)
    %dma_start3A_32 = arith.constant 16 : i32
    %dma_start3A_33 = arith.constant 0 : i32
    %dma_start3A_34 = tpu.memref_slice %arg4[%arg1, %dma_start3A_32, %dma_start3A_33] : memref<16x128x80xi32, #tpu.memory_space<hbm>> -> memref<1x16x80xi32, #tpu.memory_space<hbm>>
    %dma_start3A_35 = tpu.memref_squeeze %dma_start3A_34 : memref<1x16x80xi32, #tpu.memory_space<hbm>> -> memref<16x80xi32, #tpu.memory_space<hbm>>
    %dma_start3A_36 = arith.constant 16 : i32
    %dma_start3A_37 = arith.constant 0 : i32
    %dma_start3A_38 = tpu.memref_slice %arg4[%arg1, %dma_start3A_36, %dma_start3A_37] : memref<16x128x80xi32, #tpu.memory_space<hbm>> -> memref<1x16x80xi32, #tpu.memory_space<hbm>>
    %dma_start3A_39 = tpu.memref_squeeze %dma_start3A_38 : memref<1x16x80xi32, #tpu.memory_space<hbm>> -> memref<16x80xi32, #tpu.memory_space<hbm>>
    tpu.enqueue_dma source(%dma_start3A_39 : memref<16x80xi32, #tpu.memory_space<hbm>>) target(%arg9 : memref<16x80xi32, #tpu.memory_space<vmem>>) target_semaphore(%arg26 : memref<!tpu.dma_semaphore, #tpu.memory_space<semaphore_mem>>)
    %dma_wait3A = arith.constant 0 : i32
    %dma_wait3A_40 = arith.constant 0 : i32
    %dma_wait3A_41 = tpu.memref_slice %arg3[%arg0, %arg1, %dma_wait3A, %dma_wait3A_40] : memref<2x16x128x80xi32, #tpu.memory_space<hbm>> -> memref<1x1x16x80xi32, #tpu.memory_space<hbm>>
    %dma_wait3A_42 = tpu.memref_squeeze %dma_wait3A_41 : memref<1x1x16x80xi32, #tpu.memory_space<hbm>> -> memref<16x80xi32, #tpu.memory_space<hbm>>
    %dma_wait3A_43 = arith.constant 0 : i32
    %dma_wait3A_44 = arith.constant 0 : i32
    %dma_wait3A_45 = tpu.memref_slice %arg3[%arg0, %arg1, %dma_wait3A_43, %dma_wait3A_44] : memref<2x16x128x80xi32, #tpu.memory_space<hbm>> -> memref<1x1x16x80xi32, #tpu.memory_space<hbm>>
    %dma_wait3A_46 = tpu.memref_squeeze %dma_wait3A_45 : memref<1x1x16x80xi32, #tpu.memory_space<hbm>> -> memref<16x80xi32, #tpu.memory_space<hbm>>
    tpu.wait_dma2 semaphore(%arg23 : memref<!tpu.dma_semaphore, #tpu.memory_space<semaphore_mem>>) src(%dma_wait3A_46 : memref<16x80xi32, #tpu.memory_space<hbm>>) dst(%arg6 : memref<16x80xi32, #tpu.memory_space<vmem>>)
    %dma_wait3A_47 = arith.constant 0 : i32
    %dma_wait3A_48 = arith.constant 0 : i32
    %dma_wait3A_49 = tpu.memref_slice %arg4[%arg1, %dma_wait3A_47, %dma_wait3A_48] : memref<16x128x80xi32, #tpu.memory_space<hbm>> -> memref<1x16x80xi32, #tpu.memory_space<hbm>>
    %dma_wait3A_50 = tpu.memref_squeeze %dma_wait3A_49 : memref<1x16x80xi32, #tpu.memory_space<hbm>> -> memref<16x80xi32, #tpu.memory_space<hbm>>
    %dma_wait3A_51 = arith.constant 0 : i32
    %dma_wait3A_52 = arith.constant 0 : i32
    %dma_wait3A_53 = tpu.memref_slice %arg4[%arg1, %dma_wait3A_51, %dma_wait3A_52] : memref<16x128x80xi32, #tpu.memory_space<hbm>> -> memref<1x16x80xi32, #tpu.memory_space<hbm>>
    %dma_wait3A_54 = tpu.memref_squeeze %dma_wait3A_53 : memref<1x16x80xi32, #tpu.memory_space<hbm>> -> memref<16x80xi32, #tpu.memory_space<hbm>>
    tpu.wait_dma2 semaphore(%arg25 : memref<!tpu.dma_semaphore, #tpu.memory_space<semaphore_mem>>) src(%dma_wait3A_54 : memref<16x80xi32, #tpu.memory_space<hbm>>) dst(%arg8 : memref<16x80xi32, #tpu.memory_space<vmem>>)
    %rem3A = arith.constant 0 : i32
    %rem3A_55 = arith.constant 16 : i32
    %rem3A_56 = arith.remsi %rem3A, %rem3A_55 : i32
    %rem3A_57 = arith.constant 0 : i32
    %rem3A_58 = arith.constant 2 : i32
    %rem3A_59 = arith.remsi %rem3A_57, %rem3A_58 : i32
    %eq3A_60 = arith.constant 0 : i32
    %eq3A_61 = arith.cmpi eq, %rem3A_59, %eq3A_60 : i32
    %convert_element_type3A_62 = arith.extui %eq3A_61 : i1 to i32
    %cond3A_63 = arith.constant 0 : i32
    %cond3A_64 = arith.cmpi ne, %convert_element_type3A_62, %cond3A_63 : i32
    scf.if %cond3A_64 {
      %dma_start3A_146 = arith.constant 0 : i32
      %dma_start3A_147 = tpu.memref_slice %arg6[%rem3A_56, %dma_start3A_146] : memref<16x80xi32, #tpu.memory_space<vmem>> -> memref<1x80xi32, #tpu.memory_space<vmem>>
      %dma_start3A_148 = tpu.memref_squeeze %dma_start3A_147 : memref<1x80xi32, #tpu.memory_space<vmem>> -> memref<80xi32, #tpu.memory_space<vmem>>
      %dma_start3A_149 = arith.constant 0 : i32
      %dma_start3A_150 = arith.constant 0 : i32
      %dma_start3A_151 = tpu.memref_slice %arg2[%dma_start3A_149, %dma_start3A_150] : memref<20000x128xf32, #tpu.memory_space<hbm>> -> memref<20000x128xf32, #tpu.memory_space<hbm>>
      tpu.enqueue_indirect_dma source(%dma_start3A_151 : memref<20000x128xf32, #tpu.memory_space<hbm>>) target(%arg10 : memref<80x128xf32, #tpu.memory_space<vmem>>) offsets(%dma_start3A_148 : memref<80xi32, #tpu.memory_space<vmem>>) semaphore(%arg15 : memref<!tpu.dma_semaphore, #tpu.memory_space<semaphore_mem>>)
    } else {
    }
    %eq3A_65 = arith.constant 1 : i32
    %eq3A_66 = arith.cmpi eq, %rem3A_59, %eq3A_65 : i32
    %convert_element_type3A_67 = arith.extui %eq3A_66 : i1 to i32
    %cond3A_68 = arith.constant 0 : i32
    %cond3A_69 = arith.cmpi ne, %convert_element_type3A_67, %cond3A_68 : i32
    scf.if %cond3A_69 {
      %dma_start3A_146 = arith.constant 0 : i32
      %dma_start3A_147 = tpu.memref_slice %arg7[%rem3A_56, %dma_start3A_146] : memref<16x80xi32, #tpu.memory_space<vmem>> -> memref<1x80xi32, #tpu.memory_space<vmem>>
      %dma_start3A_148 = tpu.memref_squeeze %dma_start3A_147 : memref<1x80xi32, #tpu.memory_space<vmem>> -> memref<80xi32, #tpu.memory_space<vmem>>
      %dma_start3A_149 = arith.constant 0 : i32
      %dma_start3A_150 = arith.constant 0 : i32
      %dma_start3A_151 = tpu.memref_slice %arg2[%dma_start3A_149, %dma_start3A_150] : memref<20000x128xf32, #tpu.memory_space<hbm>> -> memref<20000x128xf32, #tpu.memory_space<hbm>>
      tpu.enqueue_indirect_dma source(%dma_start3A_151 : memref<20000x128xf32, #tpu.memory_space<hbm>>) target(%arg10 : memref<80x128xf32, #tpu.memory_space<vmem>>) offsets(%dma_start3A_148 : memref<80xi32, #tpu.memory_space<vmem>>) semaphore(%arg15 : memref<!tpu.dma_semaphore, #tpu.memory_space<semaphore_mem>>)
    } else {
    }
    %rem3A_70 = arith.constant 1 : i32
    %rem3A_71 = arith.constant 16 : i32
    %rem3A_72 = arith.remsi %rem3A_70, %rem3A_71 : i32
    %rem3A_73 = arith.constant 0 : i32
    %rem3A_74 = arith.constant 2 : i32
    %rem3A_75 = arith.remsi %rem3A_73, %rem3A_74 : i32
    %eq3A_76 = arith.constant 0 : i32
    %eq3A_77 = arith.cmpi eq, %rem3A_75, %eq3A_76 : i32
    %convert_element_type3A_78 = arith.extui %eq3A_77 : i1 to i32
    %cond3A_79 = arith.constant 0 : i32
    %cond3A_80 = arith.cmpi ne, %convert_element_type3A_78, %cond3A_79 : i32
    scf.if %cond3A_80 {
      %dma_start3A_146 = arith.constant 0 : i32
      %dma_start3A_147 = tpu.memref_slice %arg6[%rem3A_72, %dma_start3A_146] : memref<16x80xi32, #tpu.memory_space<vmem>> -> memref<1x80xi32, #tpu.memory_space<vmem>>
      %dma_start3A_148 = tpu.memref_squeeze %dma_start3A_147 : memref<1x80xi32, #tpu.memory_space<vmem>> -> memref<80xi32, #tpu.memory_space<vmem>>
      %dma_start3A_149 = arith.constant 0 : i32
      %dma_start3A_150 = arith.constant 0 : i32
      %dma_start3A_151 = tpu.memref_slice %arg2[%dma_start3A_149, %dma_start3A_150] : memref<20000x128xf32, #tpu.memory_space<hbm>> -> memref<20000x128xf32, #tpu.memory_space<hbm>>
      tpu.enqueue_indirect_dma source(%dma_start3A_151 : memref<20000x128xf32, #tpu.memory_space<hbm>>) target(%arg11 : memref<80x128xf32, #tpu.memory_space<vmem>>) offsets(%dma_start3A_148 : memref<80xi32, #tpu.memory_space<vmem>>) semaphore(%arg16 : memref<!tpu.dma_semaphore, #tpu.memory_space<semaphore_mem>>)
    } else {
    }
    %eq3A_81 = arith.constant 1 : i32
    %eq3A_82 = arith.cmpi eq, %rem3A_75, %eq3A_81 : i32
    %convert_element_type3A_83 = arith.extui %eq3A_82 : i1 to i32
    %cond3A_84 = arith.constant 0 : i32
    %cond3A_85 = arith.cmpi ne, %convert_element_type3A_83, %cond3A_84 : i32
    scf.if %cond3A_85 {
      %dma_start3A_146 = arith.constant 0 : i32
      %dma_start3A_147 = tpu.memref_slice %arg7[%rem3A_72, %dma_start3A_146] : memref<16x80xi32, #tpu.memory_space<vmem>> -> memref<1x80xi32, #tpu.memory_space<vmem>>
      %dma_start3A_148 = tpu.memref_squeeze %dma_start3A_147 : memref<1x80xi32, #tpu.memory_space<vmem>> -> memref<80xi32, #tpu.memory_space<vmem>>
      %dma_start3A_149 = arith.constant 0 : i32
      %dma_start3A_150 = arith.constant 0 : i32
      %dma_start3A_151 = tpu.memref_slice %arg2[%dma_start3A_149, %dma_start3A_150] : memref<20000x128xf32, #tpu.memory_space<hbm>> -> memref<20000x128xf32, #tpu.memory_space<hbm>>
      tpu.enqueue_indirect_dma source(%dma_start3A_151 : memref<20000x128xf32, #tpu.memory_space<hbm>>) target(%arg11 : memref<80x128xf32, #tpu.memory_space<vmem>>) offsets(%dma_start3A_148 : memref<80xi32, #tpu.memory_space<vmem>>) semaphore(%arg16 : memref<!tpu.dma_semaphore, #tpu.memory_space<semaphore_mem>>)
    } else {
    }
    %rem3A_86 = arith.constant 2 : i32
    %rem3A_87 = arith.constant 16 : i32
    %rem3A_88 = arith.remsi %rem3A_86, %rem3A_87 : i32
    %rem3A_89 = arith.constant 0 : i32
    %rem3A_90 = arith.constant 2 : i32
    %rem3A_91 = arith.remsi %rem3A_89, %rem3A_90 : i32
    %eq3A_92 = arith.constant 0 : i32
    %eq3A_93 = arith.cmpi eq, %rem3A_91, %eq3A_92 : i32
    %convert_element_type3A_94 = arith.extui %eq3A_93 : i1 to i32
    %cond3A_95 = arith.constant 0 : i32
    %cond3A_96 = arith.cmpi ne, %convert_element_type3A_94, %cond3A_95 : i32
    scf.if %cond3A_96 {
      %dma_start3A_146 = arith.constant 0 : i32
      %dma_start3A_147 = tpu.memref_slice %arg6[%rem3A_88, %dma_start3A_146] : memref<16x80xi32, #tpu.memory_space<vmem>> -> memref<1x80xi32, #tpu.memory_space<vmem>>
      %dma_start3A_148 = tpu.memref_squeeze %dma_start3A_147 : memref<1x80xi32, #tpu.memory_space<vmem>> -> memref<80xi32, #tpu.memory_space<vmem>>
      %dma_start3A_149 = arith.constant 0 : i32
      %dma_start3A_150 = arith.constant 0 : i32
      %dma_start3A_151 = tpu.memref_slice %arg2[%dma_start3A_149, %dma_start3A_150] : memref<20000x128xf32, #tpu.memory_space<hbm>> -> memref<20000x128xf32, #tpu.memory_space<hbm>>
      tpu.enqueue_indirect_dma source(%dma_start3A_151 : memref<20000x128xf32, #tpu.memory_space<hbm>>) target(%arg12 : memref<80x128xf32, #tpu.memory_space<vmem>>) offsets(%dma_start3A_148 : memref<80xi32, #tpu.memory_space<vmem>>) semaphore(%arg17 : memref<!tpu.dma_semaphore, #tpu.memory_space<semaphore_mem>>)
    } else {
    }
    %eq3A_97 = arith.constant 1 : i32
    %eq3A_98 = arith.cmpi eq, %rem3A_91, %eq3A_97 : i32
    %convert_element_type3A_99 = arith.extui %eq3A_98 : i1 to i32
    %cond3A_100 = arith.constant 0 : i32
    %cond3A_101 = arith.cmpi ne, %convert_element_type3A_99, %cond3A_100 : i32
    scf.if %cond3A_101 {
      %dma_start3A_146 = arith.constant 0 : i32
      %dma_start3A_147 = tpu.memref_slice %arg7[%rem3A_88, %dma_start3A_146] : memref<16x80xi32, #tpu.memory_space<vmem>> -> memref<1x80xi32, #tpu.memory_space<vmem>>
      %dma_start3A_148 = tpu.memref_squeeze %dma_start3A_147 : memref<1x80xi32, #tpu.memory_space<vmem>> -> memref<80xi32, #tpu.memory_space<vmem>>
      %dma_start3A_149 = arith.constant 0 : i32
      %dma_start3A_150 = arith.constant 0 : i32
      %dma_start3A_151 = tpu.memref_slice %arg2[%dma_start3A_149, %dma_start3A_150] : memref<20000x128xf32, #tpu.memory_space<hbm>> -> memref<20000x128xf32, #tpu.memory_space<hbm>>
      tpu.enqueue_indirect_dma source(%dma_start3A_151 : memref<20000x128xf32, #tpu.memory_space<hbm>>) target(%arg12 : memref<80x128xf32, #tpu.memory_space<vmem>>) offsets(%dma_start3A_148 : memref<80xi32, #tpu.memory_space<vmem>>) semaphore(%arg17 : memref<!tpu.dma_semaphore, #tpu.memory_space<semaphore_mem>>)
    } else {
    }
    %barrier3A = arith.constant 0 : index
    tpu.barrier barrier_id(%barrier3A)
    %scan3A = arith.constant 0 : i32
    %scan3A_102 = arith.constant 0 : i32
    %scan3A_103 = arith.constant 125 : i32
    %scan3A_104 = arith.addi %scan3A_102, %scan3A_103 : i32
    %scan3A_105 = arith.constant 1 : i32
    scf.for %scan3A_146 = %scan3A_102 to %scan3A_104 step %scan3A_105  : i32 {
      %jit3A = arith.constant 4 : i32
      %eq3A_147 = arith.constant 0 : i32
      %eq3A_148 = arith.cmpi eq, %jit3A, %eq3A_147 : i32
      %jit3A_149 = arith.constant 1 : i32
      %select_n3A = arith.select %eq3A_148, %jit3A_149, %jit3A : i32
      %rem3A_150 = arith.remsi %scan3A_146, %select_n3A : i32
      %ne3A = arith.constant 0 : i32
      %ne3A_151 = arith.cmpi ne, %rem3A_150, %ne3A : i32
      %lt3A_152 = arith.constant 0 : i32
      %lt3A_153 = arith.cmpi slt, %rem3A_150, %lt3A_152 : i32
      %lt3A_154 = arith.constant 0 : i32
      %lt3A_155 = arith.cmpi slt, %select_n3A, %lt3A_154 : i32
      %ne3A_156 = arith.xori %lt3A_153, %lt3A_155 : i1
      %and3A = arith.andi %ne3A_156, %ne3A_151 : i1
      %add3A = arith.addi %rem3A_150, %select_n3A : i32
      %select_n3A_157 = arith.select %and3A, %add3A, %rem3A_150 : i32
      %jit3A_158 = arith.constant 16 : i32
      %div3A = arith.divsi %scan3A_146, %jit3A_158 : i32
      %sign3A = arith.constant 0 : i32
      %sign3A_159 = arith.cmpi sgt, %scan3A_146, %sign3A : i32
      %sign3A_160 = arith.extui %sign3A_159 : i1 to i32
      %sign3A_161 = arith.constant 0 : i32
      %sign3A_162 = arith.cmpi slt, %scan3A_146, %sign3A_161 : i32
      %sign3A_163 = arith.extui %sign3A_162 : i1 to i32
      %sign3A_164 = arith.subi %sign3A_160, %sign3A_163 : i32
      %sign3A_165 = arith.constant 0 : i32
      %sign3A_166 = arith.cmpi sgt, %jit3A_158, %sign3A_165 : i32
      %sign3A_167 = arith.extui %sign3A_166 : i1 to i32
      %sign3A_168 = arith.constant 0 : i32
      %sign3A_169 = arith.cmpi slt, %jit3A_158, %sign3A_168 : i32
      %sign3A_170 = arith.extui %sign3A_169 : i1 to i32
      %sign3A_171 = arith.subi %sign3A_167, %sign3A_170 : i32
      %ne3A_172 = arith.cmpi ne, %sign3A_164, %sign3A_171 : i32
      %rem3A_173 = arith.remsi %scan3A_146, %jit3A_158 : i32
      %ne3A_174 = arith.constant 0 : i32
      %ne3A_175 = arith.cmpi ne, %rem3A_173, %ne3A_174 : i32
      %and3A_176 = arith.andi %ne3A_172, %ne3A_175 : i1
      %sub3A = arith.constant 1 : i32
      %sub3A_177 = arith.subi %div3A, %sub3A : i32
      %select_n3A_178 = arith.select %and3A_176, %sub3A_177, %div3A : i32
      %rem3A_179 = arith.constant 16 : i32
      %rem3A_180 = arith.remsi %scan3A_146, %rem3A_179 : i32
      %eq3A_181 = arith.constant 3 : i32
      %eq3A_182 = arith.cmpi eq, %rem3A_180, %eq3A_181 : i32
      %ge3A = arith.constant 16 : i32
      %ge3A_183 = arith.cmpi sge, %scan3A_146, %ge3A : i32
      %and3A_184 = arith.andi %eq3A_182, %ge3A_183 : i1
      %add3A_185 = arith.constant 1 : i32
      %add3A_186 = arith.addi %select_n3A_178, %add3A_185 : i32
      %le3A = arith.constant 7 : i32
      %le3A_187 = arith.cmpi sle, %add3A_186, %le3A : i32
      %and3A_188 = arith.andi %and3A_184, %le3A_187 : i1
      %add3A_189 = arith.constant 1 : i32
      %add3A_190 = arith.addi %select_n3A_178, %add3A_189 : i32
      %rem3A_191 = arith.constant 2 : i32
      %rem3A_192 = arith.remsi %add3A_190, %rem3A_191 : i32
      %eq3A_193 = arith.constant 0 : i32
      %eq3A_194 = arith.cmpi eq, %rem3A_192, %eq3A_193 : i32
      %and3A_195 = arith.andi %and3A_188, %eq3A_194 : i1
      %convert_element_type3A_196 = arith.extui %and3A_195 : i1 to i32
      %cond3A_197 = arith.constant 0 : i32
      %cond3A_198 = arith.cmpi ne, %convert_element_type3A_196, %cond3A_197 : i32
      scf.if %cond3A_198 {
        %add3A_308 = arith.constant 1 : i32
        %add3A_309 = arith.addi %select_n3A_178, %add3A_308 : i32
        %mul3A_310 = arith.constant 16 : i32
        %mul3A_311 = arith.muli %add3A_309, %mul3A_310 : i32
        %dma_start3A_312 = arith.constant 0 : i32
        %dma_start3A_313 = tpu.memref_slice %arg3[%arg0, %arg1, %mul3A_311, %dma_start3A_312] : memref<2x16x128x80xi32, #tpu.memory_space<hbm>> -> memref<1x1x16x80xi32, #tpu.memory_space<hbm>>
        %dma_start3A_314 = tpu.memref_squeeze %dma_start3A_313 : memref<1x1x16x80xi32, #tpu.memory_space<hbm>> -> memref<16x80xi32, #tpu.memory_space<hbm>>
        %dma_start3A_315 = arith.constant 0 : i32
        %dma_start3A_316 = tpu.memref_slice %arg3[%arg0, %arg1, %mul3A_311, %dma_start3A_315] : memref<2x16x128x80xi32, #tpu.memory_space<hbm>> -> memref<1x1x16x80xi32, #tpu.memory_space<hbm>>
        %dma_start3A_317 = tpu.memref_squeeze %dma_start3A_316 : memref<1x1x16x80xi32, #tpu.memory_space<hbm>> -> memref<16x80xi32, #tpu.memory_space<hbm>>
        tpu.enqueue_dma source(%dma_start3A_317 : memref<16x80xi32, #tpu.memory_space<hbm>>) target(%arg6 : memref<16x80xi32, #tpu.memory_space<vmem>>) target_semaphore(%arg23 : memref<!tpu.dma_semaphore, #tpu.memory_space<semaphore_mem>>)
        %mul3A_318 = arith.constant 16 : i32
        %mul3A_319 = arith.muli %add3A_309, %mul3A_318 : i32
        %dma_start3A_320 = arith.constant 0 : i32
        %dma_start3A_321 = tpu.memref_slice %arg4[%arg1, %mul3A_319, %dma_start3A_320] : memref<16x128x80xi32, #tpu.memory_space<hbm>> -> memref<1x16x80xi32, #tpu.memory_space<hbm>>
        %dma_start3A_322 = tpu.memref_squeeze %dma_start3A_321 : memref<1x16x80xi32, #tpu.memory_space<hbm>> -> memref<16x80xi32, #tpu.memory_space<hbm>>
        %dma_start3A_323 = arith.constant 0 : i32
        %dma_start3A_324 = tpu.memref_slice %arg4[%arg1, %mul3A_319, %dma_start3A_323] : memref<16x128x80xi32, #tpu.memory_space<hbm>> -> memref<1x16x80xi32, #tpu.memory_space<hbm>>
        %dma_start3A_325 = tpu.memref_squeeze %dma_start3A_324 : memref<1x16x80xi32, #tpu.memory_space<hbm>> -> memref<16x80xi32, #tpu.memory_space<hbm>>
        tpu.enqueue_dma source(%dma_start3A_325 : memref<16x80xi32, #tpu.memory_space<hbm>>) target(%arg8 : memref<16x80xi32, #tpu.memory_space<vmem>>) target_semaphore(%arg25 : memref<!tpu.dma_semaphore, #tpu.memory_space<semaphore_mem>>)
      } else {
      }
      %add3A_199 = arith.constant 1 : i32
      %add3A_200 = arith.addi %select_n3A_178, %add3A_199 : i32
      %rem3A_201 = arith.constant 2 : i32
      %rem3A_202 = arith.remsi %add3A_200, %rem3A_201 : i32
      %eq3A_203 = arith.constant 1 : i32
      %eq3A_204 = arith.cmpi eq, %rem3A_202, %eq3A_203 : i32
      %and3A_205 = arith.andi %and3A_188, %eq3A_204 : i1
      %convert_element_type3A_206 = arith.extui %and3A_205 : i1 to i32
      %cond3A_207 = arith.constant 0 : i32
      %cond3A_208 = arith.cmpi ne, %convert_element_type3A_206, %cond3A_207 : i32
      scf.if %cond3A_208 {
        %add3A_308 = arith.constant 1 : i32
        %add3A_309 = arith.addi %select_n3A_178, %add3A_308 : i32
        %mul3A_310 = arith.constant 16 : i32
        %mul3A_311 = arith.muli %add3A_309, %mul3A_310 : i32
        %dma_start3A_312 = arith.constant 0 : i32
        %dma_start3A_313 = tpu.memref_slice %arg3[%arg0, %arg1, %mul3A_311, %dma_start3A_312] : memref<2x16x128x80xi32, #tpu.memory_space<hbm>> -> memref<1x1x16x80xi32, #tpu.memory_space<hbm>>
        %dma_start3A_314 = tpu.memref_squeeze %dma_start3A_313 : memref<1x1x16x80xi32, #tpu.memory_space<hbm>> -> memref<16x80xi32, #tpu.memory_space<hbm>>
        %dma_start3A_315 = arith.constant 0 : i32
        %dma_start3A_316 = tpu.memref_slice %arg3[%arg0, %arg1, %mul3A_311, %dma_start3A_315] : memref<2x16x128x80xi32, #tpu.memory_space<hbm>> -> memref<1x1x16x80xi32, #tpu.memory_space<hbm>>
        %dma_start3A_317 = tpu.memref_squeeze %dma_start3A_316 : memref<1x1x16x80xi32, #tpu.memory_space<hbm>> -> memref<16x80xi32, #tpu.memory_space<hbm>>
        tpu.enqueue_dma source(%dma_start3A_317 : memref<16x80xi32, #tpu.memory_space<hbm>>) target(%arg7 : memref<16x80xi32, #tpu.memory_space<vmem>>) target_semaphore(%arg24 : memref<!tpu.dma_semaphore, #tpu.memory_space<semaphore_mem>>)
        %mul3A_318 = arith.constant 16 : i32
        %mul3A_319 = arith.muli %add3A_309, %mul3A_318 : i32
        %dma_start3A_320 = arith.constant 0 : i32
        %dma_start3A_321 = tpu.memref_slice %arg4[%arg1, %mul3A_319, %dma_start3A_320] : memref<16x128x80xi32, #tpu.memory_space<hbm>> -> memref<1x16x80xi32, #tpu.memory_space<hbm>>
        %dma_start3A_322 = tpu.memref_squeeze %dma_start3A_321 : memref<1x16x80xi32, #tpu.memory_space<hbm>> -> memref<16x80xi32, #tpu.memory_space<hbm>>
        %dma_start3A_323 = arith.constant 0 : i32
        %dma_start3A_324 = tpu.memref_slice %arg4[%arg1, %mul3A_319, %dma_start3A_323] : memref<16x128x80xi32, #tpu.memory_space<hbm>> -> memref<1x16x80xi32, #tpu.memory_space<hbm>>
        %dma_start3A_325 = tpu.memref_squeeze %dma_start3A_324 : memref<1x16x80xi32, #tpu.memory_space<hbm>> -> memref<16x80xi32, #tpu.memory_space<hbm>>
        tpu.enqueue_dma source(%dma_start3A_325 : memref<16x80xi32, #tpu.memory_space<hbm>>) target(%arg9 : memref<16x80xi32, #tpu.memory_space<vmem>>) target_semaphore(%arg26 : memref<!tpu.dma_semaphore, #tpu.memory_space<semaphore_mem>>)
      } else {
      }
      %add3A_209 = arith.constant 3 : i32
      %add3A_210 = arith.addi %scan3A_146, %add3A_209 : i32
      %lt3A_211 = arith.constant 125 : i32
      %lt3A_212 = arith.cmpi slt, %add3A_210, %lt3A_211 : i32
      %add3A_213 = arith.constant 3 : i32
      %add3A_214 = arith.addi %scan3A_146, %add3A_213 : i32
      %rem3A_215 = arith.constant 16 : i32
      %rem3A_216 = arith.remsi %add3A_214, %rem3A_215 : i32
      %eq3A_217 = arith.constant 0 : i32
      %eq3A_218 = arith.cmpi eq, %rem3A_216, %eq3A_217 : i32
      %and3A_219 = arith.andi %lt3A_212, %eq3A_218 : i1
      %add3A_220 = arith.constant 3 : i32
      %add3A_221 = arith.addi %scan3A_146, %add3A_220 : i32
      %jit3A_222 = arith.constant 16 : i32
      %div3A_223 = arith.divsi %add3A_221, %jit3A_222 : i32
      %sign3A_224 = arith.constant 0 : i32
      %sign3A_225 = arith.cmpi sgt, %add3A_221, %sign3A_224 : i32
      %sign3A_226 = arith.extui %sign3A_225 : i1 to i32
      %sign3A_227 = arith.constant 0 : i32
      %sign3A_228 = arith.cmpi slt, %add3A_221, %sign3A_227 : i32
      %sign3A_229 = arith.extui %sign3A_228 : i1 to i32
      %sign3A_230 = arith.subi %sign3A_226, %sign3A_229 : i32
      %sign3A_231 = arith.constant 0 : i32
      %sign3A_232 = arith.cmpi sgt, %jit3A_222, %sign3A_231 : i32
      %sign3A_233 = arith.extui %sign3A_232 : i1 to i32
      %sign3A_234 = arith.constant 0 : i32
      %sign3A_235 = arith.cmpi slt, %jit3A_222, %sign3A_234 : i32
      %sign3A_236 = arith.extui %sign3A_235 : i1 to i32
      %sign3A_237 = arith.subi %sign3A_233, %sign3A_236 : i32
      %ne3A_238 = arith.cmpi ne, %sign3A_230, %sign3A_237 : i32
      %rem3A_239 = arith.remsi %add3A_221, %jit3A_222 : i32
      %ne3A_240 = arith.constant 0 : i32
      %ne3A_241 = arith.cmpi ne, %rem3A_239, %ne3A_240 : i32
      %and3A_242 = arith.andi %ne3A_238, %ne3A_241 : i1
      %sub3A_243 = arith.constant 1 : i32
      %sub3A_244 = arith.subi %div3A_223, %sub3A_243 : i32
      %select_n3A_245 = arith.select %and3A_242, %sub3A_244, %div3A_223 : i32
      %rem3A_246 = arith.constant 2 : i32
      %rem3A_247 = arith.remsi %select_n3A_245, %rem3A_246 : i32
      %eq3A_248 = arith.constant 0 : i32
      %eq3A_249 = arith.cmpi eq, %rem3A_247, %eq3A_248 : i32
      %and3A_250 = arith.andi %and3A_219, %eq3A_249 : i1
      %convert_element_type3A_251 = arith.extui %and3A_250 : i1 to i32
      %cond3A_252 = arith.constant 0 : i32
      %cond3A_253 = arith.cmpi ne, %convert_element_type3A_251, %cond3A_252 : i32
      scf.if %cond3A_253 {
        %dma_wait3A_308 = arith.constant 0 : i32
        %dma_wait3A_309 = arith.constant 0 : i32
        %dma_wait3A_310 = tpu.memref_slice %arg3[%arg0, %arg1, %dma_wait3A_308, %dma_wait3A_309] : memref<2x16x128x80xi32, #tpu.memory_space<hbm>> -> memref<1x1x16x80xi32, #tpu.memory_space<hbm>>
        %dma_wait3A_311 = tpu.memref_squeeze %dma_wait3A_310 : memref<1x1x16x80xi32, #tpu.memory_space<hbm>> -> memref<16x80xi32, #tpu.memory_space<hbm>>
        %dma_wait3A_312 = arith.constant 0 : i32
        %dma_wait3A_313 = arith.constant 0 : i32
        %dma_wait3A_314 = tpu.memref_slice %arg3[%arg0, %arg1, %dma_wait3A_312, %dma_wait3A_313] : memref<2x16x128x80xi32, #tpu.memory_space<hbm>> -> memref<1x1x16x80xi32, #tpu.memory_space<hbm>>
        %dma_wait3A_315 = tpu.memref_squeeze %dma_wait3A_314 : memref<1x1x16x80xi32, #tpu.memory_space<hbm>> -> memref<16x80xi32, #tpu.memory_space<hbm>>
        tpu.wait_dma2 semaphore(%arg23 : memref<!tpu.dma_semaphore, #tpu.memory_space<semaphore_mem>>) src(%dma_wait3A_315 : memref<16x80xi32, #tpu.memory_space<hbm>>) dst(%arg6 : memref<16x80xi32, #tpu.memory_space<vmem>>)
        %dma_wait3A_316 = arith.constant 0 : i32
        %dma_wait3A_317 = arith.constant 0 : i32
        %dma_wait3A_318 = tpu.memref_slice %arg4[%arg1, %dma_wait3A_316, %dma_wait3A_317] : memref<16x128x80xi32, #tpu.memory_space<hbm>> -> memref<1x16x80xi32, #tpu.memory_space<hbm>>
        %dma_wait3A_319 = tpu.memref_squeeze %dma_wait3A_318 : memref<1x16x80xi32, #tpu.memory_space<hbm>> -> memref<16x80xi32, #tpu.memory_space<hbm>>
        %dma_wait3A_320 = arith.constant 0 : i32
        %dma_wait3A_321 = arith.constant 0 : i32
        %dma_wait3A_322 = tpu.memref_slice %arg4[%arg1, %dma_wait3A_320, %dma_wait3A_321] : memref<16x128x80xi32, #tpu.memory_space<hbm>> -> memref<1x16x80xi32, #tpu.memory_space<hbm>>
        %dma_wait3A_323 = tpu.memref_squeeze %dma_wait3A_322 : memref<1x16x80xi32, #tpu.memory_space<hbm>> -> memref<16x80xi32, #tpu.memory_space<hbm>>
        tpu.wait_dma2 semaphore(%arg25 : memref<!tpu.dma_semaphore, #tpu.memory_space<semaphore_mem>>) src(%dma_wait3A_323 : memref<16x80xi32, #tpu.memory_space<hbm>>) dst(%arg8 : memref<16x80xi32, #tpu.memory_space<vmem>>)
      } else {
      }
      %add3A_254 = arith.constant 3 : i32
      %add3A_255 = arith.addi %scan3A_146, %add3A_254 : i32
      %jit3A_256 = arith.constant 16 : i32
      %div3A_257 = arith.divsi %add3A_255, %jit3A_256 : i32
      %sign3A_258 = arith.constant 0 : i32
      %sign3A_259 = arith.cmpi sgt, %add3A_255, %sign3A_258 : i32
      %sign3A_260 = arith.extui %sign3A_259 : i1 to i32
      %sign3A_261 = arith.constant 0 : i32
      %sign3A_262 = arith.cmpi slt, %add3A_255, %sign3A_261 : i32
      %sign3A_263 = arith.extui %sign3A_262 : i1 to i32
      %sign3A_264 = arith.subi %sign3A_260, %sign3A_263 : i32
      %sign3A_265 = arith.constant 0 : i32
      %sign3A_266 = arith.cmpi sgt, %jit3A_256, %sign3A_265 : i32
      %sign3A_267 = arith.extui %sign3A_266 : i1 to i32
      %sign3A_268 = arith.constant 0 : i32
      %sign3A_269 = arith.cmpi slt, %jit3A_256, %sign3A_268 : i32
      %sign3A_270 = arith.extui %sign3A_269 : i1 to i32
      %sign3A_271 = arith.subi %sign3A_267, %sign3A_270 : i32
      %ne3A_272 = arith.cmpi ne, %sign3A_264, %sign3A_271 : i32
      %rem3A_273 = arith.remsi %add3A_255, %jit3A_256 : i32
      %ne3A_274 = arith.constant 0 : i32
      %ne3A_275 = arith.cmpi ne, %rem3A_273, %ne3A_274 : i32
      %and3A_276 = arith.andi %ne3A_272, %ne3A_275 : i1
      %sub3A_277 = arith.constant 1 : i32
      %sub3A_278 = arith.subi %div3A_257, %sub3A_277 : i32
      %select_n3A_279 = arith.select %and3A_276, %sub3A_278, %div3A_257 : i32
      %rem3A_280 = arith.constant 2 : i32
      %rem3A_281 = arith.remsi %select_n3A_279, %rem3A_280 : i32
      %eq3A_282 = arith.constant 1 : i32
      %eq3A_283 = arith.cmpi eq, %rem3A_281, %eq3A_282 : i32
      %and3A_284 = arith.andi %and3A_219, %eq3A_283 : i1
      %convert_element_type3A_285 = arith.extui %and3A_284 : i1 to i32
      %cond3A_286 = arith.constant 0 : i32
      %cond3A_287 = arith.cmpi ne, %convert_element_type3A_285, %cond3A_286 : i32
      scf.if %cond3A_287 {
        %dma_wait3A_308 = arith.constant 0 : i32
        %dma_wait3A_309 = arith.constant 0 : i32
        %dma_wait3A_310 = tpu.memref_slice %arg3[%arg0, %arg1, %dma_wait3A_308, %dma_wait3A_309] : memref<2x16x128x80xi32, #tpu.memory_space<hbm>> -> memref<1x1x16x80xi32, #tpu.memory_space<hbm>>
        %dma_wait3A_311 = tpu.memref_squeeze %dma_wait3A_310 : memref<1x1x16x80xi32, #tpu.memory_space<hbm>> -> memref<16x80xi32, #tpu.memory_space<hbm>>
        %dma_wait3A_312 = arith.constant 0 : i32
        %dma_wait3A_313 = arith.constant 0 : i32
        %dma_wait3A_314 = tpu.memref_slice %arg3[%arg0, %arg1, %dma_wait3A_312, %dma_wait3A_313] : memref<2x16x128x80xi32, #tpu.memory_space<hbm>> -> memref<1x1x16x80xi32, #tpu.memory_space<hbm>>
        %dma_wait3A_315 = tpu.memref_squeeze %dma_wait3A_314 : memref<1x1x16x80xi32, #tpu.memory_space<hbm>> -> memref<16x80xi32, #tpu.memory_space<hbm>>
        tpu.wait_dma2 semaphore(%arg24 : memref<!tpu.dma_semaphore, #tpu.memory_space<semaphore_mem>>) src(%dma_wait3A_315 : memref<16x80xi32, #tpu.memory_space<hbm>>) dst(%arg7 : memref<16x80xi32, #tpu.memory_space<vmem>>)
        %dma_wait3A_316 = arith.constant 0 : i32
        %dma_wait3A_317 = arith.constant 0 : i32
        %dma_wait3A_318 = tpu.memref_slice %arg4[%arg1, %dma_wait3A_316, %dma_wait3A_317] : memref<16x128x80xi32, #tpu.memory_space<hbm>> -> memref<1x16x80xi32, #tpu.memory_space<hbm>>
        %dma_wait3A_319 = tpu.memref_squeeze %dma_wait3A_318 : memref<1x16x80xi32, #tpu.memory_space<hbm>> -> memref<16x80xi32, #tpu.memory_space<hbm>>
        %dma_wait3A_320 = arith.constant 0 : i32
        %dma_wait3A_321 = arith.constant 0 : i32
        %dma_wait3A_322 = tpu.memref_slice %arg4[%arg1, %dma_wait3A_320, %dma_wait3A_321] : memref<16x128x80xi32, #tpu.memory_space<hbm>> -> memref<1x16x80xi32, #tpu.memory_space<hbm>>
        %dma_wait3A_323 = tpu.memref_squeeze %dma_wait3A_322 : memref<1x16x80xi32, #tpu.memory_space<hbm>> -> memref<16x80xi32, #tpu.memory_space<hbm>>
        tpu.wait_dma2 semaphore(%arg26 : memref<!tpu.dma_semaphore, #tpu.memory_space<semaphore_mem>>) src(%dma_wait3A_323 : memref<16x80xi32, #tpu.memory_space<hbm>>) dst(%arg9 : memref<16x80xi32, #tpu.memory_space<vmem>>)
      } else {
      }
      %eq3A_288 = arith.constant 0 : i32
      %eq3A_289 = arith.cmpi eq, %select_n3A_157, %eq3A_288 : i32
      %convert_element_type3A_290 = arith.extui %eq3A_289 : i1 to i32
      %cond3A_291 = arith.constant 0 : i32
      %cond3A_292 = arith.cmpi ne, %convert_element_type3A_290, %cond3A_291 : i32
      scf.if %cond3A_292 {
        %dma_wait3A_308 = arith.constant 0 : i32
        %dma_wait3A_309 = arith.constant 0 : i32
        %dma_wait3A_310 = tpu.memref_slice %arg6[%dma_wait3A_308, %dma_wait3A_309] : memref<16x80xi32, #tpu.memory_space<vmem>> -> memref<1x80xi32, #tpu.memory_space<vmem>>
        %dma_wait3A_311 = tpu.memref_squeeze %dma_wait3A_310 : memref<1x80xi32, #tpu.memory_space<vmem>> -> memref<80xi32, #tpu.memory_space<vmem>>
        %dma_wait3A_312 = arith.constant 0 : i32
        %dma_wait3A_313 = arith.constant 0 : i32
        %dma_wait3A_314 = tpu.memref_slice %arg2[%dma_wait3A_312, %dma_wait3A_313] : memref<20000x128xf32, #tpu.memory_space<hbm>> -> memref<20000x128xf32, #tpu.memory_space<hbm>>
        tpu.wait_indirect_dma semaphore(%arg15 : memref<!tpu.dma_semaphore, #tpu.memory_space<semaphore_mem>>) src(%dma_wait3A_314 : memref<20000x128xf32, #tpu.memory_space<hbm>>) dst(%arg10 : memref<80x128xf32, #tpu.memory_space<vmem>>)
        %rem3A_315 = arith.constant 16 : i32
        %rem3A_316 = arith.remsi %scan3A_146, %rem3A_315 : i32
        %jit3A_317 = arith.constant 16 : i32
        %div3A_318 = arith.divsi %scan3A_146, %jit3A_317 : i32
        %sign3A_319 = arith.constant 0 : i32
        %sign3A_320 = arith.cmpi sgt, %scan3A_146, %sign3A_319 : i32
        %sign3A_321 = arith.extui %sign3A_320 : i1 to i32
        %sign3A_322 = arith.constant 0 : i32
        %sign3A_323 = arith.cmpi slt, %scan3A_146, %sign3A_322 : i32
        %sign3A_324 = arith.extui %sign3A_323 : i1 to i32
        %sign3A_325 = arith.subi %sign3A_321, %sign3A_324 : i32
        %sign3A_326 = arith.constant 0 : i32
        %sign3A_327 = arith.cmpi sgt, %jit3A_317, %sign3A_326 : i32
        %sign3A_328 = arith.extui %sign3A_327 : i1 to i32
        %sign3A_329 = arith.constant 0 : i32
        %sign3A_330 = arith.cmpi slt, %jit3A_317, %sign3A_329 : i32
        %sign3A_331 = arith.extui %sign3A_330 : i1 to i32
        %sign3A_332 = arith.subi %sign3A_328, %sign3A_331 : i32
        %ne3A_333 = arith.cmpi ne, %sign3A_325, %sign3A_332 : i32
        %rem3A_334 = arith.remsi %scan3A_146, %jit3A_317 : i32
        %ne3A_335 = arith.constant 0 : i32
        %ne3A_336 = arith.cmpi ne, %rem3A_334, %ne3A_335 : i32
        %and3A_337 = arith.andi %ne3A_333, %ne3A_336 : i1
        %sub3A_338 = arith.constant 1 : i32
        %sub3A_339 = arith.subi %div3A_318, %sub3A_338 : i32
        %select_n3A_340 = arith.select %and3A_337, %sub3A_339, %div3A_318 : i32
        %rem3A_341 = arith.constant 2 : i32
        %rem3A_342 = arith.remsi %select_n3A_340, %rem3A_341 : i32
        %eq3A_343 = arith.constant 0 : i32
        %eq3A_344 = arith.cmpi eq, %rem3A_342, %eq3A_343 : i32
        %convert_element_type3A_345 = arith.extui %eq3A_344 : i1 to i32
        %cond3A_346 = arith.constant 0 : i32
        %cond3A_347 = arith.cmpi ne, %convert_element_type3A_345, %cond3A_346 : i32
        scf.if %cond3A_347 {
          %dma_start3A_360 = arith.constant 0 : i32
          %dma_start3A_361 = tpu.memref_slice %arg8[%rem3A_316, %dma_start3A_360] : memref<16x80xi32, #tpu.memory_space<vmem>> -> memref<1x80xi32, #tpu.memory_space<vmem>>
          %dma_start3A_362 = tpu.memref_squeeze %dma_start3A_361 : memref<1x80xi32, #tpu.memory_space<vmem>> -> memref<80xi32, #tpu.memory_space<vmem>>
          %dma_start3A_363 = arith.constant 0 : i32
          %dma_start3A_364 = arith.constant 0 : i32
          %dma_start3A_365 = tpu.memref_slice %arg14[%dma_start3A_363, %dma_start3A_364] : memref<10000x128xf32, #tpu.memory_space<vmem_shared>> -> memref<10000x128xf32, #tpu.memory_space<vmem_shared>>
          tpu.enqueue_indirect_dma source(%arg10 : memref<80x128xf32, #tpu.memory_space<vmem>>) target(%dma_start3A_365 : memref<10000x128xf32, #tpu.memory_space<vmem_shared>>) offsets(%dma_start3A_362 : memref<80xi32, #tpu.memory_space<vmem>>) semaphore(%arg19 : memref<!tpu.dma_semaphore, #tpu.memory_space<semaphore_mem>>) {add = true}
        } else {
        }
        %eq3A_348 = arith.constant 1 : i32
        %eq3A_349 = arith.cmpi eq, %rem3A_342, %eq3A_348 : i32
        %convert_element_type3A_350 = arith.extui %eq3A_349 : i1 to i32
        %cond3A_351 = arith.constant 0 : i32
        %cond3A_352 = arith.cmpi ne, %convert_element_type3A_350, %cond3A_351 : i32
        scf.if %cond3A_352 {
          %dma_start3A_360 = arith.constant 0 : i32
          %dma_start3A_361 = tpu.memref_slice %arg9[%rem3A_316, %dma_start3A_360] : memref<16x80xi32, #tpu.memory_space<vmem>> -> memref<1x80xi32, #tpu.memory_space<vmem>>
          %dma_start3A_362 = tpu.memref_squeeze %dma_start3A_361 : memref<1x80xi32, #tpu.memory_space<vmem>> -> memref<80xi32, #tpu.memory_space<vmem>>
          %dma_start3A_363 = arith.constant 0 : i32
          %dma_start3A_364 = arith.constant 0 : i32
          %dma_start3A_365 = tpu.memref_slice %arg14[%dma_start3A_363, %dma_start3A_364] : memref<10000x128xf32, #tpu.memory_space<vmem_shared>> -> memref<10000x128xf32, #tpu.memory_space<vmem_shared>>
          tpu.enqueue_indirect_dma source(%arg10 : memref<80x128xf32, #tpu.memory_space<vmem>>) target(%dma_start3A_365 : memref<10000x128xf32, #tpu.memory_space<vmem_shared>>) offsets(%dma_start3A_362 : memref<80xi32, #tpu.memory_space<vmem>>) semaphore(%arg19 : memref<!tpu.dma_semaphore, #tpu.memory_space<semaphore_mem>>) {add = true}
        } else {
        }
        %add3A_353 = arith.constant 3 : i32
        %add3A_354 = arith.addi %scan3A_146, %add3A_353 : i32
        %lt3A_355 = arith.constant 125 : i32
        %lt3A_356 = arith.cmpi slt, %add3A_354, %lt3A_355 : i32
        %convert_element_type3A_357 = arith.extui %lt3A_356 : i1 to i32
        %cond3A_358 = arith.constant 0 : i32
        %cond3A_359 = arith.cmpi ne, %convert_element_type3A_357, %cond3A_358 : i32
        scf.if %cond3A_359 {
          %ge3A_360 = arith.constant 1 : i32
          %ge3A_361 = arith.cmpi sge, %scan3A_146, %ge3A_360 : i32
          %convert_element_type3A_362 = arith.extui %ge3A_361 : i1 to i32
          %cond3A_363 = arith.constant 0 : i32
          %cond3A_364 = arith.cmpi ne, %convert_element_type3A_362, %cond3A_363 : i32
          scf.if %cond3A_364 {
            %dma_wait3A_405 = arith.constant 0 : i32
            %dma_wait3A_406 = arith.constant 0 : i32
            %dma_wait3A_407 = tpu.memref_slice %arg8[%dma_wait3A_405, %dma_wait3A_406] : memref<16x80xi32, #tpu.memory_space<vmem>> -> memref<1x80xi32, #tpu.memory_space<vmem>>
            %dma_wait3A_408 = tpu.memref_squeeze %dma_wait3A_407 : memref<1x80xi32, #tpu.memory_space<vmem>> -> memref<80xi32, #tpu.memory_space<vmem>>
            %dma_wait3A_409 = arith.constant 0 : i32
            %dma_wait3A_410 = arith.constant 0 : i32
            %dma_wait3A_411 = tpu.memref_slice %arg14[%dma_wait3A_409, %dma_wait3A_410] : memref<10000x128xf32, #tpu.memory_space<vmem_shared>> -> memref<10000x128xf32, #tpu.memory_space<vmem_shared>>
            tpu.wait_indirect_dma semaphore(%arg22 : memref<!tpu.dma_semaphore, #tpu.memory_space<semaphore_mem>>) src(%arg13 : memref<80x128xf32, #tpu.memory_space<vmem>>) dst(%dma_wait3A_411 : memref<10000x128xf32, #tpu.memory_space<vmem_shared>>)
          } else {
          }
          %add3A_365 = arith.constant 3 : i32
          %add3A_366 = arith.addi %scan3A_146, %add3A_365 : i32
          %rem3A_367 = arith.constant 16 : i32
          %rem3A_368 = arith.remsi %add3A_366, %rem3A_367 : i32
          %jit3A_369 = arith.constant 16 : i32
          %div3A_370 = arith.divsi %add3A_366, %jit3A_369 : i32
          %sign3A_371 = arith.constant 0 : i32
          %sign3A_372 = arith.cmpi sgt, %add3A_366, %sign3A_371 : i32
          %sign3A_373 = arith.extui %sign3A_372 : i1 to i32
          %sign3A_374 = arith.constant 0 : i32
          %sign3A_375 = arith.cmpi slt, %add3A_366, %sign3A_374 : i32
          %sign3A_376 = arith.extui %sign3A_375 : i1 to i32
          %sign3A_377 = arith.subi %sign3A_373, %sign3A_376 : i32
          %sign3A_378 = arith.constant 0 : i32
          %sign3A_379 = arith.cmpi sgt, %jit3A_369, %sign3A_378 : i32
          %sign3A_380 = arith.extui %sign3A_379 : i1 to i32
          %sign3A_381 = arith.constant 0 : i32
          %sign3A_382 = arith.cmpi slt, %jit3A_369, %sign3A_381 : i32
          %sign3A_383 = arith.extui %sign3A_382 : i1 to i32
          %sign3A_384 = arith.subi %sign3A_380, %sign3A_383 : i32
          %ne3A_385 = arith.cmpi ne, %sign3A_377, %sign3A_384 : i32
          %rem3A_386 = arith.remsi %add3A_366, %jit3A_369 : i32
          %ne3A_387 = arith.constant 0 : i32
          %ne3A_388 = arith.cmpi ne, %rem3A_386, %ne3A_387 : i32
          %and3A_389 = arith.andi %ne3A_385, %ne3A_388 : i1
          %sub3A_390 = arith.constant 1 : i32
          %sub3A_391 = arith.subi %div3A_370, %sub3A_390 : i32
          %select_n3A_392 = arith.select %and3A_389, %sub3A_391, %div3A_370 : i32
          %rem3A_393 = arith.constant 2 : i32
          %rem3A_394 = arith.remsi %select_n3A_392, %rem3A_393 : i32
          %eq3A_395 = arith.constant 0 : i32
          %eq3A_396 = arith.cmpi eq, %rem3A_394, %eq3A_395 : i32
          %convert_element_type3A_397 = arith.extui %eq3A_396 : i1 to i32
          %cond3A_398 = arith.constant 0 : i32
          %cond3A_399 = arith.cmpi ne, %convert_element_type3A_397, %cond3A_398 : i32
          scf.if %cond3A_399 {
            %dma_start3A_405 = arith.constant 0 : i32
            %dma_start3A_406 = tpu.memref_slice %arg6[%rem3A_368, %dma_start3A_405] : memref<16x80xi32, #tpu.memory_space<vmem>> -> memref<1x80xi32, #tpu.memory_space<vmem>>
            %dma_start3A_407 = tpu.memref_squeeze %dma_start3A_406 : memref<1x80xi32, #tpu.memory_space<vmem>> -> memref<80xi32, #tpu.memory_space<vmem>>
            %dma_start3A_408 = arith.constant 0 : i32
            %dma_start3A_409 = arith.constant 0 : i32
            %dma_start3A_410 = tpu.memref_slice %arg2[%dma_start3A_408, %dma_start3A_409] : memref<20000x128xf32, #tpu.memory_space<hbm>> -> memref<20000x128xf32, #tpu.memory_space<hbm>>
            tpu.enqueue_indirect_dma source(%dma_start3A_410 : memref<20000x128xf32, #tpu.memory_space<hbm>>) target(%arg13 : memref<80x128xf32, #tpu.memory_space<vmem>>) offsets(%dma_start3A_407 : memref<80xi32, #tpu.memory_space<vmem>>) semaphore(%arg18 : memref<!tpu.dma_semaphore, #tpu.memory_space<semaphore_mem>>)
          } else {
          }
          %eq3A_400 = arith.constant 1 : i32
          %eq3A_401 = arith.cmpi eq, %rem3A_394, %eq3A_400 : i32
          %convert_element_type3A_402 = arith.extui %eq3A_401 : i1 to i32
          %cond3A_403 = arith.constant 0 : i32
          %cond3A_404 = arith.cmpi ne, %convert_element_type3A_402, %cond3A_403 : i32
          scf.if %cond3A_404 {
            %dma_start3A_405 = arith.constant 0 : i32
            %dma_start3A_406 = tpu.memref_slice %arg7[%rem3A_368, %dma_start3A_405] : memref<16x80xi32, #tpu.memory_space<vmem>> -> memref<1x80xi32, #tpu.memory_space<vmem>>
            %dma_start3A_407 = tpu.memref_squeeze %dma_start3A_406 : memref<1x80xi32, #tpu.memory_space<vmem>> -> memref<80xi32, #tpu.memory_space<vmem>>
            %dma_start3A_408 = arith.constant 0 : i32
            %dma_start3A_409 = arith.constant 0 : i32
            %dma_start3A_410 = tpu.memref_slice %arg2[%dma_start3A_408, %dma_start3A_409] : memref<20000x128xf32, #tpu.memory_space<hbm>> -> memref<20000x128xf32, #tpu.memory_space<hbm>>
            tpu.enqueue_indirect_dma source(%dma_start3A_410 : memref<20000x128xf32, #tpu.memory_space<hbm>>) target(%arg13 : memref<80x128xf32, #tpu.memory_space<vmem>>) offsets(%dma_start3A_407 : memref<80xi32, #tpu.memory_space<vmem>>) semaphore(%arg18 : memref<!tpu.dma_semaphore, #tpu.memory_space<semaphore_mem>>)
          } else {
          }
        } else {
        }
      } else {
      }
      %eq3A_293 = arith.constant 1 : i32
      %eq3A_294 = arith.cmpi eq, %select_n3A_157, %eq3A_293 : i32
      %convert_element_type3A_295 = arith.extui %eq3A_294 : i1 to i32
      %cond3A_296 = arith.constant 0 : i32
      %cond3A_297 = arith.cmpi ne, %convert_element_type3A_295, %cond3A_296 : i32
      scf.if %cond3A_297 {
        %dma_wait3A_308 = arith.constant 0 : i32
        %dma_wait3A_309 = arith.constant 0 : i32
        %dma_wait3A_310 = tpu.memref_slice %arg6[%dma_wait3A_308, %dma_wait3A_309] : memref<16x80xi32, #tpu.memory_space<vmem>> -> memref<1x80xi32, #tpu.memory_space<vmem>>
        %dma_wait3A_311 = tpu.memref_squeeze %dma_wait3A_310 : memref<1x80xi32, #tpu.memory_space<vmem>> -> memref<80xi32, #tpu.memory_space<vmem>>
        %dma_wait3A_312 = arith.constant 0 : i32
        %dma_wait3A_313 = arith.constant 0 : i32
        %dma_wait3A_314 = tpu.memref_slice %arg2[%dma_wait3A_312, %dma_wait3A_313] : memref<20000x128xf32, #tpu.memory_space<hbm>> -> memref<20000x128xf32, #tpu.memory_space<hbm>>
        tpu.wait_indirect_dma semaphore(%arg16 : memref<!tpu.dma_semaphore, #tpu.memory_space<semaphore_mem>>) src(%dma_wait3A_314 : memref<20000x128xf32, #tpu.memory_space<hbm>>) dst(%arg11 : memref<80x128xf32, #tpu.memory_space<vmem>>)
        %rem3A_315 = arith.constant 16 : i32
        %rem3A_316 = arith.remsi %scan3A_146, %rem3A_315 : i32
        %jit3A_317 = arith.constant 16 : i32
        %div3A_318 = arith.divsi %scan3A_146, %jit3A_317 : i32
        %sign3A_319 = arith.constant 0 : i32
        %sign3A_320 = arith.cmpi sgt, %scan3A_146, %sign3A_319 : i32
        %sign3A_321 = arith.extui %sign3A_320 : i1 to i32
        %sign3A_322 = arith.constant 0 : i32
        %sign3A_323 = arith.cmpi slt, %scan3A_146, %sign3A_322 : i32
        %sign3A_324 = arith.extui %sign3A_323 : i1 to i32
        %sign3A_325 = arith.subi %sign3A_321, %sign3A_324 : i32
        %sign3A_326 = arith.constant 0 : i32
        %sign3A_327 = arith.cmpi sgt, %jit3A_317, %sign3A_326 : i32
        %sign3A_328 = arith.extui %sign3A_327 : i1 to i32
        %sign3A_329 = arith.constant 0 : i32
        %sign3A_330 = arith.cmpi slt, %jit3A_317, %sign3A_329 : i32
        %sign3A_331 = arith.extui %sign3A_330 : i1 to i32
        %sign3A_332 = arith.subi %sign3A_328, %sign3A_331 : i32
        %ne3A_333 = arith.cmpi ne, %sign3A_325, %sign3A_332 : i32
        %rem3A_334 = arith.remsi %scan3A_146, %jit3A_317 : i32
        %ne3A_335 = arith.constant 0 : i32
        %ne3A_336 = arith.cmpi ne, %rem3A_334, %ne3A_335 : i32
        %and3A_337 = arith.andi %ne3A_333, %ne3A_336 : i1
        %sub3A_338 = arith.constant 1 : i32
        %sub3A_339 = arith.subi %div3A_318, %sub3A_338 : i32
        %select_n3A_340 = arith.select %and3A_337, %sub3A_339, %div3A_318 : i32
        %rem3A_341 = arith.constant 2 : i32
        %rem3A_342 = arith.remsi %select_n3A_340, %rem3A_341 : i32
        %eq3A_343 = arith.constant 0 : i32
        %eq3A_344 = arith.cmpi eq, %rem3A_342, %eq3A_343 : i32
        %convert_element_type3A_345 = arith.extui %eq3A_344 : i1 to i32
        %cond3A_346 = arith.constant 0 : i32
        %cond3A_347 = arith.cmpi ne, %convert_element_type3A_345, %cond3A_346 : i32
        scf.if %cond3A_347 {
          %dma_start3A_360 = arith.constant 0 : i32
          %dma_start3A_361 = tpu.memref_slice %arg8[%rem3A_316, %dma_start3A_360] : memref<16x80xi32, #tpu.memory_space<vmem>> -> memref<1x80xi32, #tpu.memory_space<vmem>>
          %dma_start3A_362 = tpu.memref_squeeze %dma_start3A_361 : memref<1x80xi32, #tpu.memory_space<vmem>> -> memref<80xi32, #tpu.memory_space<vmem>>
          %dma_start3A_363 = arith.constant 0 : i32
          %dma_start3A_364 = arith.constant 0 : i32
          %dma_start3A_365 = tpu.memref_slice %arg14[%dma_start3A_363, %dma_start3A_364] : memref<10000x128xf32, #tpu.memory_space<vmem_shared>> -> memref<10000x128xf32, #tpu.memory_space<vmem_shared>>
          tpu.enqueue_indirect_dma source(%arg11 : memref<80x128xf32, #tpu.memory_space<vmem>>) target(%dma_start3A_365 : memref<10000x128xf32, #tpu.memory_space<vmem_shared>>) offsets(%dma_start3A_362 : memref<80xi32, #tpu.memory_space<vmem>>) semaphore(%arg20 : memref<!tpu.dma_semaphore, #tpu.memory_space<semaphore_mem>>) {add = true}
        } else {
        }
        %eq3A_348 = arith.constant 1 : i32
        %eq3A_349 = arith.cmpi eq, %rem3A_342, %eq3A_348 : i32
        %convert_element_type3A_350 = arith.extui %eq3A_349 : i1 to i32
        %cond3A_351 = arith.constant 0 : i32
        %cond3A_352 = arith.cmpi ne, %convert_element_type3A_350, %cond3A_351 : i32
        scf.if %cond3A_352 {
          %dma_start3A_360 = arith.constant 0 : i32
          %dma_start3A_361 = tpu.memref_slice %arg9[%rem3A_316, %dma_start3A_360] : memref<16x80xi32, #tpu.memory_space<vmem>> -> memref<1x80xi32, #tpu.memory_space<vmem>>
          %dma_start3A_362 = tpu.memref_squeeze %dma_start3A_361 : memref<1x80xi32, #tpu.memory_space<vmem>> -> memref<80xi32, #tpu.memory_space<vmem>>
          %dma_start3A_363 = arith.constant 0 : i32
          %dma_start3A_364 = arith.constant 0 : i32
          %dma_start3A_365 = tpu.memref_slice %arg14[%dma_start3A_363, %dma_start3A_364] : memref<10000x128xf32, #tpu.memory_space<vmem_shared>> -> memref<10000x128xf32, #tpu.memory_space<vmem_shared>>
          tpu.enqueue_indirect_dma source(%arg11 : memref<80x128xf32, #tpu.memory_space<vmem>>) target(%dma_start3A_365 : memref<10000x128xf32, #tpu.memory_space<vmem_shared>>) offsets(%dma_start3A_362 : memref<80xi32, #tpu.memory_space<vmem>>) semaphore(%arg20 : memref<!tpu.dma_semaphore, #tpu.memory_space<semaphore_mem>>) {add = true}
        } else {
        }
        %add3A_353 = arith.constant 3 : i32
        %add3A_354 = arith.addi %scan3A_146, %add3A_353 : i32
        %lt3A_355 = arith.constant 125 : i32
        %lt3A_356 = arith.cmpi slt, %add3A_354, %lt3A_355 : i32
        %convert_element_type3A_357 = arith.extui %lt3A_356 : i1 to i32
        %cond3A_358 = arith.constant 0 : i32
        %cond3A_359 = arith.cmpi ne, %convert_element_type3A_357, %cond3A_358 : i32
        scf.if %cond3A_359 {
          %ge3A_360 = arith.constant 1 : i32
          %ge3A_361 = arith.cmpi sge, %scan3A_146, %ge3A_360 : i32
          %convert_element_type3A_362 = arith.extui %ge3A_361 : i1 to i32
          %cond3A_363 = arith.constant 0 : i32
          %cond3A_364 = arith.cmpi ne, %convert_element_type3A_362, %cond3A_363 : i32
          scf.if %cond3A_364 {
            %dma_wait3A_405 = arith.constant 0 : i32
            %dma_wait3A_406 = arith.constant 0 : i32
            %dma_wait3A_407 = tpu.memref_slice %arg8[%dma_wait3A_405, %dma_wait3A_406] : memref<16x80xi32, #tpu.memory_space<vmem>> -> memref<1x80xi32, #tpu.memory_space<vmem>>
            %dma_wait3A_408 = tpu.memref_squeeze %dma_wait3A_407 : memref<1x80xi32, #tpu.memory_space<vmem>> -> memref<80xi32, #tpu.memory_space<vmem>>
            %dma_wait3A_409 = arith.constant 0 : i32
            %dma_wait3A_410 = arith.constant 0 : i32
            %dma_wait3A_411 = tpu.memref_slice %arg14[%dma_wait3A_409, %dma_wait3A_410] : memref<10000x128xf32, #tpu.memory_space<vmem_shared>> -> memref<10000x128xf32, #tpu.memory_space<vmem_shared>>
            tpu.wait_indirect_dma semaphore(%arg19 : memref<!tpu.dma_semaphore, #tpu.memory_space<semaphore_mem>>) src(%arg10 : memref<80x128xf32, #tpu.memory_space<vmem>>) dst(%dma_wait3A_411 : memref<10000x128xf32, #tpu.memory_space<vmem_shared>>)
          } else {
          }
          %add3A_365 = arith.constant 3 : i32
          %add3A_366 = arith.addi %scan3A_146, %add3A_365 : i32
          %rem3A_367 = arith.constant 16 : i32
          %rem3A_368 = arith.remsi %add3A_366, %rem3A_367 : i32
          %jit3A_369 = arith.constant 16 : i32
          %div3A_370 = arith.divsi %add3A_366, %jit3A_369 : i32
          %sign3A_371 = arith.constant 0 : i32
          %sign3A_372 = arith.cmpi sgt, %add3A_366, %sign3A_371 : i32
          %sign3A_373 = arith.extui %sign3A_372 : i1 to i32
          %sign3A_374 = arith.constant 0 : i32
          %sign3A_375 = arith.cmpi slt, %add3A_366, %sign3A_374 : i32
          %sign3A_376 = arith.extui %sign3A_375 : i1 to i32
          %sign3A_377 = arith.subi %sign3A_373, %sign3A_376 : i32
          %sign3A_378 = arith.constant 0 : i32
          %sign3A_379 = arith.cmpi sgt, %jit3A_369, %sign3A_378 : i32
          %sign3A_380 = arith.extui %sign3A_379 : i1 to i32
          %sign3A_381 = arith.constant 0 : i32
          %sign3A_382 = arith.cmpi slt, %jit3A_369, %sign3A_381 : i32
          %sign3A_383 = arith.extui %sign3A_382 : i1 to i32
          %sign3A_384 = arith.subi %sign3A_380, %sign3A_383 : i32
          %ne3A_385 = arith.cmpi ne, %sign3A_377, %sign3A_384 : i32
          %rem3A_386 = arith.remsi %add3A_366, %jit3A_369 : i32
          %ne3A_387 = arith.constant 0 : i32
          %ne3A_388 = arith.cmpi ne, %rem3A_386, %ne3A_387 : i32
          %and3A_389 = arith.andi %ne3A_385, %ne3A_388 : i1
          %sub3A_390 = arith.constant 1 : i32
          %sub3A_391 = arith.subi %div3A_370, %sub3A_390 : i32
          %select_n3A_392 = arith.select %and3A_389, %sub3A_391, %div3A_370 : i32
          %rem3A_393 = arith.constant 2 : i32
          %rem3A_394 = arith.remsi %select_n3A_392, %rem3A_393 : i32
          %eq3A_395 = arith.constant 0 : i32
          %eq3A_396 = arith.cmpi eq, %rem3A_394, %eq3A_395 : i32
          %convert_element_type3A_397 = arith.extui %eq3A_396 : i1 to i32
          %cond3A_398 = arith.constant 0 : i32
          %cond3A_399 = arith.cmpi ne, %convert_element_type3A_397, %cond3A_398 : i32
          scf.if %cond3A_399 {
            %dma_start3A_405 = arith.constant 0 : i32
            %dma_start3A_406 = tpu.memref_slice %arg6[%rem3A_368, %dma_start3A_405] : memref<16x80xi32, #tpu.memory_space<vmem>> -> memref<1x80xi32, #tpu.memory_space<vmem>>
            %dma_start3A_407 = tpu.memref_squeeze %dma_start3A_406 : memref<1x80xi32, #tpu.memory_space<vmem>> -> memref<80xi32, #tpu.memory_space<vmem>>
            %dma_start3A_408 = arith.constant 0 : i32
            %dma_start3A_409 = arith.constant 0 : i32
            %dma_start3A_410 = tpu.memref_slice %arg2[%dma_start3A_408, %dma_start3A_409] : memref<20000x128xf32, #tpu.memory_space<hbm>> -> memref<20000x128xf32, #tpu.memory_space<hbm>>
            tpu.enqueue_indirect_dma source(%dma_start3A_410 : memref<20000x128xf32, #tpu.memory_space<hbm>>) target(%arg10 : memref<80x128xf32, #tpu.memory_space<vmem>>) offsets(%dma_start3A_407 : memref<80xi32, #tpu.memory_space<vmem>>) semaphore(%arg15 : memref<!tpu.dma_semaphore, #tpu.memory_space<semaphore_mem>>)
          } else {
          }
          %eq3A_400 = arith.constant 1 : i32
          %eq3A_401 = arith.cmpi eq, %rem3A_394, %eq3A_400 : i32
          %convert_element_type3A_402 = arith.extui %eq3A_401 : i1 to i32
          %cond3A_403 = arith.constant 0 : i32
          %cond3A_404 = arith.cmpi ne, %convert_element_type3A_402, %cond3A_403 : i32
          scf.if %cond3A_404 {
            %dma_start3A_405 = arith.constant 0 : i32
            %dma_start3A_406 = tpu.memref_slice %arg7[%rem3A_368, %dma_start3A_405] : memref<16x80xi32, #tpu.memory_space<vmem>> -> memref<1x80xi32, #tpu.memory_space<vmem>>
            %dma_start3A_407 = tpu.memref_squeeze %dma_start3A_406 : memref<1x80xi32, #tpu.memory_space<vmem>> -> memref<80xi32, #tpu.memory_space<vmem>>
            %dma_start3A_408 = arith.constant 0 : i32
            %dma_start3A_409 = arith.constant 0 : i32
            %dma_start3A_410 = tpu.memref_slice %arg2[%dma_start3A_408, %dma_start3A_409] : memref<20000x128xf32, #tpu.memory_space<hbm>> -> memref<20000x128xf32, #tpu.memory_space<hbm>>
            tpu.enqueue_indirect_dma source(%dma_start3A_410 : memref<20000x128xf32, #tpu.memory_space<hbm>>) target(%arg10 : memref<80x128xf32, #tpu.memory_space<vmem>>) offsets(%dma_start3A_407 : memref<80xi32, #tpu.memory_space<vmem>>) semaphore(%arg15 : memref<!tpu.dma_semaphore, #tpu.memory_space<semaphore_mem>>)
          } else {
          }
        } else {
        }
      } else {
      }
      %eq3A_298 = arith.constant 2 : i32
      %eq3A_299 = arith.cmpi eq, %select_n3A_157, %eq3A_298 : i32
      %convert_element_type3A_300 = arith.extui %eq3A_299 : i1 to i32
      %cond3A_301 = arith.constant 0 : i32
      %cond3A_302 = arith.cmpi ne, %convert_element_type3A_300, %cond3A_301 : i32
      scf.if %cond3A_302 {
        %dma_wait3A_308 = arith.constant 0 : i32
        %dma_wait3A_309 = arith.constant 0 : i32
        %dma_wait3A_310 = tpu.memref_slice %arg6[%dma_wait3A_308, %dma_wait3A_309] : memref<16x80xi32, #tpu.memory_space<vmem>> -> memref<1x80xi32, #tpu.memory_space<vmem>>
        %dma_wait3A_311 = tpu.memref_squeeze %dma_wait3A_310 : memref<1x80xi32, #tpu.memory_space<vmem>> -> memref<80xi32, #tpu.memory_space<vmem>>
        %dma_wait3A_312 = arith.constant 0 : i32
        %dma_wait3A_313 = arith.constant 0 : i32
        %dma_wait3A_314 = tpu.memref_slice %arg2[%dma_wait3A_312, %dma_wait3A_313] : memref<20000x128xf32, #tpu.memory_space<hbm>> -> memref<20000x128xf32, #tpu.memory_space<hbm>>
        tpu.wait_indirect_dma semaphore(%arg17 : memref<!tpu.dma_semaphore, #tpu.memory_space<semaphore_mem>>) src(%dma_wait3A_314 : memref<20000x128xf32, #tpu.memory_space<hbm>>) dst(%arg12 : memref<80x128xf32, #tpu.memory_space<vmem>>)
        %rem3A_315 = arith.constant 16 : i32
        %rem3A_316 = arith.remsi %scan3A_146, %rem3A_315 : i32
        %jit3A_317 = arith.constant 16 : i32
        %div3A_318 = arith.divsi %scan3A_146, %jit3A_317 : i32
        %sign3A_319 = arith.constant 0 : i32
        %sign3A_320 = arith.cmpi sgt, %scan3A_146, %sign3A_319 : i32
        %sign3A_321 = arith.extui %sign3A_320 : i1 to i32
        %sign3A_322 = arith.constant 0 : i32
        %sign3A_323 = arith.cmpi slt, %scan3A_146, %sign3A_322 : i32
        %sign3A_324 = arith.extui %sign3A_323 : i1 to i32
        %sign3A_325 = arith.subi %sign3A_321, %sign3A_324 : i32
        %sign3A_326 = arith.constant 0 : i32
        %sign3A_327 = arith.cmpi sgt, %jit3A_317, %sign3A_326 : i32
        %sign3A_328 = arith.extui %sign3A_327 : i1 to i32
        %sign3A_329 = arith.constant 0 : i32
        %sign3A_330 = arith.cmpi slt, %jit3A_317, %sign3A_329 : i32
        %sign3A_331 = arith.extui %sign3A_330 : i1 to i32
        %sign3A_332 = arith.subi %sign3A_328, %sign3A_331 : i32
        %ne3A_333 = arith.cmpi ne, %sign3A_325, %sign3A_332 : i32
        %rem3A_334 = arith.remsi %scan3A_146, %jit3A_317 : i32
        %ne3A_335 = arith.constant 0 : i32
        %ne3A_336 = arith.cmpi ne, %rem3A_334, %ne3A_335 : i32
        %and3A_337 = arith.andi %ne3A_333, %ne3A_336 : i1
        %sub3A_338 = arith.constant 1 : i32
        %sub3A_339 = arith.subi %div3A_318, %sub3A_338 : i32
        %select_n3A_340 = arith.select %and3A_337, %sub3A_339, %div3A_318 : i32
        %rem3A_341 = arith.constant 2 : i32
        %rem3A_342 = arith.remsi %select_n3A_340, %rem3A_341 : i32
        %eq3A_343 = arith.constant 0 : i32
        %eq3A_344 = arith.cmpi eq, %rem3A_342, %eq3A_343 : i32
        %convert_element_type3A_345 = arith.extui %eq3A_344 : i1 to i32
        %cond3A_346 = arith.constant 0 : i32
        %cond3A_347 = arith.cmpi ne, %convert_element_type3A_345, %cond3A_346 : i32
        scf.if %cond3A_347 {
          %dma_start3A_360 = arith.constant 0 : i32
          %dma_start3A_361 = tpu.memref_slice %arg8[%rem3A_316, %dma_start3A_360] : memref<16x80xi32, #tpu.memory_space<vmem>> -> memref<1x80xi32, #tpu.memory_space<vmem>>
          %dma_start3A_362 = tpu.memref_squeeze %dma_start3A_361 : memref<1x80xi32, #tpu.memory_space<vmem>> -> memref<80xi32, #tpu.memory_space<vmem>>
          %dma_start3A_363 = arith.constant 0 : i32
          %dma_start3A_364 = arith.constant 0 : i32
          %dma_start3A_365 = tpu.memref_slice %arg14[%dma_start3A_363, %dma_start3A_364] : memref<10000x128xf32, #tpu.memory_space<vmem_shared>> -> memref<10000x128xf32, #tpu.memory_space<vmem_shared>>
          tpu.enqueue_indirect_dma source(%arg12 : memref<80x128xf32, #tpu.memory_space<vmem>>) target(%dma_start3A_365 : memref<10000x128xf32, #tpu.memory_space<vmem_shared>>) offsets(%dma_start3A_362 : memref<80xi32, #tpu.memory_space<vmem>>) semaphore(%arg21 : memref<!tpu.dma_semaphore, #tpu.memory_space<semaphore_mem>>) {add = true}
        } else {
        }
        %eq3A_348 = arith.constant 1 : i32
        %eq3A_349 = arith.cmpi eq, %rem3A_342, %eq3A_348 : i32
        %convert_element_type3A_350 = arith.extui %eq3A_349 : i1 to i32
        %cond3A_351 = arith.constant 0 : i32
        %cond3A_352 = arith.cmpi ne, %convert_element_type3A_350, %cond3A_351 : i32
        scf.if %cond3A_352 {
          %dma_start3A_360 = arith.constant 0 : i32
          %dma_start3A_361 = tpu.memref_slice %arg9[%rem3A_316, %dma_start3A_360] : memref<16x80xi32, #tpu.memory_space<vmem>> -> memref<1x80xi32, #tpu.memory_space<vmem>>
          %dma_start3A_362 = tpu.memref_squeeze %dma_start3A_361 : memref<1x80xi32, #tpu.memory_space<vmem>> -> memref<80xi32, #tpu.memory_space<vmem>>
          %dma_start3A_363 = arith.constant 0 : i32
          %dma_start3A_364 = arith.constant 0 : i32
          %dma_start3A_365 = tpu.memref_slice %arg14[%dma_start3A_363, %dma_start3A_364] : memref<10000x128xf32, #tpu.memory_space<vmem_shared>> -> memref<10000x128xf32, #tpu.memory_space<vmem_shared>>
          tpu.enqueue_indirect_dma source(%arg12 : memref<80x128xf32, #tpu.memory_space<vmem>>) target(%dma_start3A_365 : memref<10000x128xf32, #tpu.memory_space<vmem_shared>>) offsets(%dma_start3A_362 : memref<80xi32, #tpu.memory_space<vmem>>) semaphore(%arg21 : memref<!tpu.dma_semaphore, #tpu.memory_space<semaphore_mem>>) {add = true}
        } else {
        }
        %add3A_353 = arith.constant 3 : i32
        %add3A_354 = arith.addi %scan3A_146, %add3A_353 : i32
        %lt3A_355 = arith.constant 125 : i32
        %lt3A_356 = arith.cmpi slt, %add3A_354, %lt3A_355 : i32
        %convert_element_type3A_357 = arith.extui %lt3A_356 : i1 to i32
        %cond3A_358 = arith.constant 0 : i32
        %cond3A_359 = arith.cmpi ne, %convert_element_type3A_357, %cond3A_358 : i32
        scf.if %cond3A_359 {
          %ge3A_360 = arith.constant 1 : i32
          %ge3A_361 = arith.cmpi sge, %scan3A_146, %ge3A_360 : i32
          %convert_element_type3A_362 = arith.extui %ge3A_361 : i1 to i32
          %cond3A_363 = arith.constant 0 : i32
          %cond3A_364 = arith.cmpi ne, %convert_element_type3A_362, %cond3A_363 : i32
          scf.if %cond3A_364 {
            %dma_wait3A_405 = arith.constant 0 : i32
            %dma_wait3A_406 = arith.constant 0 : i32
            %dma_wait3A_407 = tpu.memref_slice %arg8[%dma_wait3A_405, %dma_wait3A_406] : memref<16x80xi32, #tpu.memory_space<vmem>> -> memref<1x80xi32, #tpu.memory_space<vmem>>
            %dma_wait3A_408 = tpu.memref_squeeze %dma_wait3A_407 : memref<1x80xi32, #tpu.memory_space<vmem>> -> memref<80xi32, #tpu.memory_space<vmem>>
            %dma_wait3A_409 = arith.constant 0 : i32
            %dma_wait3A_410 = arith.constant 0 : i32
            %dma_wait3A_411 = tpu.memref_slice %arg14[%dma_wait3A_409, %dma_wait3A_410] : memref<10000x128xf32, #tpu.memory_space<vmem_shared>> -> memref<10000x128xf32, #tpu.memory_space<vmem_shared>>
            tpu.wait_indirect_dma semaphore(%arg20 : memref<!tpu.dma_semaphore, #tpu.memory_space<semaphore_mem>>) src(%arg11 : memref<80x128xf32, #tpu.memory_space<vmem>>) dst(%dma_wait3A_411 : memref<10000x128xf32, #tpu.memory_space<vmem_shared>>)
          } else {
          }
          %add3A_365 = arith.constant 3 : i32
          %add3A_366 = arith.addi %scan3A_146, %add3A_365 : i32
          %rem3A_367 = arith.constant 16 : i32
          %rem3A_368 = arith.remsi %add3A_366, %rem3A_367 : i32
          %jit3A_369 = arith.constant 16 : i32
          %div3A_370 = arith.divsi %add3A_366, %jit3A_369 : i32
          %sign3A_371 = arith.constant 0 : i32
          %sign3A_372 = arith.cmpi sgt, %add3A_366, %sign3A_371 : i32
          %sign3A_373 = arith.extui %sign3A_372 : i1 to i32
          %sign3A_374 = arith.constant 0 : i32
          %sign3A_375 = arith.cmpi slt, %add3A_366, %sign3A_374 : i32
          %sign3A_376 = arith.extui %sign3A_375 : i1 to i32
          %sign3A_377 = arith.subi %sign3A_373, %sign3A_376 : i32
          %sign3A_378 = arith.constant 0 : i32
          %sign3A_379 = arith.cmpi sgt, %jit3A_369, %sign3A_378 : i32
          %sign3A_380 = arith.extui %sign3A_379 : i1 to i32
          %sign3A_381 = arith.constant 0 : i32
          %sign3A_382 = arith.cmpi slt, %jit3A_369, %sign3A_381 : i32
          %sign3A_383 = arith.extui %sign3A_382 : i1 to i32
          %sign3A_384 = arith.subi %sign3A_380, %sign3A_383 : i32
          %ne3A_385 = arith.cmpi ne, %sign3A_377, %sign3A_384 : i32
          %rem3A_386 = arith.remsi %add3A_366, %jit3A_369 : i32
          %ne3A_387 = arith.constant 0 : i32
          %ne3A_388 = arith.cmpi ne, %rem3A_386, %ne3A_387 : i32
          %and3A_389 = arith.andi %ne3A_385, %ne3A_388 : i1
          %sub3A_390 = arith.constant 1 : i32
          %sub3A_391 = arith.subi %div3A_370, %sub3A_390 : i32
          %select_n3A_392 = arith.select %and3A_389, %sub3A_391, %div3A_370 : i32
          %rem3A_393 = arith.constant 2 : i32
          %rem3A_394 = arith.remsi %select_n3A_392, %rem3A_393 : i32
          %eq3A_395 = arith.constant 0 : i32
          %eq3A_396 = arith.cmpi eq, %rem3A_394, %eq3A_395 : i32
          %convert_element_type3A_397 = arith.extui %eq3A_396 : i1 to i32
          %cond3A_398 = arith.constant 0 : i32
          %cond3A_399 = arith.cmpi ne, %convert_element_type3A_397, %cond3A_398 : i32
          scf.if %cond3A_399 {
            %dma_start3A_405 = arith.constant 0 : i32
            %dma_start3A_406 = tpu.memref_slice %arg6[%rem3A_368, %dma_start3A_405] : memref<16x80xi32, #tpu.memory_space<vmem>> -> memref<1x80xi32, #tpu.memory_space<vmem>>
            %dma_start3A_407 = tpu.memref_squeeze %dma_start3A_406 : memref<1x80xi32, #tpu.memory_space<vmem>> -> memref<80xi32, #tpu.memory_space<vmem>>
            %dma_start3A_408 = arith.constant 0 : i32
            %dma_start3A_409 = arith.constant 0 : i32
            %dma_start3A_410 = tpu.memref_slice %arg2[%dma_start3A_408, %dma_start3A_409] : memref<20000x128xf32, #tpu.memory_space<hbm>> -> memref<20000x128xf32, #tpu.memory_space<hbm>>
            tpu.enqueue_indirect_dma source(%dma_start3A_410 : memref<20000x128xf32, #tpu.memory_space<hbm>>) target(%arg11 : memref<80x128xf32, #tpu.memory_space<vmem>>) offsets(%dma_start3A_407 : memref<80xi32, #tpu.memory_space<vmem>>) semaphore(%arg16 : memref<!tpu.dma_semaphore, #tpu.memory_space<semaphore_mem>>)
          } else {
          }
          %eq3A_400 = arith.constant 1 : i32
          %eq3A_401 = arith.cmpi eq, %rem3A_394, %eq3A_400 : i32
          %convert_element_type3A_402 = arith.extui %eq3A_401 : i1 to i32
          %cond3A_403 = arith.constant 0 : i32
          %cond3A_404 = arith.cmpi ne, %convert_element_type3A_402, %cond3A_403 : i32
          scf.if %cond3A_404 {
            %dma_start3A_405 = arith.constant 0 : i32
            %dma_start3A_406 = tpu.memref_slice %arg7[%rem3A_368, %dma_start3A_405] : memref<16x80xi32, #tpu.memory_space<vmem>> -> memref<1x80xi32, #tpu.memory_space<vmem>>
            %dma_start3A_407 = tpu.memref_squeeze %dma_start3A_406 : memref<1x80xi32, #tpu.memory_space<vmem>> -> memref<80xi32, #tpu.memory_space<vmem>>
            %dma_start3A_408 = arith.constant 0 : i32
            %dma_start3A_409 = arith.constant 0 : i32
            %dma_start3A_410 = tpu.memref_slice %arg2[%dma_start3A_408, %dma_start3A_409] : memref<20000x128xf32, #tpu.memory_space<hbm>> -> memref<20000x128xf32, #tpu.memory_space<hbm>>
            tpu.enqueue_indirect_dma source(%dma_start3A_410 : memref<20000x128xf32, #tpu.memory_space<hbm>>) target(%arg11 : memref<80x128xf32, #tpu.memory_space<vmem>>) offsets(%dma_start3A_407 : memref<80xi32, #tpu.memory_space<vmem>>) semaphore(%arg16 : memref<!tpu.dma_semaphore, #tpu.memory_space<semaphore_mem>>)
          } else {
          }
        } else {
        }
      } else {
      }
      %eq3A_303 = arith.constant 3 : i32
      %eq3A_304 = arith.cmpi eq, %select_n3A_157, %eq3A_303 : i32
      %convert_element_type3A_305 = arith.extui %eq3A_304 : i1 to i32
      %cond3A_306 = arith.constant 0 : i32
      %cond3A_307 = arith.cmpi ne, %convert_element_type3A_305, %cond3A_306 : i32
      scf.if %cond3A_307 {
        %dma_wait3A_308 = arith.constant 0 : i32
        %dma_wait3A_309 = arith.constant 0 : i32
        %dma_wait3A_310 = tpu.memref_slice %arg6[%dma_wait3A_308, %dma_wait3A_309] : memref<16x80xi32, #tpu.memory_space<vmem>> -> memref<1x80xi32, #tpu.memory_space<vmem>>
        %dma_wait3A_311 = tpu.memref_squeeze %dma_wait3A_310 : memref<1x80xi32, #tpu.memory_space<vmem>> -> memref<80xi32, #tpu.memory_space<vmem>>
        %dma_wait3A_312 = arith.constant 0 : i32
        %dma_wait3A_313 = arith.constant 0 : i32
        %dma_wait3A_314 = tpu.memref_slice %arg2[%dma_wait3A_312, %dma_wait3A_313] : memref<20000x128xf32, #tpu.memory_space<hbm>> -> memref<20000x128xf32, #tpu.memory_space<hbm>>
        tpu.wait_indirect_dma semaphore(%arg18 : memref<!tpu.dma_semaphore, #tpu.memory_space<semaphore_mem>>) src(%dma_wait3A_314 : memref<20000x128xf32, #tpu.memory_space<hbm>>) dst(%arg13 : memref<80x128xf32, #tpu.memory_space<vmem>>)
        %rem3A_315 = arith.constant 16 : i32
        %rem3A_316 = arith.remsi %scan3A_146, %rem3A_315 : i32
        %jit3A_317 = arith.constant 16 : i32
        %div3A_318 = arith.divsi %scan3A_146, %jit3A_317 : i32
        %sign3A_319 = arith.constant 0 : i32
        %sign3A_320 = arith.cmpi sgt, %scan3A_146, %sign3A_319 : i32
        %sign3A_321 = arith.extui %sign3A_320 : i1 to i32
        %sign3A_322 = arith.constant 0 : i32
        %sign3A_323 = arith.cmpi slt, %scan3A_146, %sign3A_322 : i32
        %sign3A_324 = arith.extui %sign3A_323 : i1 to i32
        %sign3A_325 = arith.subi %sign3A_321, %sign3A_324 : i32
        %sign3A_326 = arith.constant 0 : i32
        %sign3A_327 = arith.cmpi sgt, %jit3A_317, %sign3A_326 : i32
        %sign3A_328 = arith.extui %sign3A_327 : i1 to i32
        %sign3A_329 = arith.constant 0 : i32
        %sign3A_330 = arith.cmpi slt, %jit3A_317, %sign3A_329 : i32
        %sign3A_331 = arith.extui %sign3A_330 : i1 to i32
        %sign3A_332 = arith.subi %sign3A_328, %sign3A_331 : i32
        %ne3A_333 = arith.cmpi ne, %sign3A_325, %sign3A_332 : i32
        %rem3A_334 = arith.remsi %scan3A_146, %jit3A_317 : i32
        %ne3A_335 = arith.constant 0 : i32
        %ne3A_336 = arith.cmpi ne, %rem3A_334, %ne3A_335 : i32
        %and3A_337 = arith.andi %ne3A_333, %ne3A_336 : i1
        %sub3A_338 = arith.constant 1 : i32
        %sub3A_339 = arith.subi %div3A_318, %sub3A_338 : i32
        %select_n3A_340 = arith.select %and3A_337, %sub3A_339, %div3A_318 : i32
        %rem3A_341 = arith.constant 2 : i32
        %rem3A_342 = arith.remsi %select_n3A_340, %rem3A_341 : i32
        %eq3A_343 = arith.constant 0 : i32
        %eq3A_344 = arith.cmpi eq, %rem3A_342, %eq3A_343 : i32
        %convert_element_type3A_345 = arith.extui %eq3A_344 : i1 to i32
        %cond3A_346 = arith.constant 0 : i32
        %cond3A_347 = arith.cmpi ne, %convert_element_type3A_345, %cond3A_346 : i32
        scf.if %cond3A_347 {
          %dma_start3A_360 = arith.constant 0 : i32
          %dma_start3A_361 = tpu.memref_slice %arg8[%rem3A_316, %dma_start3A_360] : memref<16x80xi32, #tpu.memory_space<vmem>> -> memref<1x80xi32, #tpu.memory_space<vmem>>
          %dma_start3A_362 = tpu.memref_squeeze %dma_start3A_361 : memref<1x80xi32, #tpu.memory_space<vmem>> -> memref<80xi32, #tpu.memory_space<vmem>>
          %dma_start3A_363 = arith.constant 0 : i32
          %dma_start3A_364 = arith.constant 0 : i32
          %dma_start3A_365 = tpu.memref_slice %arg14[%dma_start3A_363, %dma_start3A_364] : memref<10000x128xf32, #tpu.memory_space<vmem_shared>> -> memref<10000x128xf32, #tpu.memory_space<vmem_shared>>
          tpu.enqueue_indirect_dma source(%arg13 : memref<80x128xf32, #tpu.memory_space<vmem>>) target(%dma_start3A_365 : memref<10000x128xf32, #tpu.memory_space<vmem_shared>>) offsets(%dma_start3A_362 : memref<80xi32, #tpu.memory_space<vmem>>) semaphore(%arg22 : memref<!tpu.dma_semaphore, #tpu.memory_space<semaphore_mem>>) {add = true}
        } else {
        }
        %eq3A_348 = arith.constant 1 : i32
        %eq3A_349 = arith.cmpi eq, %rem3A_342, %eq3A_348 : i32
        %convert_element_type3A_350 = arith.extui %eq3A_349 : i1 to i32
        %cond3A_351 = arith.constant 0 : i32
        %cond3A_352 = arith.cmpi ne, %convert_element_type3A_350, %cond3A_351 : i32
        scf.if %cond3A_352 {
          %dma_start3A_360 = arith.constant 0 : i32
          %dma_start3A_361 = tpu.memref_slice %arg9[%rem3A_316, %dma_start3A_360] : memref<16x80xi32, #tpu.memory_space<vmem>> -> memref<1x80xi32, #tpu.memory_space<vmem>>
          %dma_start3A_362 = tpu.memref_squeeze %dma_start3A_361 : memref<1x80xi32, #tpu.memory_space<vmem>> -> memref<80xi32, #tpu.memory_space<vmem>>
          %dma_start3A_363 = arith.constant 0 : i32
          %dma_start3A_364 = arith.constant 0 : i32
          %dma_start3A_365 = tpu.memref_slice %arg14[%dma_start3A_363, %dma_start3A_364] : memref<10000x128xf32, #tpu.memory_space<vmem_shared>> -> memref<10000x128xf32, #tpu.memory_space<vmem_shared>>
          tpu.enqueue_indirect_dma source(%arg13 : memref<80x128xf32, #tpu.memory_space<vmem>>) target(%dma_start3A_365 : memref<10000x128xf32, #tpu.memory_space<vmem_shared>>) offsets(%dma_start3A_362 : memref<80xi32, #tpu.memory_space<vmem>>) semaphore(%arg22 : memref<!tpu.dma_semaphore, #tpu.memory_space<semaphore_mem>>) {add = true}
        } else {
        }
        %add3A_353 = arith.constant 3 : i32
        %add3A_354 = arith.addi %scan3A_146, %add3A_353 : i32
        %lt3A_355 = arith.constant 125 : i32
        %lt3A_356 = arith.cmpi slt, %add3A_354, %lt3A_355 : i32
        %convert_element_type3A_357 = arith.extui %lt3A_356 : i1 to i32
        %cond3A_358 = arith.constant 0 : i32
        %cond3A_359 = arith.cmpi ne, %convert_element_type3A_357, %cond3A_358 : i32
        scf.if %cond3A_359 {
          %ge3A_360 = arith.constant 1 : i32
          %ge3A_361 = arith.cmpi sge, %scan3A_146, %ge3A_360 : i32
          %convert_element_type3A_362 = arith.extui %ge3A_361 : i1 to i32
          %cond3A_363 = arith.constant 0 : i32
          %cond3A_364 = arith.cmpi ne, %convert_element_type3A_362, %cond3A_363 : i32
          scf.if %cond3A_364 {
            %dma_wait3A_405 = arith.constant 0 : i32
            %dma_wait3A_406 = arith.constant 0 : i32
            %dma_wait3A_407 = tpu.memref_slice %arg8[%dma_wait3A_405, %dma_wait3A_406] : memref<16x80xi32, #tpu.memory_space<vmem>> -> memref<1x80xi32, #tpu.memory_space<vmem>>
            %dma_wait3A_408 = tpu.memref_squeeze %dma_wait3A_407 : memref<1x80xi32, #tpu.memory_space<vmem>> -> memref<80xi32, #tpu.memory_space<vmem>>
            %dma_wait3A_409 = arith.constant 0 : i32
            %dma_wait3A_410 = arith.constant 0 : i32
            %dma_wait3A_411 = tpu.memref_slice %arg14[%dma_wait3A_409, %dma_wait3A_410] : memref<10000x128xf32, #tpu.memory_space<vmem_shared>> -> memref<10000x128xf32, #tpu.memory_space<vmem_shared>>
            tpu.wait_indirect_dma semaphore(%arg21 : memref<!tpu.dma_semaphore, #tpu.memory_space<semaphore_mem>>) src(%arg12 : memref<80x128xf32, #tpu.memory_space<vmem>>) dst(%dma_wait3A_411 : memref<10000x128xf32, #tpu.memory_space<vmem_shared>>)
          } else {
          }
          %add3A_365 = arith.constant 3 : i32
          %add3A_366 = arith.addi %scan3A_146, %add3A_365 : i32
          %rem3A_367 = arith.constant 16 : i32
          %rem3A_368 = arith.remsi %add3A_366, %rem3A_367 : i32
          %jit3A_369 = arith.constant 16 : i32
          %div3A_370 = arith.divsi %add3A_366, %jit3A_369 : i32
          %sign3A_371 = arith.constant 0 : i32
          %sign3A_372 = arith.cmpi sgt, %add3A_366, %sign3A_371 : i32
          %sign3A_373 = arith.extui %sign3A_372 : i1 to i32
          %sign3A_374 = arith.constant 0 : i32
          %sign3A_375 = arith.cmpi slt, %add3A_366, %sign3A_374 : i32
          %sign3A_376 = arith.extui %sign3A_375 : i1 to i32
          %sign3A_377 = arith.subi %sign3A_373, %sign3A_376 : i32
          %sign3A_378 = arith.constant 0 : i32
          %sign3A_379 = arith.cmpi sgt, %jit3A_369, %sign3A_378 : i32
          %sign3A_380 = arith.extui %sign3A_379 : i1 to i32
          %sign3A_381 = arith.constant 0 : i32
          %sign3A_382 = arith.cmpi slt, %jit3A_369, %sign3A_381 : i32
          %sign3A_383 = arith.extui %sign3A_382 : i1 to i32
          %sign3A_384 = arith.subi %sign3A_380, %sign3A_383 : i32
          %ne3A_385 = arith.cmpi ne, %sign3A_377, %sign3A_384 : i32
          %rem3A_386 = arith.remsi %add3A_366, %jit3A_369 : i32
          %ne3A_387 = arith.constant 0 : i32
          %ne3A_388 = arith.cmpi ne, %rem3A_386, %ne3A_387 : i32
          %and3A_389 = arith.andi %ne3A_385, %ne3A_388 : i1
          %sub3A_390 = arith.constant 1 : i32
          %sub3A_391 = arith.subi %div3A_370, %sub3A_390 : i32
          %select_n3A_392 = arith.select %and3A_389, %sub3A_391, %div3A_370 : i32
          %rem3A_393 = arith.constant 2 : i32
          %rem3A_394 = arith.remsi %select_n3A_392, %rem3A_393 : i32
          %eq3A_395 = arith.constant 0 : i32
          %eq3A_396 = arith.cmpi eq, %rem3A_394, %eq3A_395 : i32
          %convert_element_type3A_397 = arith.extui %eq3A_396 : i1 to i32
          %cond3A_398 = arith.constant 0 : i32
          %cond3A_399 = arith.cmpi ne, %convert_element_type3A_397, %cond3A_398 : i32
          scf.if %cond3A_399 {
            %dma_start3A_405 = arith.constant 0 : i32
            %dma_start3A_406 = tpu.memref_slice %arg6[%rem3A_368, %dma_start3A_405] : memref<16x80xi32, #tpu.memory_space<vmem>> -> memref<1x80xi32, #tpu.memory_space<vmem>>
            %dma_start3A_407 = tpu.memref_squeeze %dma_start3A_406 : memref<1x80xi32, #tpu.memory_space<vmem>> -> memref<80xi32, #tpu.memory_space<vmem>>
            %dma_start3A_408 = arith.constant 0 : i32
            %dma_start3A_409 = arith.constant 0 : i32
            %dma_start3A_410 = tpu.memref_slice %arg2[%dma_start3A_408, %dma_start3A_409] : memref<20000x128xf32, #tpu.memory_space<hbm>> -> memref<20000x128xf32, #tpu.memory_space<hbm>>
            tpu.enqueue_indirect_dma source(%dma_start3A_410 : memref<20000x128xf32, #tpu.memory_space<hbm>>) target(%arg12 : memref<80x128xf32, #tpu.memory_space<vmem>>) offsets(%dma_start3A_407 : memref<80xi32, #tpu.memory_space<vmem>>) semaphore(%arg17 : memref<!tpu.dma_semaphore, #tpu.memory_space<semaphore_mem>>)
          } else {
          }
          %eq3A_400 = arith.constant 1 : i32
          %eq3A_401 = arith.cmpi eq, %rem3A_394, %eq3A_400 : i32
          %convert_element_type3A_402 = arith.extui %eq3A_401 : i1 to i32
          %cond3A_403 = arith.constant 0 : i32
          %cond3A_404 = arith.cmpi ne, %convert_element_type3A_402, %cond3A_403 : i32
          scf.if %cond3A_404 {
            %dma_start3A_405 = arith.constant 0 : i32
            %dma_start3A_406 = tpu.memref_slice %arg7[%rem3A_368, %dma_start3A_405] : memref<16x80xi32, #tpu.memory_space<vmem>> -> memref<1x80xi32, #tpu.memory_space<vmem>>
            %dma_start3A_407 = tpu.memref_squeeze %dma_start3A_406 : memref<1x80xi32, #tpu.memory_space<vmem>> -> memref<80xi32, #tpu.memory_space<vmem>>
            %dma_start3A_408 = arith.constant 0 : i32
            %dma_start3A_409 = arith.constant 0 : i32
            %dma_start3A_410 = tpu.memref_slice %arg2[%dma_start3A_408, %dma_start3A_409] : memref<20000x128xf32, #tpu.memory_space<hbm>> -> memref<20000x128xf32, #tpu.memory_space<hbm>>
            tpu.enqueue_indirect_dma source(%dma_start3A_410 : memref<20000x128xf32, #tpu.memory_space<hbm>>) target(%arg12 : memref<80x128xf32, #tpu.memory_space<vmem>>) offsets(%dma_start3A_407 : memref<80xi32, #tpu.memory_space<vmem>>) semaphore(%arg17 : memref<!tpu.dma_semaphore, #tpu.memory_space<semaphore_mem>>)
          } else {
          }
        } else {
        }
      } else {
      }
    }
    %scan3A_106 = arith.constant 125 : i32
    %dma_wait3A_107 = arith.constant 0 : i32
    %dma_wait3A_108 = arith.constant 0 : i32
    %dma_wait3A_109 = tpu.memref_slice %arg8[%dma_wait3A_107, %dma_wait3A_108] : memref<16x80xi32, #tpu.memory_space<vmem>> -> memref<1x80xi32, #tpu.memory_space<vmem>>
    %dma_wait3A_110 = tpu.memref_squeeze %dma_wait3A_109 : memref<1x80xi32, #tpu.memory_space<vmem>> -> memref<80xi32, #tpu.memory_space<vmem>>
    %dma_wait3A_111 = arith.constant 0 : i32
    %dma_wait3A_112 = arith.constant 0 : i32
    %dma_wait3A_113 = tpu.memref_slice %arg14[%dma_wait3A_111, %dma_wait3A_112] : memref<10000x128xf32, #tpu.memory_space<vmem_shared>> -> memref<10000x128xf32, #tpu.memory_space<vmem_shared>>
    tpu.wait_indirect_dma semaphore(%arg20 : memref<!tpu.dma_semaphore, #tpu.memory_space<semaphore_mem>>) src(%arg11 : memref<80x128xf32, #tpu.memory_space<vmem>>) dst(%dma_wait3A_113 : memref<10000x128xf32, #tpu.memory_space<vmem_shared>>)
    %dma_wait3A_114 = arith.constant 0 : i32
    %dma_wait3A_115 = arith.constant 0 : i32
    %dma_wait3A_116 = tpu.memref_slice %arg8[%dma_wait3A_114, %dma_wait3A_115] : memref<16x80xi32, #tpu.memory_space<vmem>> -> memref<1x80xi32, #tpu.memory_space<vmem>>
    %dma_wait3A_117 = tpu.memref_squeeze %dma_wait3A_116 : memref<1x80xi32, #tpu.memory_space<vmem>> -> memref<80xi32, #tpu.memory_space<vmem>>
    %dma_wait3A_118 = arith.constant 0 : i32
    %dma_wait3A_119 = arith.constant 0 : i32
    %dma_wait3A_120 = tpu.memref_slice %arg14[%dma_wait3A_118, %dma_wait3A_119] : memref<10000x128xf32, #tpu.memory_space<vmem_shared>> -> memref<10000x128xf32, #tpu.memory_space<vmem_shared>>
    tpu.wait_indirect_dma semaphore(%arg21 : memref<!tpu.dma_semaphore, #tpu.memory_space<semaphore_mem>>) src(%arg12 : memref<80x128xf32, #tpu.memory_space<vmem>>) dst(%dma_wait3A_120 : memref<10000x128xf32, #tpu.memory_space<vmem_shared>>)
    %dma_wait3A_121 = arith.constant 0 : i32
    %dma_wait3A_122 = arith.constant 0 : i32
    %dma_wait3A_123 = tpu.memref_slice %arg8[%dma_wait3A_121, %dma_wait3A_122] : memref<16x80xi32, #tpu.memory_space<vmem>> -> memref<1x80xi32, #tpu.memory_space<vmem>>
    %dma_wait3A_124 = tpu.memref_squeeze %dma_wait3A_123 : memref<1x80xi32, #tpu.memory_space<vmem>> -> memref<80xi32, #tpu.memory_space<vmem>>
    %dma_wait3A_125 = arith.constant 0 : i32
    %dma_wait3A_126 = arith.constant 0 : i32
    %dma_wait3A_127 = tpu.memref_slice %arg14[%dma_wait3A_125, %dma_wait3A_126] : memref<10000x128xf32, #tpu.memory_space<vmem_shared>> -> memref<10000x128xf32, #tpu.memory_space<vmem_shared>>
    tpu.wait_indirect_dma semaphore(%arg22 : memref<!tpu.dma_semaphore, #tpu.memory_space<semaphore_mem>>) src(%arg13 : memref<80x128xf32, #tpu.memory_space<vmem>>) dst(%dma_wait3A_127 : memref<10000x128xf32, #tpu.memory_space<vmem_shared>>)
    %dma_wait3A_128 = arith.constant 0 : i32
    %dma_wait3A_129 = arith.constant 0 : i32
    %dma_wait3A_130 = tpu.memref_slice %arg8[%dma_wait3A_128, %dma_wait3A_129] : memref<16x80xi32, #tpu.memory_space<vmem>> -> memref<1x80xi32, #tpu.memory_space<vmem>>
    %dma_wait3A_131 = tpu.memref_squeeze %dma_wait3A_130 : memref<1x80xi32, #tpu.memory_space<vmem>> -> memref<80xi32, #tpu.memory_space<vmem>>
    %dma_wait3A_132 = arith.constant 0 : i32
    %dma_wait3A_133 = arith.constant 0 : i32
    %dma_wait3A_134 = tpu.memref_slice %arg14[%dma_wait3A_132, %dma_wait3A_133] : memref<10000x128xf32, #tpu.memory_space<vmem_shared>> -> memref<10000x128xf32, #tpu.memory_space<vmem_shared>>
    tpu.wait_indirect_dma semaphore(%arg19 : memref<!tpu.dma_semaphore, #tpu.memory_space<semaphore_mem>>) src(%arg10 : memref<80x128xf32, #tpu.memory_space<vmem>>) dst(%dma_wait3A_134 : memref<10000x128xf32, #tpu.memory_space<vmem_shared>>)
    %barrier3A_135 = arith.constant 0 : index
    tpu.barrier barrier_id(%barrier3A_135)
    %lt3A_136 = arith.constant 15 : i32
    %lt3A_137 = arith.cmpi slt, %arg1, %lt3A_136 : i32
    %convert_element_type3A_138 = arith.extui %lt3A_137 : i1 to i32
    %cond3A_139 = arith.constant 0 : i32
    %cond3A_140 = arith.cmpi ne, %convert_element_type3A_138, %cond3A_139 : i32
    scf.if %cond3A_140 {
      %add3A = arith.addi %mul3A_0, %mul3A_2 : i32
      "tpu.region"() ({
        %run_scoped3A = tpu.sem_alloc : memref<!tpu.dma_semaphore, #tpu.memory_space<semaphore_mem>>
        %dma_start3A_146 = arith.constant 0 : i32
        %dma_start3A_147 = tpu.memref_slice %arg5[%add3A, %dma_start3A_146] : memref<20000x128xf32, #tpu.memory_space<hbm>> -> memref<632x128xf32, #tpu.memory_space<hbm>>
        %dma_start3A_148 = arith.constant 0 : i32
        %dma_start3A_149 = tpu.memref_slice %arg14[%mul3A_2, %dma_start3A_148] : memref<10000x128xf32, #tpu.memory_space<vmem_shared>> -> memref<632x128xf32, #tpu.memory_space<vmem_shared>>
        tpu.enqueue_dma source(%dma_start3A_149 : memref<632x128xf32, #tpu.memory_space<vmem_shared>>) target(%dma_start3A_147 : memref<632x128xf32, #tpu.memory_space<hbm>>) target_semaphore(%run_scoped3A : memref<!tpu.dma_semaphore, #tpu.memory_space<semaphore_mem>>)
        %dma_wait3A_150 = arith.constant 0 : i32
        %dma_wait3A_151 = tpu.memref_slice %arg5[%add3A, %dma_wait3A_150] : memref<20000x128xf32, #tpu.memory_space<hbm>> -> memref<632x128xf32, #tpu.memory_space<hbm>>
        %dma_wait3A_152 = arith.constant 0 : i32
        %dma_wait3A_153 = tpu.memref_slice %arg14[%mul3A_2, %dma_wait3A_152] : memref<10000x128xf32, #tpu.memory_space<vmem_shared>> -> memref<632x128xf32, #tpu.memory_space<vmem_shared>>
        tpu.wait_dma2 semaphore(%run_scoped3A : memref<!tpu.dma_semaphore, #tpu.memory_space<semaphore_mem>>) src(%dma_wait3A_153 : memref<632x128xf32, #tpu.memory_space<vmem_shared>>) dst(%dma_wait3A_151 : memref<632x128xf32, #tpu.memory_space<hbm>>)
        tpu.yield
      }) : () -> ()
    } else {
    }
    %eq3A_141 = arith.constant 15 : i32
    %eq3A_142 = arith.cmpi eq, %arg1, %eq3A_141 : i32
    %convert_element_type3A_143 = arith.extui %eq3A_142 : i1 to i32
    %cond3A_144 = arith.constant 0 : i32
    %cond3A_145 = arith.cmpi ne, %convert_element_type3A_143, %cond3A_144 : i32
    scf.if %cond3A_145 {
      %add3A = arith.addi %mul3A_0, %mul3A_2 : i32
      "tpu.region"() ({
        %run_scoped3A = tpu.sem_alloc : memref<!tpu.dma_semaphore, #tpu.memory_space<semaphore_mem>>
        %dma_start3A_146 = arith.constant 0 : i32
        %dma_start3A_147 = tpu.memref_slice %arg5[%add3A, %dma_start3A_146] : memref<20000x128xf32, #tpu.memory_space<hbm>> -> memref<520x128xf32, #tpu.memory_space<hbm>>
        %dma_start3A_148 = arith.constant 0 : i32
        %dma_start3A_149 = tpu.memref_slice %arg14[%mul3A_2, %dma_start3A_148] : memref<10000x128xf32, #tpu.memory_space<vmem_shared>> -> memref<520x128xf32, #tpu.memory_space<vmem_shared>>
        tpu.enqueue_dma source(%dma_start3A_149 : memref<520x128xf32, #tpu.memory_space<vmem_shared>>) target(%dma_start3A_147 : memref<520x128xf32, #tpu.memory_space<hbm>>) target_semaphore(%run_scoped3A : memref<!tpu.dma_semaphore, #tpu.memory_space<semaphore_mem>>)
        %dma_wait3A_150 = arith.constant 0 : i32
        %dma_wait3A_151 = tpu.memref_slice %arg5[%add3A, %dma_wait3A_150] : memref<20000x128xf32, #tpu.memory_space<hbm>> -> memref<520x128xf32, #tpu.memory_space<hbm>>
        %dma_wait3A_152 = arith.constant 0 : i32
        %dma_wait3A_153 = tpu.memref_slice %arg14[%mul3A_2, %dma_wait3A_152] : memref<10000x128xf32, #tpu.memory_space<vmem_shared>> -> memref<520x128xf32, #tpu.memory_space<vmem_shared>>
        tpu.wait_dma2 semaphore(%run_scoped3A : memref<!tpu.dma_semaphore, #tpu.memory_space<semaphore_mem>>) src(%dma_wait3A_153 : memref<520x128xf32, #tpu.memory_space<vmem_shared>>) dst(%dma_wait3A_151 : memref<520x128xf32, #tpu.memory_space<hbm>>)
        tpu.yield
      }) : () -> ()
    } else {
    }
    return
  }
}

module attributes {stable_mosaic.version = 14 : i64} {
  func.func @_scale_body(%arg0: i32, %arg1: memref<1000x256xf32, #tpu.memory_space<vmem>>, %arg2: memref<2x1000x128xf32, #tpu.memory_space<vmem>>, %arg3: memref<2x1000x128xf32, #tpu.memory_space<vmem>>, %arg4: memref<1000x128xf32, #tpu.memory_space<vmem>>) attributes {dimension_semantics = [#tpu.dimension_semantics<arbitrary>], iteration_bounds = array<i64: 10>, scalar_prefetch = 0 : i64, scratch_operands = 0 : i64, tpu.core_type = #tpu.core_type<tc>, window_params = [{transform_indices = @transform_0, window_bounds = array<i64: 1000, 256>}, {transform_indices = @transform_1, window_bounds = array<i64: 2, 1000, 128>}, {transform_indices = @transform_2, window_bounds = array<i64: 2, 1000, 128>}, {transform_indices = @transform_3, window_bounds = array<i64: 1000, 128>}]} {
    %get3A = arith.constant 0 : index
    %get3A_0 = arith.constant 0 : index
    %get3A_1 = arith.constant 0 : index
    %get3A_2 = vector.load %arg2[%get3A, %get3A_0, %get3A_1] : memref<2x1000x128xf32, #tpu.memory_space<vmem>>, vector<1x1000x1xf32>
    %get3A_3 = vector.shape_cast %get3A_2 : vector<1x1000x1xf32> to vector<1000x1xf32>
    %get3A_4 = arith.constant 1 : index
    %get3A_5 = arith.constant 0 : index
    %get3A_6 = arith.constant 0 : index
    %get3A_7 = vector.load %arg2[%get3A_4, %get3A_5, %get3A_6] : memref<2x1000x128xf32, #tpu.memory_space<vmem>>, vector<1x1000x1xf32>
    %get3A_8 = vector.shape_cast %get3A_7 : vector<1x1000x1xf32> to vector<1000x1xf32>
    %add3A = arith.addf %get3A_3, %get3A_8 : vector<1000x1xf32>
    %add3A_9 = arith.constant 1.000000e+00 : f32
    %add3A_10 = vector.broadcast %add3A_9 : f32 to vector<1000x1xf32>
    %add3A_11 = arith.addf %add3A_10, %add3A : vector<1000x1xf32>
    %rsqrt3A = math.rsqrt %add3A_11 : vector<1000x1xf32>
    %broadcast_in_dim3A = vector.shape_cast %rsqrt3A : vector<1000x1xf32> to vector<1000x1xf32>
    %broadcast_in_dim3A_12 = vector.broadcast %broadcast_in_dim3A : vector<1000x1xf32> to vector<1000x128xf32>
    %swap3A = arith.constant 0 : index
    %swap3A_13 = arith.constant 0 : index
    %swap3A_14 = vector.load %arg4[%swap3A, %swap3A_13] : memref<1000x128xf32, #tpu.memory_space<vmem>>, vector<1000x128xf32>
    tpu.vector_store %arg4[%swap3A, %swap3A_13], %broadcast_in_dim3A_12 {strides = array<i32>} : memref<1000x128xf32, #tpu.memory_space<vmem>>, vector<1000x128xf32>,
    %get3A_15 = arith.constant 0 : index
    %get3A_16 = arith.constant 0 : index
    %get3A_17 = vector.load %arg1[%get3A_15, %get3A_16] : memref<1000x256xf32, #tpu.memory_space<vmem>>, vector<1000x256xf32>
    %mul3A = vector.broadcast %rsqrt3A : vector<1000x1xf32> to vector<1000x256xf32>
    %mul3A_18 = arith.mulf %get3A_17, %mul3A : vector<1000x256xf32>
    %slice3A = vector.extract_strided_slice %mul3A_18 {offsets = [0, 0], sizes = [1000, 128], strides = [1, 1]} : vector<1000x256xf32> to vector<1000x128xf32>
    %swap3A_19 = arith.constant 0 : index
    %swap3A_20 = arith.constant 0 : index
    %swap3A_21 = arith.constant 0 : index
    %swap3A_22 = vector.load %arg3[%swap3A_19, %swap3A_20, %swap3A_21] : memref<2x1000x128xf32, #tpu.memory_space<vmem>>, vector<1x1000x128xf32>
    %swap3A_23 = vector.shape_cast %swap3A_22 : vector<1x1000x128xf32> to vector<1000x128xf32>
    %swap3A_24 = vector.shape_cast %slice3A : vector<1000x128xf32> to vector<1x1000x128xf32>
    tpu.vector_store %arg3[%swap3A_19, %swap3A_20, %swap3A_21], %swap3A_24 {strides = array<i32>} : memref<2x1000x128xf32, #tpu.memory_space<vmem>>, vector<1x1000x128xf32>,
    %slice3A_25 = vector.extract_strided_slice %mul3A_18 {offsets = [0, 128], sizes = [1000, 128], strides = [1, 1]} : vector<1000x256xf32> to vector<1000x128xf32>
    %swap3A_26 = arith.constant 1 : index
    %swap3A_27 = arith.constant 0 : index
    %swap3A_28 = arith.constant 0 : index
    %swap3A_29 = vector.load %arg3[%swap3A_26, %swap3A_27, %swap3A_28] : memref<2x1000x128xf32, #tpu.memory_space<vmem>>, vector<1x1000x128xf32>
    %swap3A_30 = vector.shape_cast %swap3A_29 : vector<1x1000x128xf32> to vector<1000x128xf32>
    %swap3A_31 = vector.shape_cast %slice3A_25 : vector<1000x128xf32> to vector<1x1000x128xf32>
    tpu.vector_store %arg3[%swap3A_26, %swap3A_27, %swap3A_28], %swap3A_31 {strides = array<i32>} : memref<2x1000x128xf32, #tpu.memory_space<vmem>>, vector<1x1000x128xf32>,
    return
  }
  func.func @transform_0(%arg0: i32) -> (i32, i32) {
    %c0_i32 = arith.constant 0 : i32
    %c0_i32_0 = arith.constant 0 : i32
    return %arg0, %c0_i32 : i32, i32
  }
  func.func @transform_1(%arg0: i32) -> (i32, i32, i32) {
    %c0_i32 = arith.constant 0 : i32
    %c0_i32_0 = arith.constant 0 : i32
    %c0_i32_1 = arith.constant 0 : i32
    return %c0_i32, %arg0, %c0_i32_0 : i32, i32, i32
  }
  func.func @transform_2(%arg0: i32) -> (i32, i32, i32) {
    %c0_i32 = arith.constant 0 : i32
    %c0_i32_0 = arith.constant 0 : i32
    %c0_i32_1 = arith.constant 0 : i32
    return %c0_i32, %arg0, %c0_i32_0 : i32, i32, i32
  }
  func.func @transform_3(%arg0: i32) -> (i32, i32) {
    %c0_i32 = arith.constant 0 : i32
    %c0_i32_0 = arith.constant 0 : i32
    return %arg0, %c0_i32 : i32, i32
  }
}

module attributes {stable_mosaic.version = 14 : i64} {
  func.func @_mm_body(%arg0: i32, %arg1: memref<2x1000x128xf32, #tpu.memory_space<vmem>>, %arg2: memref<1000x128xf32, #tpu.memory_space<vmem>>, %arg3: memref<256x512xf32, #tpu.memory_space<vmem>>, %arg4: memref<1x512xf32, #tpu.memory_space<vmem>>, %arg5: memref<512x256xf32, #tpu.memory_space<vmem>>, %arg6: memref<2x1000x128xf32, #tpu.memory_space<vmem>>) attributes {dimension_semantics = [#tpu.dimension_semantics<arbitrary>], iteration_bounds = array<i64: 10>, scalar_prefetch = 0 : i64, scratch_operands = 0 : i64, tpu.core_type = #tpu.core_type<tc>, window_params = [{transform_indices = @transform_0, window_bounds = array<i64: 2, 1000, 128>}, {transform_indices = @transform_1, window_bounds = array<i64: 1000, 128>}, {pipeline_mode = #tpu.pipeline_mode<synchronous>, transform_indices = @transform_2, window_bounds = array<i64: 256, 512>}, {pipeline_mode = #tpu.pipeline_mode<synchronous>, transform_indices = @transform_3, window_bounds = array<i64: 1, 512>}, {pipeline_mode = #tpu.pipeline_mode<synchronous>, transform_indices = @transform_4, window_bounds = array<i64: 512, 256>}, {transform_indices = @transform_5, window_bounds = array<i64: 2, 1000, 128>}]} {
    %get3A = arith.constant 0 : index
    %get3A_0 = arith.constant 0 : index
    %get3A_1 = vector.load %arg2[%get3A, %get3A_0] : memref<1000x128xf32, #tpu.memory_space<vmem>>, vector<1000x128xf32>
    %get3A_2 = arith.constant 0 : index
    %get3A_3 = arith.constant 0 : index
    %get3A_4 = arith.constant 0 : index
    %get3A_5 = vector.load %arg1[%get3A_2, %get3A_3, %get3A_4] : memref<2x1000x128xf32, #tpu.memory_space<vmem>>, vector<1x1000x128xf32>
    %get3A_6 = vector.shape_cast %get3A_5 : vector<1x1000x128xf32> to vector<1000x128xf32>
    %mul3A = arith.mulf %get3A_6, %get3A_1 : vector<1000x128xf32>
    %get3A_7 = arith.constant 1 : index
    %get3A_8 = arith.constant 0 : index
    %get3A_9 = arith.constant 0 : index
    %get3A_10 = vector.load %arg1[%get3A_7, %get3A_8, %get3A_9] : memref<2x1000x128xf32, #tpu.memory_space<vmem>>, vector<1x1000x128xf32>
    %get3A_11 = vector.shape_cast %get3A_10 : vector<1x1000x128xf32> to vector<1000x128xf32>
    %mul3A_12 = arith.mulf %get3A_11, %get3A_1 : vector<1000x128xf32>
    %concatenate3A = tpu.concatenate %mul3A, %mul3A_12 in 1 : vector<1000x128xf32>, vector<1000x128xf32> -> vector<1000x256xf32>
    %get3A_13 = arith.constant 0 : index
    %get3A_14 = arith.constant 0 : index
    %get3A_15 = vector.load %arg3[%get3A_13, %get3A_14] : memref<256x512xf32, #tpu.memory_space<vmem>>, vector<256x512xf32>
    %dot_general3A = arith.constant dense<0.000000e+00> : vector<1000x512xf32>
    %dot_general3A_16 = tpu.matmul %concatenate3A, %get3A_15, %dot_general3A {dimension_numbers = #tpu.dot_dimension_numbers<[1], [0], [0], [1], [0, 0, 1, 1], [], []>, transpose_lhs_hint = false} : vector<1000x256xf32>, vector<256x512xf32>, vector<1000x512xf32> -> vector<1000x512xf32>
    %get3A_17 = arith.constant 0 : index
    %get3A_18 = arith.constant 0 : index
    %get3A_19 = vector.load %arg4[%get3A_17, %get3A_18] : memref<1x512xf32, #tpu.memory_space<vmem>>, vector<1x512xf32>
    %add3A = vector.broadcast %get3A_19 : vector<1x512xf32> to vector<1000x512xf32>
    %add3A_20 = arith.addf %dot_general3A_16, %add3A : vector<1000x512xf32>
    %max3A = arith.constant 0.000000e+00 : f32
    %max3A_21 = vector.broadcast %max3A : f32 to vector<1000x512xf32>
    %max3A_22 = arith.maximumf %add3A_20, %max3A_21 : vector<1000x512xf32>
    %get3A_23 = arith.constant 0 : index
    %get3A_24 = arith.constant 0 : index
    %get3A_25 = vector.load %arg5[%get3A_23, %get3A_24] : memref<512x256xf32, #tpu.memory_space<vmem>>, vector<512x256xf32>
    %dot_general3A_26 = arith.constant dense<0.000000e+00> : vector<1000x256xf32>
    %dot_general3A_27 = tpu.matmul %max3A_22, %get3A_25, %dot_general3A_26 {dimension_numbers = #tpu.dot_dimension_numbers<[1], [0], [0], [1], [0, 0, 1, 1], [], []>, transpose_lhs_hint = false} : vector<1000x512xf32>, vector<512x256xf32>, vector<1000x256xf32> -> vector<1000x256xf32>
    %slice3A = vector.extract_strided_slice %dot_general3A_27 {offsets = [0, 0], sizes = [1000, 128], strides = [1, 1]} : vector<1000x256xf32> to vector<1000x128xf32>
    %mul3A_28 = arith.mulf %slice3A, %get3A_1 : vector<1000x128xf32>
    %swap3A = arith.constant 0 : index
    %swap3A_29 = arith.constant 0 : index
    %swap3A_30 = arith.constant 0 : index
    %swap3A_31 = vector.load %arg6[%swap3A, %swap3A_29, %swap3A_30] : memref<2x1000x128xf32, #tpu.memory_space<vmem>>, vector<1x1000x128xf32>
    %swap3A_32 = vector.shape_cast %swap3A_31 : vector<1x1000x128xf32> to vector<1000x128xf32>
    %swap3A_33 = vector.shape_cast %mul3A_28 : vector<1000x128xf32> to vector<1x1000x128xf32>
    tpu.vector_store %arg6[%swap3A, %swap3A_29, %swap3A_30], %swap3A_33 {strides = array<i32>} : memref<2x1000x128xf32, #tpu.memory_space<vmem>>, vector<1x1000x128xf32>,
    %slice3A_34 = vector.extract_strided_slice %dot_general3A_27 {offsets = [0, 128], sizes = [1000, 128], strides = [1, 1]} : vector<1000x256xf32> to vector<1000x128xf32>
    %mul3A_35 = arith.mulf %slice3A_34, %get3A_1 : vector<1000x128xf32>
    %swap3A_36 = arith.constant 1 : index
    %swap3A_37 = arith.constant 0 : index
    %swap3A_38 = arith.constant 0 : index
    %swap3A_39 = vector.load %arg6[%swap3A_36, %swap3A_37, %swap3A_38] : memref<2x1000x128xf32, #tpu.memory_space<vmem>>, vector<1x1000x128xf32>
    %swap3A_40 = vector.shape_cast %swap3A_39 : vector<1x1000x128xf32> to vector<1000x128xf32>
    %swap3A_41 = vector.shape_cast %mul3A_35 : vector<1000x128xf32> to vector<1x1000x128xf32>
    tpu.vector_store %arg6[%swap3A_36, %swap3A_37, %swap3A_38], %swap3A_41 {strides = array<i32>} : memref<2x1000x128xf32, #tpu.memory_space<vmem>>, vector<1x1000x128xf32>,
    return
  }
  func.func @transform_0(%arg0: i32) -> (i32, i32, i32) {
    %c0_i32 = arith.constant 0 : i32
    %c0_i32_0 = arith.constant 0 : i32
    %c0_i32_1 = arith.constant 0 : i32
    return %c0_i32, %arg0, %c0_i32_0 : i32, i32, i32
  }
  func.func @transform_1(%arg0: i32) -> (i32, i32) {
    %c0_i32 = arith.constant 0 : i32
    %c0_i32_0 = arith.constant 0 : i32
    return %arg0, %c0_i32 : i32, i32
  }
  func.func @transform_2(%arg0: i32) -> (i32, i32) {
    %c0_i32 = arith.constant 0 : i32
    %c0_i32_0 = arith.constant 0 : i32
    %c0_i32_1 = arith.constant 0 : i32
    return %c0_i32, %c0_i32_0 : i32, i32
  }
  func.func @transform_3(%arg0: i32) -> (i32, i32) {
    %c0_i32 = arith.constant 0 : i32
    %c0_i32_0 = arith.constant 0 : i32
    %c0_i32_1 = arith.constant 0 : i32
    return %c0_i32, %c0_i32_0 : i32, i32
  }
  func.func @transform_4(%arg0: i32) -> (i32, i32) {
    %c0_i32 = arith.constant 0 : i32
    %c0_i32_0 = arith.constant 0 : i32
    %c0_i32_1 = arith.constant 0 : i32
    return %c0_i32, %c0_i32_0 : i32, i32
  }
  func.func @transform_5(%arg0: i32) -> (i32, i32, i32) {
    %c0_i32 = arith.constant 0 : i32
    %c0_i32_0 = arith.constant 0 : i32
    %c0_i32_1 = arith.constant 0 : i32
    return %c0_i32, %arg0, %c0_i32_0 : i32, i32, i32
  }
}

module attributes {stable_mosaic.version = 14 : i64} {
  func.func @_final_body(%arg0: i32, %arg1: memref<2x1000x128xf32, #tpu.memory_space<vmem>>, %arg2: memref<1000x128xf32, #tpu.memory_space<vmem>>, %arg3: memref<1x256xf32, #tpu.memory_space<vmem>>, %arg4: memref<1000x256xf32, #tpu.memory_space<vmem>>) attributes {dimension_semantics = [#tpu.dimension_semantics<arbitrary>], iteration_bounds = array<i64: 10>, scalar_prefetch = 0 : i64, scratch_operands = 0 : i64, tpu.core_type = #tpu.core_type<tc>, window_params = [{transform_indices = @transform_0, window_bounds = array<i64: 2, 1000, 128>}, {transform_indices = @transform_1, window_bounds = array<i64: 1000, 128>}, {pipeline_mode = #tpu.pipeline_mode<synchronous>, transform_indices = @transform_2, window_bounds = array<i64: 1, 256>}, {transform_indices = @transform_3, window_bounds = array<i64: 1000, 256>}]} {
    %get3A = arith.constant 0 : index
    %get3A_0 = arith.constant 0 : index
    %get3A_1 = vector.load %arg2[%get3A, %get3A_0] : memref<1000x128xf32, #tpu.memory_space<vmem>>, vector<1000x128xf32>
    %get3A_2 = arith.constant 0 : index
    %get3A_3 = arith.constant 0 : index
    %get3A_4 = arith.constant 0 : index
    %get3A_5 = vector.load %arg1[%get3A_2, %get3A_3, %get3A_4] : memref<2x1000x128xf32, #tpu.memory_space<vmem>>, vector<1x1000x128xf32>
    %get3A_6 = vector.shape_cast %get3A_5 : vector<1x1000x128xf32> to vector<1000x128xf32>
    %mul3A = arith.mulf %get3A_6, %get3A_1 : vector<1000x128xf32>
    %get3A_7 = arith.constant 1 : index
    %get3A_8 = arith.constant 0 : index
    %get3A_9 = arith.constant 0 : index
    %get3A_10 = vector.load %arg1[%get3A_7, %get3A_8, %get3A_9] : memref<2x1000x128xf32, #tpu.memory_space<vmem>>, vector<1x1000x128xf32>
    %get3A_11 = vector.shape_cast %get3A_10 : vector<1x1000x128xf32> to vector<1000x128xf32>
    %mul3A_12 = arith.mulf %get3A_11, %get3A_1 : vector<1000x128xf32>
    %concatenate3A = tpu.concatenate %mul3A, %mul3A_12 in 1 : vector<1000x128xf32>, vector<1000x128xf32> -> vector<1000x256xf32>
    %get3A_13 = arith.constant 0 : index
    %get3A_14 = arith.constant 0 : index
    %get3A_15 = vector.load %arg3[%get3A_13, %get3A_14] : memref<1x256xf32, #tpu.memory_space<vmem>>, vector<1x256xf32>
    %add3A = vector.broadcast %get3A_15 : vector<1x256xf32> to vector<1000x256xf32>
    %add3A_16 = arith.addf %concatenate3A, %add3A : vector<1000x256xf32>
    %swap3A = arith.constant 0 : index
    %swap3A_17 = arith.constant 0 : index
    %swap3A_18 = vector.load %arg4[%swap3A, %swap3A_17] : memref<1000x256xf32, #tpu.memory_space<vmem>>, vector<1000x256xf32>
    tpu.vector_store %arg4[%swap3A, %swap3A_17], %add3A_16 {strides = array<i32>} : memref<1000x256xf32, #tpu.memory_space<vmem>>, vector<1000x256xf32>,
    return
  }
  func.func @transform_0(%arg0: i32) -> (i32, i32, i32) {
    %c0_i32 = arith.constant 0 : i32
    %c0_i32_0 = arith.constant 0 : i32
    %c0_i32_1 = arith.constant 0 : i32
    return %c0_i32, %arg0, %c0_i32_0 : i32, i32, i32
  }
  func.func @transform_1(%arg0: i32) -> (i32, i32) {
    %c0_i32 = arith.constant 0 : i32
    %c0_i32_0 = arith.constant 0 : i32
    return %arg0, %c0_i32 : i32, i32
  }
  func.func @transform_2(%arg0: i32) -> (i32, i32) {
    %c0_i32 = arith.constant 0 : i32
    %c0_i32_0 = arith.constant 0 : i32
    %c0_i32_1 = arith.constant 0 : i32
    return %c0_i32, %c0_i32_0 : i32, i32
  }
  func.func @transform_3(%arg0: i32) -> (i32, i32) {
    %c0_i32 = arith.constant 0 : i32
    %c0_i32_0 = arith.constant 0 : i32
    return %arg0, %c0_i32 : i32, i32
  }
}

</mosaic_0001>

<sc_bundles>
// kernel: kernel.11.cloned.1.call-start
scs
__scs_entry_jumppad:
0x0: {  	(pc) =	sbr.rel $0x88, $3  }
0x1: {  	(tag) =	ssettag $0x0;
	lr =	simm.s32 $0x1  }
0x2: {  	[smem:$0x3F9B] =	sst lr;
	_ =	strace $0xD0000000  }
0x3: {  	_ = 	snop  }
0x4: {  	_ = 	snop  }
0x5: {  	_ = 	snop  }
0x6: {  	_ = 	snop  }
0x7: {  	_ = 	snop  }
__scs_overlays_trampoline_lowered:
0x8: {  	[smem:$0x3FAA] =	sst s0  }
0x9: {  	[smem:$0x3FAB] =	sst s1  }
0xa: {  	[smem:$0x3FAC] =	sst s2  }
0xb: {  	[smem:$0x3FAD] =	sst s3  }
0xc: {  	[smem:$0x3FAE] =	sst s4  }
0xd: {  	[smem:$0x3FAF] =	sst s5  }
0xe: {  	[smem:$0x3FB0] =	sst s6  }
0xf: {  	[smem:$0x3FB1] =	sst s7  }
0x10: {  	[smem:$0x3FB2] =	sst s8  }
0x11: {  	[smem:$0x3FB3] =	sst s9;
	s0 =	simm.s32 @!p0 $0x0  }
0x12: {  	s1 =	sld [smem:$0x3F99];
	s0 =	simm.s32 @p0 $0x1  }
0x13: {  	[smem:$0x3FB4] =	sst s0;
	s0 =	simm.s32 @!p1 $0x0  }
0x14: {  	s2 =	sld [smem:$0x3F98];
	s0 =	simm.s32 @p1 $0x1  }
0x15: {  	[smem:$0x3FB5] =	sst s0;
	s0 =	simm.s32 @!p2 $0x0  }
0x16: {  	s3 =	sld [smem:$0x3FDB];
	s0 =	simm.s32 @p2 $0x1  }
0x17: {  	s4 =	simm.s32 $0x1BF5;
	[smem:$0x3FB7] =	sst s0  }
0x18: {  	s0 =	sld [smem:$0x3F9A];
	_ =	swait.ge [sflag:s4], $0x0  }
0x19: {  	s7 =	sld [smem:$0x3F9B]  }
0x1a: {  	s8 =	sadd.s32 $0xFFFFE003, lr  }
0x1b: {  	s9 =	sadd.s32 $0xFFFFFEF7, lr;
	s5 =	simm.s32 $0xFFFFFFFF;
	p2 =	slt.u32 s8, $0xFFFFF086  }
0x1c: {  	p1 =	slt.u32 s9, $0xF7A;
	s5 =	simm.s32 @!p2 $0x0  }
0x1d: {  	s5 =	simm.s32 @p1 $0x1;
	p0 =	seq.s32 s7, s2  }
0x1e: {  	s7 =	smul.u32 @!p0 $0xF7A, s2;
	p2 =	seq.s32 @!p0 s5, $0x0  }
0x1f: {  	s9 =	smul.u32 $0xF7A, s1;
	s8 =	simm.s32 @!p0 $0x1BF5;
	p2 =	por !p2, p0  }
0x20: {  	[sflag:s8] =	ssyncset.s32 @!p0 $0xFFFFF086;
	s6 =	sadd.s32 @!p0 s3, s7;
	s7 =	simm.s32 @!p0 $0x108  }
0x21: {  	s3 =	sadd.s32 s3, s9;
	s6 =	sadd.s32 @!p0 $0x88, s6;
	s7 =	simm.s32 @p2 $0x1082  }
0x22: {  	[simem:s7], [sflag:s8] =	dma.local @!p0 [hbm:s6], $0xF7A  }
0x23: {  	s9 =	sor.u32 $0xD0000000, s2;
	s6 =	simm.s32 $0x108;
	_ =	swait.ge @!p0 [sflag:s8], $0x0  }
0x24: {  	s3 =	sadd.s32 $0x88, s3;
	s6 =	simm.s32 @!p1 $0x1082;
	[sflag:s4] =	ssyncset.s32 $0xFFFFF086  }
0x25: {  	[simem:s6], [sflag:s4] =	dma.local [hbm:s3], $0xF7A  }
0x26: {  	[smem:$0x3F9B] =	sst s1;
	(tag) =	ssettag s2;
	_ =	strace s9  }
0x27: {  	s1 =	sld [smem:$0x3FAB]  }
0x28: {  	s2 =	sld [smem:$0x3FAC]  }
0x29: {  	s4 =	sld [smem:$0x3FAE]  }
0x2a: {  	p0 =	seq.s32 s5, $0x0;
	s5 =	sld [smem:$0x3FAF]  }
0x2b: {  	s6 =	sld [smem:$0x3FB0]  }
0x2c: {  	s7 =	sld [smem:$0x3FB1]  }
0x2d: {  	s3 =	simm.s32 $0x108;
	s8 =	sld [smem:$0x3FB2]  }
0x2e: {  	s3 =	simm.s32 @!p0 $0x1082;
	s9 =	sld [smem:$0x3FB3]  }
0x2f: {  	lr =	sadd.s32 s0, s3;
	s0 =	sld [smem:$0x3FAA]  }
0x30: {  	s3 =	sld [smem:$0x3FAD]  }
0x31: {  	[smem:$0x3FB6] =	sst s10  }
0x32: {  	s10 =	sld [smem:$0x3FB4];
	_ =	sdelay $0x3  }
0x33: {  	p0 =	seq.s32 s10, $0x1;
	s10 =	sld [smem:$0x3FB6];
	_ =	sdelay $0x3  }
0x34: {  	[smem:$0x3FB6] =	sst s10  }
0x35: {  	s10 =	sld [smem:$0x3FB5];
	_ =	sdelay $0x3  }
0x36: {  	p1 =	seq.s32 s10, $0x1;
	s10 =	sld [smem:$0x3FB6];
	_ =	sdelay $0x3  }
0x37: {  	[smem:$0x3FB6] =	sst s10  }
0x38: {  	s10 =	sld [smem:$0x3FB7]  }
0x39: {  	_ = 	snop;
	(pc) =	sbr.ind lr, $3  }
0x3a: {  	_ = 	snop  }
0x3b: {  	_ = 	snop  }
0x3c: {  	p2 =	seq.s32 s10, $0x1;
	s10 =	sld [smem:$0x3FB6]  }
0x3d: {  	_ =	shalt  }
0x3e: {  	_ =	shalt  }
0x3f: {  	_ =	shalt  }
0x40: {  	_ =	shalt  }
0x41: {  	_ =	shalt  }
0x42: {  	_ =	shalt  }
0x43: {  	_ =	shalt  }
0x44: {  	_ =	shalt  }
0x45: {  	_ =	shalt  }
0x46: {  	_ =	shalt  }
0x47: {  	_ =	shalt  }
0x48: {  	_ =	shalt  }
0x49: {  	_ =	shalt  }
0x4a: {  	_ =	shalt  }
0x4b: {  	_ =	shalt  }
0x4c: {  	_ =	shalt  }
0x4d: {  	_ =	shalt  }
0x4e: {  	_ =	shalt  }
0x4f: {  	_ =	shalt  }
0x50: {  	_ =	shalt  }
0x51: {  	_ =	shalt  }
0x52: {  	_ =	shalt  }
0x53: {  	_ =	shalt  }
0x54: {  	_ =	shalt  }
0x55: {  	_ =	shalt  }
0x56: {  	_ =	shalt  }
0x57: {  	_ =	shalt  }
0x58: {  	_ =	shalt  }
0x59: {  	_ =	shalt  }
0x5a: {  	_ =	shalt  }
0x5b: {  	_ =	shalt  }
0x5c: {  	_ =	shalt  }
0x5d: {  	_ =	shalt  }
0x5e: {  	_ =	shalt  }
0x5f: {  	_ =	shalt  }
0x60: {  	_ =	shalt  }
0x61: {  	_ =	shalt  }
0x62: {  	_ =	shalt  }
0x63: {  	_ =	shalt  }
0x64: {  	_ =	shalt  }
0x65: {  	_ =	shalt  }
0x66: {  	_ =	shalt  }
0x67: {  	_ =	shalt  }
0x68: {  	_ =	shalt  }
0x69: {  	_ =	shalt  }
0x6a: {  	_ =	shalt  }
0x6b: {  	_ =	shalt  }
0x6c: {  	_ =	shalt  }
0x6d: {  	_ =	shalt  }
0x6e: {  	_ =	shalt  }
0x6f: {  	_ =	shalt  }
0x70: {  	_ =	shalt  }
0x71: {  	_ =	shalt  }
0x72: {  	_ =	shalt  }
0x73: {  	_ =	shalt  }
0x74: {  	_ =	shalt  }
0x75: {  	_ =	shalt  }
0x76: {  	_ =	shalt  }
0x77: {  	_ =	shalt  }
0x78: {  	_ =	shalt  }
0x79: {  	_ =	shalt  }
0x7a: {  	_ =	shalt  }
0x7b: {  	_ =	shalt  }
0x7c: {  	_ =	shalt  }
0x7d: {  	_ =	shalt  }
0x7e: {  	_ =	shalt  }
0x7f: {  	_ =	shalt  }
0x80: {  	_ =	shalt  }
0x81: {  	_ =	shalt  }
0x82: {  	_ =	shalt  }
0x83: {  	_ =	shalt  }
0x84: {  	_ =	shalt  }
0x85: {  	_ =	shalt  }
0x86: {  	_ =	shalt  }
0x87: {  	_ =	shalt  }
.Lfunc_end0:
.L_simem_size_0:
called_computation.1_lowered:
.L_overlay_start_0:
0x88: {  	s2 =	sld [smem:$0x3FD9]  }
0x89: {  	s3 =	sld [smem:$0x3FFE];
	_ =	sdelay $0x1  }
0x8a: {  	s1 =	srdreg.scid  }
0x8b: {  	s0 =	sand.u32 $0x1, s1  }
0x8c: {  	s17 =	sshll.u32 s0, $0xA;
	s2 =	sadd.s32 s3, s2  }
0x8d: {  	s2 =	sadd.s32 s2, s17  }
0x8e: {  	[smem:$0x3FC2] =	sst s2  }
0x8f: {  	_ = 	snop  }
0x90: {  	s2 =	sld [smem:$0x3FD0];
	(tm) =	ssettm $0x1  }
0x91: {  	s18 =	sld [smem:$0x3FFB];
	_ =	sdelay $0x3  }
0x92: {  	_ =	strace s18  }
0x93: {  	s3 =	sld [smem:$0x3FFC];
	_ =	sdelay $0x3  }
0x94: {  	_ =	strace s3  }
0x95: {  	s3 =	sld [smem:$0x3FFD];
	_ =	sdelay $0x3  }
0x96: {  	_ =	strace s3  }
0x97: {  	_ =	strace $0x8FFFFFFF  }
0x98: {  	s19 =	sld [smem:$0x3FDB];
	_ =	sdelay $0x1  }
0x99: {  	s4 =	simm.s32 $_scs_section_size  }
0x9a: {  	s5 =	simm.s32 $_size__tile_overlayer_lowered;
	s6 =	simm.s32 $_tile_overlayer_lowered  }
0x9b: {  	s22 =	simm.s32 $0x1BFF;
	s21 =	sshll.u32 s6, $0x1;
	s3 =	sadd.s32 s4, s19  }
0x9c: {  	s7 =	simm.s32 $0x0;
	s20 =	sshll.u32 s5, $0x1;
	s5 =	sadd.s32 s21, s3  }
0x9d: {  	[timem:s7], [sflag:s22] =	dma.local [hbm:s5], s20  }
0x9e: {  	_ =	swait.ge [sflag:s22], s20  }
0x9f: {  	s4 =	ssub.s32 $0x0, s20;
	[sflag:s22] =	ssyncset.done $0x0  }
0xa0: {  	[sflag:s22] =	ssyncadd.s32 s4;
	_ =	sdelay $0x1  }
0xa1: {  	s23 =	simm.s32 $0x1B8B  }
0xa2: {  	_ =	swait.ge [sflag:s23], $0x1  }
0xa3: {  	[sflag:s23] =	ssyncset.done $0x0  }
0xa4: {  	s25 =	simm.s32 $0x1B8E;
	s24 =	sld [smem:$0x3FFE];
	[sflag:s23] =	ssyncadd.s32 $0xFFFFFFFF  }
0xa5: {  	s26 =	simm.s32 $execute0_lowered;
	[smem:$0x3FD2] =	sst s25  }
0xa6: {  	s5 =	sshll.u32 s26, $0x1;
	_ =	strace $0x80000049;
	[dreg:$0x1] =	wrdreg $0xFFFFFFFF  }
0xa7: {  	s28 =	simm.s32 $_size_execute0_lowered;
	s3 =	sadd.s32 s3, s5;
	[dreg:$0x0] =	wrdreg $0x0  }
0xa8: {  	s5 =	sshll.u32 s28, $0x1;
	[dreg:$0x2] =	wrdreg s3  }
0xa9: {  	[dreg:$0x3] =	wrdreg s5  }
0xaa: {  	[dreg:$0x4] =	wrdreg $0xC0  }
0xab: {  	_ =	task [dreg:s7], $0x5FFFF  }
0xac: {  	[dreg:$0x1] =	wrdreg $0xFFFFFFFF  }
0xad: {  	[dreg:$0x0] =	wrdreg $0x60  }
0xae: {  	[dreg:$0x2] =	wrdreg s2  }
0xaf: {  	[dreg:$0x3] =	wrdreg s24  }
0xb0: {  	[dreg:$0x4] =	wrdreg $0xC0000  }
0xb1: {  	[dreg:$0x5] =	wrdreg $0x9  }
0xb2: {  	_ =	task.clear_ibuf [dreg:s7], $0x6FFFF;
	_ =	strace $0x90000049  }
0xb3: {  	s29 =	simm.s32 $0x9;
	_ =	strace $0x8000004B  }
0xb4: {  	_ =	swait.ge [sflag:s29], $0x1  }
0xb5: {  	[sflag:s29] =	ssyncadd.s32 $0xFFFFFFFF  }
0xb6: {  	_ =	strace $0x9000004B  }
0xb7: {  	_ =	sfence  }
0xb8: {  	s30 =	sld [smem:$0x0];
	_ =	sdelay $0x2  }
0xb9: {  	s31 =	sshll.u32 s1, $0xD;
	s1 =	sshrl.u32 s1, $0x2  }
0xba: {  	s3 =	sand.u32 $0x4000, s31;
	s1 =	sadd.s32 s1, s30  }
0xbb: {  	s0 =	sor.u32 s3, s0;
	s1 =	sshll.u32 s1, $0x11  }
0xbc: {  	s0 =	sor.u32 s1, s0  }
0xbd: {  	s0 =	sadd.s32 $0x8F2B, s0  }
0xbe: {  	[sflag:s0] =	ssyncadd.remote.s32 $0x1  }
0xbf: {  	_ =	sfence.sel $0xFFFF  }
0xc0: {  	[dreg:$0x0] =	wrdreg $0xFFFFFFFF;
	(pc) =	sbr.abs _section_cstart, $3  }
0xc1: {  	[dreg:$0x1] =	wrdreg $0xFFFFFFFF  }
0xc2: {  	_ =	task.clear_ibuf [dreg:s7], $0x2FFFF;
	_ =	strace $0x9FFFFFFF  }
0xc3: {  	(tm) =	ssettm $0x7FFFFFFF  }
tec
execute0_lowered:
.L_overlay_start_1:
0x0: {  	(tag) =	ssettag $0x1  }
0x1: {  	s1 =	rddreg [dreg:$0x0]  }
0x2: {  	s0 =	rddreg [dreg:$0x1]  }
0x3: {  	s2 =	rddreg [dreg:$0x2];
	s4 =	simm.s32 $0x0  }
0x4: {  	s3 =	srdreg.scid;
	s14 =	stileid.u32;
	s28 =	simm.s32 $0x2000  }
0x5: {  	s30 =	simm.s32 $0x4800;
	s29 =	simm.s32 $0x7;
	s31 =	simm.s32 $0x8  }
0x6: {  	[smem:$0x7FF] =	sst s4;
	s3 =	sand.u32 $0x1, s3;
	s8 =	smul.u32 $0x278, s14  }
0x7: {  	s5 =	sadd.s32 $0x30E00, s0;
	s6 =	sadd.s32 $0x1600, s0;
	s10 =	smul.u32 $0x4F000, s14  }
0x8: {  	s0 =	sadd.s32 $0x40E00, s0;
	s25 =	sshll.u32 s14, $0xB;
	p0 =	seq.s32 s14, $0xF  }
0x9: {  	s7 =	smul.u32 $0x2710, s3;
	_ =	strace $0x8000004A;
	s9 =	ssub.s32 $0x2, s3  }
0xa: {  	s23 =	smul.u32 $0x138800, s3;
	s3 =	sshll.u32 s3, $0x12;
	s11 =	sshrl.u32 s9, $0x1  }
0xb: {  	s21 =	sshrl.u32 s10, $0x2;
	s7 =	sadd.s32 s8, s7;
	s20 =	ssub.s32 s9, s11  }
0xc: {  	s12 =	sadd.s32 s21, s2;
	s11 =	sshrl.u32 s23, $0x3;
	s21 =	simm.s32 $0x9800  }
0xd: {  	s23 =	simm.s32 $0x6;
	s8 =	simm.s32 $0x5;
	s22 =	sshll.u32 s7, $0x4  }
0xe: {  	s7 =	sshll.u32 s14, $0xE;
	s11 =	sadd.s32 $0x25080, s11;
	s26 =	smax.u32 s20, $0x1  }
0xf: {  	s20 =	sshrl.u32 @!p0 s12, $0x3;
	s24 =	sadd.s32 s1, s22;
	s9 =	sor.u32 s7, s3  }
0x10: {  	s3 =	sadd.s32 $0x128400, s2;
	s16 =	sadd.s32 s1, s11;
	[dreg:$0xc] =	wrdreg s26  }
0x11: {  	s10 =	sadd.s32 s0, s22;
	s0 =	sadd.s32 s0, s11;
	[dreg:$0x4] =	wrdreg s24  }
0x12: {  	s26 =	simm.s32 $0x50;
	s22 =	simm.s32 $0x2;
	[dreg:$0x6] =	wrdreg s16  }
0x13: {  	s11 =	simm.s32 $0x3;
	s13 =	sshrl.u32 s9, $0x3;
	[dreg:$0xa] =	wrdreg s10  }
0x14: {  	[dreg:$0xb] =	wrdreg s0;
	s0 =	sshll.u32 @!p0 s14, $0x6;
	s18 =	sshrl.u32 @p0 s3, $0x3  }
.Ltmp0:
0x15: {  	s3 =	simm.s32 $0x1;
	s15 =	sadd.s32 s5, s13;
	(pc) =	sbr.rel .LBB2_1-.Ltmp0, $4  }
0x16: {  	s14 =	simm.s32 $0x0;
	s13 =	sadd.s32 s6, s25;
	[dreg:$0x5] =	wrdreg s15  }
0x17: {  	s19 =	sor.u32 @!p0 $0x1C0D, s0;
	s15 =	sadd.s32 $0x100, s15;
	[dreg:$0x7] =	wrdreg s13  }
0x18: {  	s25 =	simm.s32 $0xB;
	s13 =	sadd.s32 $0x100, s13;
	[dreg:$0x8] =	wrdreg s15  }
0x19: {  	s0 =	simm.s32 $0x7000;
	[dreg:$0x9] =	wrdreg s13;
	s13 =	simm.s32 $0x4  }
.LBB2_16:
0x1a: {  	_ =	swait.ge [sflag:s23], $0x2800  }
0x1b: {  	[sflag:s23] =	ssyncset.done $0x0  }
0x1c: {  	[sflag:s23] =	ssyncadd.s32 $0xFFFFD800  }
0x1d: {  	_ =	swait.ge [sflag:s29], $0x2800  }
0x1e: {  	[sflag:s29] =	ssyncset.done $0x0  }
0x1f: {  	[sflag:s29] =	ssyncadd.s32 $0xFFFFD800  }
0x20: {  	_ =	swait.ge [sflag:s31], $0x2800  }
0x21: {  	[sflag:s31] =	ssyncset.done $0x0  }
0x22: {  	[sflag:s31] =	ssyncadd.s32 $0xFFFFD800  }
0x23: {  	_ =	swait.ge [sflag:s8], $0x2800  }
0x24: {  	[sflag:s8] =	ssyncset.done $0x0  }
0x25: {  	[sflag:s8] =	ssyncadd.s32 $0xFFFFD800  }
0x26: {  	[bflag:$0x0] =	sbarrier.arrive $0xFFFF  }
0x27: {  	s10 =	simm.s32 @p0 $0x1FCD;
	s12 =	rddreg [dreg:$0xb]  }
0x28: {  	[hbm:s12], [sflag:s10] =	dma.local @p0 [spmem:s18], $0x2080  }
0x29: {  	s10 =	simm.s32 @p0 $0xD  }
0x2a: {  	_ =	swait.ge @p0 [sflag:s10], $0x2080  }
0x2b: {  	[sflag:s10] =	ssyncset.done @p0 $0x0  }
0x2c: {  	[sflag:s10] =	ssyncadd.s32 @p0 $0xFFFFDF80;
	s10 =	rddreg [dreg:$0xa]  }
0x2d: {  	[hbm:s10], [sflag:s19] =	dma.local @!p0 [spmem:s20], $0x2780  }
0x2e: {  	s10 =	simm.s32 @!p0 $0xD  }
0x2f: {  	_ =	swait.ge @!p0 [sflag:s10], $0x2780  }
0x30: {  	s14 =	sadd.s32 $0x1, s14;
	s24 =	rddreg [dreg:$0xc]  }
0x31: {  	p1 =	sne.s32 s14, s24  }
.Ltmp1:
0x32: {  	_ = 	snop;
	(pc) =	sbr.rel @!p1 .LBB2_17-.Ltmp1, $3  }
0x33: {  	_ =	sdelay $0x1  }
0x34: {  	[sflag:s10] =	ssyncset.done @!p0 $0x0  }
0x35: {  	[sflag:s10] =	ssyncadd.s32 @!p0 $0xFFFFD880  }
.LBB2_1:
0x36: {  	s10 =	simm.s32 @p0 $0x1FCD;
	s12 =	rddreg [dreg:$0x6]  }
0x37: {  	[spmem:s18], [sflag:s10] =	dma.local @p0 [hbm:s12], $0x2080  }
0x38: {  	s10 =	simm.s32 @p0 $0xD  }
0x39: {  	_ =	swait.ge @p0 [sflag:s10], $0x2080  }
0x3a: {  	[sflag:s10] =	ssyncset.done @p0 $0x0  }
0x3b: {  	[sflag:s10] =	ssyncadd.s32 @p0 $0xFFFFDF80;
	s10 =	rddreg [dreg:$0x4]  }
0x3c: {  	[spmem:s20], [sflag:s19] =	dma.local @!p0 [hbm:s10], $0x2780  }
0x3d: {  	s10 =	simm.s32 @!p0 $0xD  }
0x3e: {  	_ =	swait.ge @!p0 [sflag:s10], $0x2780  }
0x3f: {  	[sflag:s10] =	ssyncset.done @!p0 $0x0  }
0x40: {  	s12 =	rddreg [dreg:$0x5];
	[sflag:s10] =	ssyncadd.s32 @!p0 $0xFFFFD880  }
0x41: {  	[tilespmem:s4], [sflag:$0x9] =	stream.linear.gather [hbm4b:s12+s4], $0x800, $0x38;
	[tilespmem:$0x1F880] =	vst v63  }
0x42: {  	s16 =	simm.s32 $0x1000;
	s15 =	rddreg [dreg:$0x7]  }
0x43: {  	[tilespmem:s16], [sflag:$0xB] =	stream.linear.gather [hbm4b:s15+s4], $0x800, $0x38;
	[tilespmem:$0x1F880] =	vst v63  }
0x44: {  	s24 =	simm.s32 $0x800;
	s17 =	rddreg [dreg:$0x8]  }
0x45: {  	[tilespmem:s24], [sflag:$0xA] =	stream.linear.gather [hbm4b:s17+s4], $0x800, $0x38;
	[tilespmem:$0x1F880] =	vst v63  }
0x46: {  	s12 =	rddreg [dreg:$0x9];
	s15 =	simm.s32 $0x1800;
	s16 =	simm.s32 $0x9  }
0x47: {  	[tilespmem:s15], [sflag:$0xC] =	stream.linear.gather [hbm4b:s12+s4], $0x800, $0x38;
	[tilespmem:$0x1F880] =	vst v63  }
0x48: {  	_ =	swait.ge [sflag:s16], $0x800  }
0x49: {  	[sflag:s16] =	ssyncset.done $0x0  }
0x4a: {  	[sflag:s16] =	ssyncadd.s32 $0xFFFFF800  }
0x4b: {  	_ =	swait.ge [sflag:s25], $0x800  }
0x4c: {  	[sflag:s25] =	ssyncset.done $0x0  }
0x4d: {  	[sflag:s25] =	ssyncadd.s32 $0xFFFFF800  }
0x4e: {  	[tilespmem:s28], [sflag:$0x1] =	stream.indirect.gather [hbm4b:s1+s26], $0x80, s4, s26, $0xb8;
	[tilespmem:$0x1F880] =	vst v63  }
0x4f: {  	s17 =	simm.s32 $0x80  }
0x50: {  	[tilespmem:s30], [sflag:$0x2] =	stream.indirect.gather [hbm4b:s1+s26], $0x80, s17, s26, $0xb8;
	[tilespmem:$0x1F880] =	vst v63  }
.Ltmp2:
0x51: {  	_ = 	snop;
	(pc) =	sbr.rel .LBB2_2-.Ltmp2, $4  }
0x52: {  	s24 =	simm.s32 $0x100  }
0x53: {  	[tilespmem:s0], [sflag:$0x3] =	stream.indirect.gather [hbm4b:s1+s26], $0x80, s24, s26, $0xb8;
	[tilespmem:$0x1F880] =	vst v63  }
0x54: {  	[bflag:$0x0] =	sbarrier.arrive $0xFFFF  }
0x55: {  	s15 =	simm.s32 $0x0  }
.LBB2_15:
0x56: {  	s15 =	sadd.s32 $0x1, s15  }
0x57: {  	p1 =	sne.s32 s15, $0x7D  }
.Ltmp3:
0x58: {  	_ = 	snop;
	(pc) =	sbr.rel @!p1 .LBB2_16-.Ltmp3, $1  }
0x59: {  	_ =	sdelay $0x3  }
.LBB2_2:
0x5a: {  	s10 =	sand.u32 $0xF, s15;
	s12 =	sadd.s32 $0xFFFFFFF0, s15  }
0x5b: {  	s16 =	sshrl.u32 s15, $0x4;
	p1 =	seq.s32 s10, $0x3;
	p2 =	slt.u32 s12, $0x60  }
0x5c: {  	s24 =	sand.u32 $0x1, s16;
	p1 =	por !p1, !p2  }
0x5d: {  	p2 =	seq.s32 s24, $0x1;
	p1 =	por !p1, !p1  }
0x5e: {  	s12 =	sadd.s32 $0x1, s16;
	p3 =	por !p2, !p1  }
0x5f: {  	s16 =	sshll.u32 @!p3 s12, $0xB  }
0x60: {  	s17 =	sadd.s32 @!p3 s9, s16  }
0x61: {  	s16 =	sadd.s32 @!p3 s7, s16;
	s17 =	sshrl.u32 @!p3 s17, $0x3  }
0x62: {  	s24 =	simm.s32 @!p3 $0x0;
	s16 =	sshrl.u32 @!p3 s16, $0x3;
	s17 =	sadd.s32 @!p3 s5, s17  }
0x63: {  	[tilespmem:s24], [sflag:$0x9] =	stream.linear.gather @!p3 [hbm4b:s17+s24], $0x800, $0x38;
	[tilespmem:$0x1F880] =	vst v63  }
0x64: {  	s16 =	sadd.s32 @!p3 s6, s16;
	s17 =	simm.s32 @!p3 $0x1000  }
0x65: {  	[tilespmem:s17], [sflag:$0xB] =	stream.linear.gather @!p3 [hbm4b:s16+s24], $0x800, $0x38;
	[tilespmem:$0x1F880] =	vst v63  }
0x66: {  	s17 =	sand.u32 $0x1, s12  }
0x67: {  	p6 =	seq.s32 s17, $0x1  }
0x68: {  	p1 =	por !p1, !p6  }
0x69: {  	p1 =	por !p1, !p1  }
0x6a: {  	s12 =	sshll.u32 @p1 s12, $0xB  }
0x6b: {  	s16 =	sadd.s32 @p1 s9, s12  }
0x6c: {  	s17 =	simm.s32 @p1 $0x0;
	s12 =	sadd.s32 @p1 s7, s12;
	s16 =	sshrl.u32 @p1 s16, $0x3  }
0x6d: {  	s24 =	simm.s32 @p1 $0x800;
	s12 =	sshrl.u32 @p1 s12, $0x3;
	s16 =	sadd.s32 @p1 s5, s16  }
0x6e: {  	[tilespmem:s24], [sflag:$0xA] =	stream.linear.gather @p1 [hbm4b:s16+s17], $0x800, $0x38;
	[tilespmem:$0x1F880] =	vst v63  }
0x6f: {  	s12 =	sadd.s32 @p1 s6, s12;
	s16 =	simm.s32 @p1 $0x1800;
	s24 =	sadd.s32 $0x3, s15  }
0x70: {  	[tilespmem:s16], [sflag:$0xC] =	stream.linear.gather @p1 [hbm4b:s12+s17], $0x800, $0x38;
	[tilespmem:$0x1F880] =	vst v63  }
0x71: {  	s16 =	sand.u32 $0xF, s24  }
0x72: {  	p4 =	slt.u32 s15, $0x7A;
	p5 =	seq.s32 s16, $0x0  }
0x73: {  	s17 =	sand.u32 $0x10, s24;
	p1 =	por !p4, !p5  }
0x74: {  	p6 =	seq.s32 s17, $0x0;
	p4 =	por !p1, !p1  }
0x75: {  	p1 =	por !p6, !p4  }
0x76: {  	p3 =	por !p1, !p1  }
0x77: {  	p1 =	sne.s32 @!p3 s17, $0x0  }
0x78: {  	p4 =	por @!p3 !p1, !p4  }
0x79: {  	p4 =	por @!p3 !p4, !p4  }
0x7a: {  	p4 =	por p3, p4  }
.Ltmp4:
0x7b: {  	_ = 	snop;
	(pc) =	sbr.rel @!p4 .LBB2_4-.Ltmp4, $1  }
0x7c: {  	_ =	sdelay $0x3  }
0x7d: {  	s12 =	simm.s32 @!p3 $0xA  }
0x7e: {  	s12 =	simm.s32 @p3 $0x9  }
0x7f: {  	_ =	swait.ge [sflag:s12], $0x800  }
0x80: {  	s24 =	simm.s32 @!p3 $0xC;
	[sflag:s12] =	ssyncset.done $0x0  }
0x81: {  	s24 =	simm.s32 @p3 $0xB;
	[sflag:s12] =	ssyncadd.s32 $0xFFFFF800  }
0x82: {  	_ =	swait.ge [sflag:s24], $0x800  }
0x83: {  	[sflag:s24] =	ssyncset.done $0x0  }
0x84: {  	p1 =	por !p3, !p3;
	[sflag:s24] =	ssyncadd.s32 $0xFFFFF800  }
.LBB2_4:
0x85: {  	s12 =	sand.u32 $0x3, s15;
	s24 =	simm.s32 $0x1800  }
0x86: {  	s24 =	simm.s32 @!p2 $0x1000;
	p2 =	sgt.s32 s12, $0x1  }
.Ltmp5:
0x87: {  	_ = 	snop;
	(pc) =	sbr.rel @p2 .LBB2_12-.Ltmp5, $3  }
0x88: {  	_ =	sdelay $0x1  }
0x89: {  	s10 =	sshll.u32 s10, $0x7  }
0x8a: {  	s10 =	sor.u32 s10, s24  }
0x8b: {  	p2 =	seq.s32 s12, $0x0  }
.Ltmp6:
0x8c: {  	_ = 	snop;
	(pc) =	sbr.rel @!p2 .LBB2_8-.Ltmp6, $1  }
0x8d: {  	_ =	sdelay $0x3  }
0x8e: {  	p2 =	sgt.u32 s15, $0x79  }
.Ltmp7:
0x8f: {  	_ = 	snop;
	(pc) =	sbr.rel @p2 .LBB2_15-.Ltmp7, $4  }
0x90: {  	_ =	swait.ge [sflag:s3], $0x2800  }
0x91: {  	[sflag:s3] =	ssyncset.done $0x0  }
0x92: {  	[sflag:s3] =	ssyncadd.s32 $0xFFFFD800  }
0x93: {  	[spmem:s2] =	stream.indirect.scatter.add.f32 [tilespmem:s28], [sflag:$0x5], $0x80, s10, s26, $0xb8;
	[tilespmem:$0x1F880] =	vst v63  }
0x94: {  	p2 =	seq.s32 s15, $0x0  }
0x95: {  	s10 =	simm.s32 @!p2 $0x8  }
0x96: {  	p3 =	sne.s32 @!p2 s17, $0x0;
	_ =	swait.ge @!p2 [sflag:s10], $0x2800  }
0x97: {  	p3 =	por p2, !p3;
	[sflag:s10] =	ssyncset.done @!p2 $0x0  }
.Ltmp8:
0x98: {  	[sflag:s10] =	ssyncadd.s32 @!p2 $0xFFFFD800;
	s10 =	sshll.u32 @p3 s16, $0x7;
	(pc) =	sbr.rel .LBB2_15-.Ltmp8, $4  }
0x99: {  	[tilespmem:s21], [sflag:$0x4] =	stream.indirect.gather @p3 [hbm4b:s1+s26], $0x80, s10, s26, $0xb8;
	[tilespmem:$0x1F880] =	vst v63  }
0x9a: {  	s10 =	sshll.u32 @p1 s16, $0x7  }
0x9b: {  	s12 =	simm.s32 @p1 $0x50;
	s16 =	simm.s32 @p1 $0x9800;
	s10 =	sor.u32 @p1 $0x800, s10  }
0x9c: {  	[tilespmem:s16], [sflag:$0x4] =	stream.indirect.gather @p1 [hbm4b:s1+s12], $0x80, s10, s12, $0xb8;
	[tilespmem:$0x1F880] =	vst v63  }
.LBB2_12:
0x9d: {  	p3 =	seq.s32 s12, $0x2  }
.Ltmp9:
0x9e: {  	_ = 	snop;
	(pc) =	sbr.rel @!p3 .LBB2_13-.Ltmp9, $2  }
0x9f: {  	_ =	sdelay $0x2  }
0xa0: {  	p2 =	sgt.u32 s15, $0x79  }
.Ltmp10:
0xa1: {  	(pc) =	sbr.rel @p2 .LBB2_15-.Ltmp10, $4  }
0xa2: {  	_ =	swait.ge [sflag:s11], $0x2800  }
0xa3: {  	[sflag:s11] =	ssyncset.done $0x0  }
0xa4: {  	[sflag:s11] =	ssyncadd.s32 $0xFFFFD800  }
0xa5: {  	[spmem:s2] =	stream.indirect.scatter.add.f32 [tilespmem:s0], [sflag:$0x7], $0x80, s10, s26, $0xb8;
	[tilespmem:$0x1F880] =	vst v63  }
0xa6: {  	p2 =	seq.s32 s15, $0x0  }
0xa7: {  	s10 =	simm.s32 @!p2 $0x6  }
0xa8: {  	p3 =	sne.s32 @!p2 s17, $0x0;
	_ =	swait.ge @!p2 [sflag:s10], $0x2800  }
0xa9: {  	p3 =	por p2, !p3;
	[sflag:s10] =	ssyncset.done @!p2 $0x0  }
.Ltmp11:
0xaa: {  	[sflag:s10] =	ssyncadd.s32 @!p2 $0xFFFFD800;
	s10 =	sshll.u32 @p3 s16, $0x7;
	(pc) =	sbr.rel .LBB2_15-.Ltmp11, $4  }
0xab: {  	[tilespmem:s30], [sflag:$0x2] =	stream.indirect.gather @p3 [hbm4b:s1+s26], $0x80, s10, s26, $0xb8;
	[tilespmem:$0x1F880] =	vst v63  }
0xac: {  	s10 =	sshll.u32 @p1 s16, $0x7  }
0xad: {  	s12 =	simm.s32 @p1 $0x50;
	s16 =	simm.s32 @p1 $0x4800;
	s10 =	sor.u32 @p1 $0x800, s10  }
0xae: {  	[tilespmem:s16], [sflag:$0x2] =	stream.indirect.gather @p1 [hbm4b:s1+s12], $0x80, s10, s12, $0xb8;
	[tilespmem:$0x1F880] =	vst v63  }
.LBB2_8:
0xaf: {  	p2 =	sgt.u32 s15, $0x79  }
.Ltmp12:
0xb0: {  	_ = 	snop;
	(pc) =	sbr.rel @p2 .LBB2_15-.Ltmp12, $4  }
0xb1: {  	_ =	swait.ge [sflag:s22], $0x2800  }
0xb2: {  	[sflag:s22] =	ssyncset.done $0x0  }
0xb3: {  	[sflag:s22] =	ssyncadd.s32 $0xFFFFD800  }
0xb4: {  	[spmem:s2] =	stream.indirect.scatter.add.f32 [tilespmem:s30], [sflag:$0x6], $0x80, s10, s26, $0xb8;
	[tilespmem:$0x1F880] =	vst v63  }
0xb5: {  	p2 =	seq.s32 s15, $0x0  }
0xb6: {  	s10 =	simm.s32 @!p2 $0x5  }
0xb7: {  	p3 =	sne.s32 @!p2 s17, $0x0;
	_ =	swait.ge @!p2 [sflag:s10], $0x2800  }
0xb8: {  	p3 =	por p2, !p3;
	[sflag:s10] =	ssyncset.done @!p2 $0x0  }
.Ltmp13:
0xb9: {  	[sflag:s10] =	ssyncadd.s32 @!p2 $0xFFFFD800;
	s10 =	sshll.u32 @p3 s16, $0x7;
	(pc) =	sbr.rel .LBB2_15-.Ltmp13, $4  }
0xba: {  	[tilespmem:s28], [sflag:$0x1] =	stream.indirect.gather @p3 [hbm4b:s1+s26], $0x80, s10, s26, $0xb8;
	[tilespmem:$0x1F880] =	vst v63  }
0xbb: {  	s10 =	sshll.u32 @p1 s16, $0x7  }
0xbc: {  	s12 =	simm.s32 @p1 $0x50;
	s16 =	simm.s32 @p1 $0x2000;
	s10 =	sor.u32 @p1 $0x800, s10  }
0xbd: {  	[tilespmem:s16], [sflag:$0x1] =	stream.indirect.gather @p1 [hbm4b:s1+s12], $0x80, s10, s12, $0xb8;
	[tilespmem:$0x1F880] =	vst v63  }
.LBB2_13:
.Ltmp14:
0xbe: {  	(pc) =	sbr.rel @p2 .LBB2_15-.Ltmp14, $4  }
0xbf: {  	_ =	swait.ge [sflag:s13], $0x2800  }
0xc0: {  	[sflag:s13] =	ssyncset.done $0x0  }
0xc1: {  	[sflag:s13] =	ssyncadd.s32 $0xFFFFD800  }
0xc2: {  	[spmem:s2] =	stream.indirect.scatter.add.f32 [tilespmem:s21], [sflag:$0x8], $0x80, s10, s26, $0xb8;
	[tilespmem:$0x1F880] =	vst v63  }
0xc3: {  	p2 =	seq.s32 s15, $0x0  }
0xc4: {  	s10 =	simm.s32 @!p2 $0x7  }
0xc5: {  	p3 =	sne.s32 @!p2 s17, $0x0;
	_ =	swait.ge @!p2 [sflag:s10], $0x2800  }
0xc6: {  	p3 =	por p2, !p3;
	[sflag:s10] =	ssyncset.done @!p2 $0x0  }
.Ltmp15:
0xc7: {  	[sflag:s10] =	ssyncadd.s32 @!p2 $0xFFFFD800;
	s10 =	sshll.u32 @p3 s16, $0x7;
	(pc) =	sbr.rel .LBB2_15-.Ltmp15, $4  }
0xc8: {  	[tilespmem:s0], [sflag:$0x3] =	stream.indirect.gather @p3 [hbm4b:s1+s26], $0x80, s10, s26, $0xb8;
	[tilespmem:$0x1F880] =	vst v63  }
0xc9: {  	s10 =	sshll.u32 @p1 s16, $0x7  }
0xca: {  	s12 =	simm.s32 @p1 $0x50;
	s16 =	simm.s32 @p1 $0x7000;
	s10 =	sor.u32 @p1 $0x800, s10  }
0xcb: {  	[tilespmem:s16], [sflag:$0x3] =	stream.indirect.gather @p1 [hbm4b:s1+s12], $0x80, s10, s12, $0xb8;
	[tilespmem:$0x1F880] =	vst v63  }
.LBB2_17:
0xcc: {  	_ =	sfence.sel $0x180000  }
0xcd: {  	[bflag:$0x0] =	sbarrier.arrive $0xFFFF  }
0xce: {  	_ =	strace $0x9000004A  }
0xcf: {  	s0 =	stileid.u32;
	[bflag:$0x2] =	sbarrier.arrive $0xFFFF  }
0xd0: {  	p0 =	sne.s32 s0, $0x0;
	s0 =	rddreg [dreg:$0x3]  }
0xd1: {  	s0 =	sadd.s32 @!p0 $0x100000, s0  }
0xd2: {  	[sflag:s0] =	ssyncadd.tile.s32 @!p0 $0x1;
	_ =	shalt  }
.Lfunc_end2:
_tile_overlayer_lowered:
.L_overlay_start_2:
0xd3: {  	(tag) =	ssettag $0x2  }
0xd4: {  	s0 =	rddreg [dreg:$0x0];
	s2 =	stileid.u32  }
0xd5: {  	s1 =	rddreg [dreg:$0x1];
	p0 =	sne.s32 s2, $0x0  }
0xd6: {  	s3 =	rddreg [dreg:$0x2];
	[bflag:$0x3] =	sbarrier.arrive $0xFFFF;
	s2 =	simm.s32 @!p0 $0x1C0D  }
0xd7: {  	[timem:s3], [sflag:s2] =	dma.local @!p0 [hbm:s0], s1  }
0xd8: {  	s0 =	simm.s32 @!p0 $0xD  }
0xd9: {  	_ =	swait.ge @!p0 [sflag:s0], s1  }
0xda: {  	s1 =	ssub.s32 @!p0 $0x0, s1;
	[sflag:s0] =	ssyncset.done @!p0 $0x0  }
0xdb: {  	[sflag:s0] =	ssyncadd.s32 @!p0 s1  }
0xdc: {  	[bflag:$0x3] =	sbarrier.arrive $0xFFFF  }
0xdd: {  	_ =	shalt  }

// kernel: kernel.14.cloned.1.call-start
scs
__scs_entry_jumppad:
0x0: {  	(pc) =	sbr.rel $0x88, $3  }
0x1: {  	(tag) =	ssettag $0x0;
	lr =	simm.s32 $0x1  }
0x2: {  	[smem:$0x3F9B] =	sst lr;
	_ =	strace $0xD0000000  }
0x3: {  	_ = 	snop  }
0x4: {  	_ = 	snop  }
0x5: {  	_ = 	snop  }
0x6: {  	_ = 	snop  }
0x7: {  	_ = 	snop  }
__scs_overlays_trampoline_lowered:
0x8: {  	[smem:$0x3FAA] =	sst s0  }
0x9: {  	[smem:$0x3FAB] =	sst s1  }
0xa: {  	[smem:$0x3FAC] =	sst s2  }
0xb: {  	[smem:$0x3FAD] =	sst s3  }
0xc: {  	[smem:$0x3FAE] =	sst s4  }
0xd: {  	[smem:$0x3FAF] =	sst s5  }
0xe: {  	[smem:$0x3FB0] =	sst s6  }
0xf: {  	[smem:$0x3FB1] =	sst s7  }
0x10: {  	[smem:$0x3FB2] =	sst s8  }
0x11: {  	[smem:$0x3FB3] =	sst s9;
	s0 =	simm.s32 @!p0 $0x0  }
0x12: {  	s1 =	sld [smem:$0x3F99];
	s0 =	simm.s32 @p0 $0x1  }
0x13: {  	[smem:$0x3FB4] =	sst s0;
	s0 =	simm.s32 @!p1 $0x0  }
0x14: {  	s2 =	sld [smem:$0x3F98];
	s0 =	simm.s32 @p1 $0x1  }
0x15: {  	[smem:$0x3FB5] =	sst s0;
	s0 =	simm.s32 @!p2 $0x0  }
0x16: {  	s3 =	sld [smem:$0x3FDB];
	s0 =	simm.s32 @p2 $0x1  }
0x17: {  	s4 =	simm.s32 $0x1BF5;
	[smem:$0x3FB7] =	sst s0  }
0x18: {  	s0 =	sld [smem:$0x3F9A];
	_ =	swait.ge [sflag:s4], $0x0  }
0x19: {  	s7 =	sld [smem:$0x3F9B]  }
0x1a: {  	s8 =	sadd.s32 $0xFFFFE003, lr  }
0x1b: {  	s9 =	sadd.s32 $0xFFFFFEF7, lr;
	s5 =	simm.s32 $0xFFFFFFFF;
	p2 =	slt.u32 s8, $0xFFFFF086  }
0x1c: {  	p1 =	slt.u32 s9, $0xF7A;
	s5 =	simm.s32 @!p2 $0x0  }
0x1d: {  	s5 =	simm.s32 @p1 $0x1;
	p0 =	seq.s32 s7, s2  }
0x1e: {  	s7 =	smul.u32 @!p0 $0xF7A, s2;
	p2 =	seq.s32 @!p0 s5, $0x0  }
0x1f: {  	s9 =	smul.u32 $0xF7A, s1;
	s8 =	simm.s32 @!p0 $0x1BF5;
	p2 =	por !p2, p0  }
0x20: {  	[sflag:s8] =	ssyncset.s32 @!p0 $0xFFFFF086;
	s6 =	sadd.s32 @!p0 s3, s7;
	s7 =	simm.s32 @!p0 $0x108  }
0x21: {  	s3 =	sadd.s32 s3, s9;
	s6 =	sadd.s32 @!p0 $0x88, s6;
	s7 =	simm.s32 @p2 $0x1082  }
0x22: {  	[simem:s7], [sflag:s8] =	dma.local @!p0 [hbm:s6], $0xF7A  }
0x23: {  	s9 =	sor.u32 $0xD0000000, s2;
	s6 =	simm.s32 $0x108;
	_ =	swait.ge @!p0 [sflag:s8], $0x0  }
0x24: {  	s3 =	sadd.s32 $0x88, s3;
	s6 =	simm.s32 @!p1 $0x1082;
	[sflag:s4] =	ssyncset.s32 $0xFFFFF086  }
0x25: {  	[simem:s6], [sflag:s4] =	dma.local [hbm:s3], $0xF7A  }
0x26: {  	[smem:$0x3F9B] =	sst s1;
	(tag) =	ssettag s2;
	_ =	strace s9  }
0x27: {  	s1 =	sld [smem:$0x3FAB]  }
0x28: {  	s2 =	sld [smem:$0x3FAC]  }
0x29: {  	s4 =	sld [smem:$0x3FAE]  }
0x2a: {  	p0 =	seq.s32 s5, $0x0;
	s5 =	sld [smem:$0x3FAF]  }
0x2b: {  	s6 =	sld [smem:$0x3FB0]  }
0x2c: {  	s7 =	sld [smem:$0x3FB1]  }
0x2d: {  	s3 =	simm.s32 $0x108;
	s8 =	sld [smem:$0x3FB2]  }
0x2e: {  	s3 =	simm.s32 @!p0 $0x1082;
	s9 =	sld [smem:$0x3FB3]  }
0x2f: {  	lr =	sadd.s32 s0, s3;
	s0 =	sld [smem:$0x3FAA]  }
0x30: {  	s3 =	sld [smem:$0x3FAD]  }
0x31: {  	[smem:$0x3FB6] =	sst s10  }
0x32: {  	s10 =	sld [smem:$0x3FB4];
	_ =	sdelay $0x3  }
0x33: {  	p0 =	seq.s32 s10, $0x1;
	s10 =	sld [smem:$0x3FB6];
	_ =	sdelay $0x3  }
0x34: {  	[smem:$0x3FB6] =	sst s10  }
0x35: {  	s10 =	sld [smem:$0x3FB5];
	_ =	sdelay $0x3  }
0x36: {  	p1 =	seq.s32 s10, $0x1;
	s10 =	sld [smem:$0x3FB6];
	_ =	sdelay $0x3  }
0x37: {  	[smem:$0x3FB6] =	sst s10  }
0x38: {  	s10 =	sld [smem:$0x3FB7]  }
0x39: {  	_ = 	snop;
	(pc) =	sbr.ind lr, $3  }
0x3a: {  	_ = 	snop  }
0x3b: {  	_ = 	snop  }
0x3c: {  	p2 =	seq.s32 s10, $0x1;
	s10 =	sld [smem:$0x3FB6]  }
0x3d: {  	_ =	shalt  }
0x3e: {  	_ =	shalt  }
0x3f: {  	_ =	shalt  }
0x40: {  	_ =	shalt  }
0x41: {  	_ =	shalt  }
0x42: {  	_ =	shalt  }
0x43: {  	_ =	shalt  }
0x44: {  	_ =	shalt  }
0x45: {  	_ =	shalt  }
0x46: {  	_ =	shalt  }
0x47: {  	_ =	shalt  }
0x48: {  	_ =	shalt  }
0x49: {  	_ =	shalt  }
0x4a: {  	_ =	shalt  }
0x4b: {  	_ =	shalt  }
0x4c: {  	_ =	shalt  }
0x4d: {  	_ =	shalt  }
0x4e: {  	_ =	shalt  }
0x4f: {  	_ =	shalt  }
0x50: {  	_ =	shalt  }
0x51: {  	_ =	shalt  }
0x52: {  	_ =	shalt  }
0x53: {  	_ =	shalt  }
0x54: {  	_ =	shalt  }
0x55: {  	_ =	shalt  }
0x56: {  	_ =	shalt  }
0x57: {  	_ =	shalt  }
0x58: {  	_ =	shalt  }
0x59: {  	_ =	shalt  }
0x5a: {  	_ =	shalt  }
0x5b: {  	_ =	shalt  }
0x5c: {  	_ =	shalt  }
0x5d: {  	_ =	shalt  }
0x5e: {  	_ =	shalt  }
0x5f: {  	_ =	shalt  }
0x60: {  	_ =	shalt  }
0x61: {  	_ =	shalt  }
0x62: {  	_ =	shalt  }
0x63: {  	_ =	shalt  }
0x64: {  	_ =	shalt  }
0x65: {  	_ =	shalt  }
0x66: {  	_ =	shalt  }
0x67: {  	_ =	shalt  }
0x68: {  	_ =	shalt  }
0x69: {  	_ =	shalt  }
0x6a: {  	_ =	shalt  }
0x6b: {  	_ =	shalt  }
0x6c: {  	_ =	shalt  }
0x6d: {  	_ =	shalt  }
0x6e: {  	_ =	shalt  }
0x6f: {  	_ =	shalt  }
0x70: {  	_ =	shalt  }
0x71: {  	_ =	shalt  }
0x72: {  	_ =	shalt  }
0x73: {  	_ =	shalt  }
0x74: {  	_ =	shalt  }
0x75: {  	_ =	shalt  }
0x76: {  	_ =	shalt  }
0x77: {  	_ =	shalt  }
0x78: {  	_ =	shalt  }
0x79: {  	_ =	shalt  }
0x7a: {  	_ =	shalt  }
0x7b: {  	_ =	shalt  }
0x7c: {  	_ =	shalt  }
0x7d: {  	_ =	shalt  }
0x7e: {  	_ =	shalt  }
0x7f: {  	_ =	shalt  }
0x80: {  	_ =	shalt  }
0x81: {  	_ =	shalt  }
0x82: {  	_ =	shalt  }
0x83: {  	_ =	shalt  }
0x84: {  	_ =	shalt  }
0x85: {  	_ =	shalt  }
0x86: {  	_ =	shalt  }
0x87: {  	_ =	shalt  }
.Lfunc_end0:
.L_simem_size_0:
called_computation.2_lowered:
.L_overlay_start_0:
0x88: {  	s2 =	sld [smem:$0x3FD9]  }
0x89: {  	s3 =	sld [smem:$0x3FFE];
	_ =	sdelay $0x1  }
0x8a: {  	s1 =	srdreg.scid  }
0x8b: {  	s0 =	sand.u32 $0x1, s1  }
0x8c: {  	s17 =	sshll.u32 s0, $0xA;
	s2 =	sadd.s32 s3, s2  }
0x8d: {  	s2 =	sadd.s32 s2, s17  }
0x8e: {  	[smem:$0x3FC2] =	sst s2  }
0x8f: {  	_ = 	snop  }
0x90: {  	s2 =	sld [smem:$0x3FD0];
	(tm) =	ssettm $0x1  }
0x91: {  	s18 =	sld [smem:$0x3FFB];
	_ =	sdelay $0x3  }
0x92: {  	_ =	strace s18  }
0x93: {  	s3 =	sld [smem:$0x3FFC];
	_ =	sdelay $0x3  }
0x94: {  	_ =	strace s3  }
0x95: {  	s3 =	sld [smem:$0x3FFD];
	_ =	sdelay $0x3  }
0x96: {  	_ =	strace s3  }
0x97: {  	_ =	strace $0x8FFFFFFF  }
0x98: {  	s19 =	sld [smem:$0x3FDB];
	_ =	sdelay $0x1  }
0x99: {  	s4 =	simm.s32 $_scs_section_size  }
0x9a: {  	s5 =	simm.s32 $_size__tile_overlayer_lowered;
	s6 =	simm.s32 $_tile_overlayer_lowered  }
0x9b: {  	s22 =	simm.s32 $0x1BFF;
	s21 =	sshll.u32 s6, $0x1;
	s3 =	sadd.s32 s4, s19  }
0x9c: {  	s7 =	simm.s32 $0x0;
	s20 =	sshll.u32 s5, $0x1;
	s5 =	sadd.s32 s21, s3  }
0x9d: {  	[timem:s7], [sflag:s22] =	dma.local [hbm:s5], s20  }
0x9e: {  	_ =	swait.ge [sflag:s22], s20  }
0x9f: {  	s4 =	ssub.s32 $0x0, s20;
	[sflag:s22] =	ssyncset.done $0x0  }
0xa0: {  	[sflag:s22] =	ssyncadd.s32 s4;
	_ =	sdelay $0x1  }
0xa1: {  	s23 =	simm.s32 $0x1B8B  }
0xa2: {  	_ =	swait.ge [sflag:s23], $0x1  }
0xa3: {  	[sflag:s23] =	ssyncset.done $0x0  }
0xa4: {  	s25 =	simm.s32 $0x1B8E;
	s24 =	sld [smem:$0x3FFE];
	[sflag:s23] =	ssyncadd.s32 $0xFFFFFFFF  }
0xa5: {  	s26 =	simm.s32 $execute0_lowered;
	[smem:$0x3FD2] =	sst s25  }
0xa6: {  	s5 =	sshll.u32 s26, $0x1;
	_ =	strace $0x8000004C;
	[dreg:$0x1] =	wrdreg $0xFFFFFFFF  }
0xa7: {  	s28 =	simm.s32 $_size_execute0_lowered;
	s3 =	sadd.s32 s3, s5;
	[dreg:$0x0] =	wrdreg $0x0  }
0xa8: {  	s5 =	sshll.u32 s28, $0x1;
	[dreg:$0x2] =	wrdreg s3  }
0xa9: {  	[dreg:$0x3] =	wrdreg s5  }
0xaa: {  	[dreg:$0x4] =	wrdreg $0xC0  }
0xab: {  	_ =	task [dreg:s7], $0x5FFFF  }
0xac: {  	[dreg:$0x1] =	wrdreg $0xFFFFFFFF  }
0xad: {  	[dreg:$0x0] =	wrdreg $0x60  }
0xae: {  	[dreg:$0x2] =	wrdreg s2  }
0xaf: {  	[dreg:$0x3] =	wrdreg s24  }
0xb0: {  	[dreg:$0x4] =	wrdreg $0xC0000  }
0xb1: {  	[dreg:$0x5] =	wrdreg $0x9  }
0xb2: {  	_ =	task.clear_ibuf [dreg:s7], $0x6FFFF;
	_ =	strace $0x9000004C  }
0xb3: {  	s29 =	simm.s32 $0x9;
	_ =	strace $0x8000004E  }
0xb4: {  	_ =	swait.ge [sflag:s29], $0x1  }
0xb5: {  	[sflag:s29] =	ssyncadd.s32 $0xFFFFFFFF  }
0xb6: {  	_ =	strace $0x9000004E  }
0xb7: {  	_ =	sfence  }
0xb8: {  	s30 =	sld [smem:$0x0];
	_ =	sdelay $0x2  }
0xb9: {  	s31 =	sshll.u32 s1, $0xD;
	s1 =	sshrl.u32 s1, $0x2  }
0xba: {  	s3 =	sand.u32 $0x4000, s31;
	s1 =	sadd.s32 s1, s30  }
0xbb: {  	s0 =	sor.u32 s3, s0;
	s1 =	sshll.u32 s1, $0x11  }
0xbc: {  	s0 =	sor.u32 s1, s0  }
0xbd: {  	s0 =	sadd.s32 $0x8F2B, s0  }
0xbe: {  	[sflag:s0] =	ssyncadd.remote.s32 $0x1  }
0xbf: {  	_ =	sfence.sel $0xFFFF  }
0xc0: {  	[dreg:$0x0] =	wrdreg $0xFFFFFFFF;
	(pc) =	sbr.abs _section_cstart, $3  }
0xc1: {  	[dreg:$0x1] =	wrdreg $0xFFFFFFFF  }
0xc2: {  	_ =	task.clear_ibuf [dreg:s7], $0x2FFFF;
	_ =	strace $0x9FFFFFFF  }
0xc3: {  	(tm) =	ssettm $0x7FFFFFFF  }
tec
execute0_lowered:
.L_overlay_start_1:
0x0: {  	(tag) =	ssettag $0x1  }
0x1: {  	s1 =	rddreg [dreg:$0x0]  }
0x2: {  	s0 =	rddreg [dreg:$0x1]  }
0x3: {  	s2 =	rddreg [dreg:$0x2];
	s4 =	simm.s32 $0x0  }
0x4: {  	s3 =	srdreg.scid;
	s14 =	stileid.u32;
	s28 =	simm.s32 $0x2000  }
0x5: {  	s30 =	simm.s32 $0x4800;
	s29 =	simm.s32 $0x7;
	s31 =	simm.s32 $0x8  }
0x6: {  	[smem:$0x7FF] =	sst s4;
	s3 =	sand.u32 $0x1, s3;
	s8 =	smul.u32 $0x278, s14  }
0x7: {  	s5 =	sadd.s32 $0x30E00, s0;
	s6 =	sadd.s32 $0x1600, s0;
	s10 =	smul.u32 $0x4F000, s14  }
0x8: {  	s0 =	sadd.s32 $0x40E00, s0;
	s25 =	sshll.u32 s14, $0xB;
	p0 =	seq.s32 s14, $0xF  }
0x9: {  	s7 =	smul.u32 $0x2710, s3;
	_ =	strace $0x8000004D;
	s9 =	ssub.s32 $0x2, s3  }
0xa: {  	s23 =	smul.u32 $0x138800, s3;
	s3 =	sshll.u32 s3, $0x12;
	s11 =	sshrl.u32 s9, $0x1  }
0xb: {  	s21 =	sshrl.u32 s10, $0x2;
	s7 =	sadd.s32 s8, s7;
	s20 =	ssub.s32 s9, s11  }
0xc: {  	s12 =	sadd.s32 s21, s2;
	s11 =	sshrl.u32 s23, $0x3;
	s21 =	simm.s32 $0x9800  }
0xd: {  	s23 =	simm.s32 $0x6;
	s8 =	simm.s32 $0x5;
	s22 =	sshll.u32 s7, $0x4  }
0xe: {  	s7 =	sshll.u32 s14, $0xE;
	s11 =	sadd.s32 $0x25080, s11;
	s26 =	smax.u32 s20, $0x1  }
0xf: {  	s20 =	sshrl.u32 @!p0 s12, $0x3;
	s24 =	sadd.s32 s1, s22;
	s9 =	sor.u32 s7, s3  }
0x10: {  	s3 =	sadd.s32 $0x128400, s2;
	s16 =	sadd.s32 s1, s11;
	[dreg:$0xc] =	wrdreg s26  }
0x11: {  	s10 =	sadd.s32 s0, s22;
	s0 =	sadd.s32 s0, s11;
	[dreg:$0x4] =	wrdreg s24  }
0x12: {  	s26 =	simm.s32 $0x50;
	s22 =	simm.s32 $0x2;
	[dreg:$0x6] =	wrdreg s16  }
0x13: {  	s11 =	simm.s32 $0x3;
	s13 =	sshrl.u32 s9, $0x3;
	[dreg:$0xa] =	wrdreg s10  }
0x14: {  	[dreg:$0xb] =	wrdreg s0;
	s0 =	sshll.u32 @!p0 s14, $0x6;
	s18 =	sshrl.u32 @p0 s3, $0x3  }
.Ltmp0:
0x15: {  	s3 =	simm.s32 $0x1;
	s15 =	sadd.s32 s5, s13;
	(pc) =	sbr.rel .LBB2_1-.Ltmp0, $4  }
0x16: {  	s14 =	simm.s32 $0x0;
	s13 =	sadd.s32 s6, s25;
	[dreg:$0x5] =	wrdreg s15  }
0x17: {  	s19 =	sor.u32 @!p0 $0x1C0D, s0;
	s15 =	sadd.s32 $0x100, s15;
	[dreg:$0x7] =	wrdreg s13  }
0x18: {  	s25 =	simm.s32 $0xB;
	s13 =	sadd.s32 $0x100, s13;
	[dreg:$0x8] =	wrdreg s15  }
0x19: {  	s0 =	simm.s32 $0x7000;
	[dreg:$0x9] =	wrdreg s13;
	s13 =	simm.s32 $0x4  }
.LBB2_16:
0x1a: {  	_ =	swait.ge [sflag:s23], $0x2800  }
0x1b: {  	[sflag:s23] =	ssyncset.done $0x0  }
0x1c: {  	[sflag:s23] =	ssyncadd.s32 $0xFFFFD800  }
0x1d: {  	_ =	swait.ge [sflag:s29], $0x2800  }
0x1e: {  	[sflag:s29] =	ssyncset.done $0x0  }
0x1f: {  	[sflag:s29] =	ssyncadd.s32 $0xFFFFD800  }
0x20: {  	_ =	swait.ge [sflag:s31], $0x2800  }
0x21: {  	[sflag:s31] =	ssyncset.done $0x0  }
0x22: {  	[sflag:s31] =	ssyncadd.s32 $0xFFFFD800  }
0x23: {  	_ =	swait.ge [sflag:s8], $0x2800  }
0x24: {  	[sflag:s8] =	ssyncset.done $0x0  }
0x25: {  	[sflag:s8] =	ssyncadd.s32 $0xFFFFD800  }
0x26: {  	[bflag:$0x0] =	sbarrier.arrive $0xFFFF  }
0x27: {  	s10 =	simm.s32 @p0 $0x1FCD;
	s12 =	rddreg [dreg:$0xb]  }
0x28: {  	[hbm:s12], [sflag:s10] =	dma.local @p0 [spmem:s18], $0x2080  }
0x29: {  	s10 =	simm.s32 @p0 $0xD  }
0x2a: {  	_ =	swait.ge @p0 [sflag:s10], $0x2080  }
0x2b: {  	[sflag:s10] =	ssyncset.done @p0 $0x0  }
0x2c: {  	[sflag:s10] =	ssyncadd.s32 @p0 $0xFFFFDF80;
	s10 =	rddreg [dreg:$0xa]  }
0x2d: {  	[hbm:s10], [sflag:s19] =	dma.local @!p0 [spmem:s20], $0x2780  }
0x2e: {  	s10 =	simm.s32 @!p0 $0xD  }
0x2f: {  	_ =	swait.ge @!p0 [sflag:s10], $0x2780  }
0x30: {  	s14 =	sadd.s32 $0x1, s14;
	s24 =	rddreg [dreg:$0xc]  }
0x31: {  	p1 =	sne.s32 s14, s24  }
.Ltmp1:
0x32: {  	_ = 	snop;
	(pc) =	sbr.rel @!p1 .LBB2_17-.Ltmp1, $3  }
0x33: {  	_ =	sdelay $0x1  }
0x34: {  	[sflag:s10] =	ssyncset.done @!p0 $0x0  }
0x35: {  	[sflag:s10] =	ssyncadd.s32 @!p0 $0xFFFFD880  }
.LBB2_1:
0x36: {  	s10 =	simm.s32 @p0 $0x1FCD;
	s12 =	rddreg [dreg:$0x6]  }
0x37: {  	[spmem:s18], [sflag:s10] =	dma.local @p0 [hbm:s12], $0x2080  }
0x38: {  	s10 =	simm.s32 @p0 $0xD  }
0x39: {  	_ =	swait.ge @p0 [sflag:s10], $0x2080  }
0x3a: {  	[sflag:s10] =	ssyncset.done @p0 $0x0  }
0x3b: {  	[sflag:s10] =	ssyncadd.s32 @p0 $0xFFFFDF80;
	s10 =	rddreg [dreg:$0x4]  }
0x3c: {  	[spmem:s20], [sflag:s19] =	dma.local @!p0 [hbm:s10], $0x2780  }
0x3d: {  	s10 =	simm.s32 @!p0 $0xD  }
0x3e: {  	_ =	swait.ge @!p0 [sflag:s10], $0x2780  }
0x3f: {  	[sflag:s10] =	ssyncset.done @!p0 $0x0  }
0x40: {  	s12 =	rddreg [dreg:$0x5];
	[sflag:s10] =	ssyncadd.s32 @!p0 $0xFFFFD880  }
0x41: {  	[tilespmem:s4], [sflag:$0x9] =	stream.linear.gather [hbm4b:s12+s4], $0x800, $0x38;
	[tilespmem:$0x1F880] =	vst v63  }
0x42: {  	s16 =	simm.s32 $0x1000;
	s15 =	rddreg [dreg:$0x7]  }
0x43: {  	[tilespmem:s16], [sflag:$0xB] =	stream.linear.gather [hbm4b:s15+s4], $0x800, $0x38;
	[tilespmem:$0x1F880] =	vst v63  }
0x44: {  	s24 =	simm.s32 $0x800;
	s17 =	rddreg [dreg:$0x8]  }
0x45: {  	[tilespmem:s24], [sflag:$0xA] =	stream.linear.gather [hbm4b:s17+s4], $0x800, $0x38;
	[tilespmem:$0x1F880] =	vst v63  }
0x46: {  	s12 =	rddreg [dreg:$0x9];
	s15 =	simm.s32 $0x1800;
	s16 =	simm.s32 $0x9  }
0x47: {  	[tilespmem:s15], [sflag:$0xC] =	stream.linear.gather [hbm4b:s12+s4], $0x800, $0x38;
	[tilespmem:$0x1F880] =	vst v63  }
0x48: {  	_ =	swait.ge [sflag:s16], $0x800  }
0x49: {  	[sflag:s16] =	ssyncset.done $0x0  }
0x4a: {  	[sflag:s16] =	ssyncadd.s32 $0xFFFFF800  }
0x4b: {  	_ =	swait.ge [sflag:s25], $0x800  }
0x4c: {  	[sflag:s25] =	ssyncset.done $0x0  }
0x4d: {  	[sflag:s25] =	ssyncadd.s32 $0xFFFFF800  }
0x4e: {  	[tilespmem:s28], [sflag:$0x1] =	stream.indirect.gather [hbm4b:s1+s26], $0x80, s4, s26, $0xb8;
	[tilespmem:$0x1F880] =	vst v63  }
0x4f: {  	s17 =	simm.s32 $0x80  }
0x50: {  	[tilespmem:s30], [sflag:$0x2] =	stream.indirect.gather [hbm4b:s1+s26], $0x80, s17, s26, $0xb8;
	[tilespmem:$0x1F880] =	vst v63  }
.Ltmp2:
0x51: {  	_ = 	snop;
	(pc) =	sbr.rel .LBB2_2-.Ltmp2, $4  }
0x52: {  	s24 =	simm.s32 $0x100  }
0x53: {  	[tilespmem:s0], [sflag:$0x3] =	stream.indirect.gather [hbm4b:s1+s26], $0x80, s24, s26, $0xb8;
	[tilespmem:$0x1F880] =	vst v63  }
0x54: {  	[bflag:$0x0] =	sbarrier.arrive $0xFFFF  }
0x55: {  	s15 =	simm.s32 $0x0  }
.LBB2_15:
0x56: {  	s15 =	sadd.s32 $0x1, s15  }
0x57: {  	p1 =	sne.s32 s15, $0x7D  }
.Ltmp3:
0x58: {  	_ = 	snop;
	(pc) =	sbr.rel @!p1 .LBB2_16-.Ltmp3, $1  }
0x59: {  	_ =	sdelay $0x3  }
.LBB2_2:
0x5a: {  	s10 =	sand.u32 $0xF, s15;
	s12 =	sadd.s32 $0xFFFFFFF0, s15  }
0x5b: {  	s16 =	sshrl.u32 s15, $0x4;
	p1 =	seq.s32 s10, $0x3;
	p2 =	slt.u32 s12, $0x60  }
0x5c: {  	s24 =	sand.u32 $0x1, s16;
	p1 =	por !p1, !p2  }
0x5d: {  	p2 =	seq.s32 s24, $0x1;
	p1 =	por !p1, !p1  }
0x5e: {  	s12 =	sadd.s32 $0x1, s16;
	p3 =	por !p2, !p1  }
0x5f: {  	s16 =	sshll.u32 @!p3 s12, $0xB  }
0x60: {  	s17 =	sadd.s32 @!p3 s9, s16  }
0x61: {  	s16 =	sadd.s32 @!p3 s7, s16;
	s17 =	sshrl.u32 @!p3 s17, $0x3  }
0x62: {  	s24 =	simm.s32 @!p3 $0x0;
	s16 =	sshrl.u32 @!p3 s16, $0x3;
	s17 =	sadd.s32 @!p3 s5, s17  }
0x63: {  	[tilespmem:s24], [sflag:$0x9] =	stream.linear.gather @!p3 [hbm4b:s17+s24], $0x800, $0x38;
	[tilespmem:$0x1F880] =	vst v63  }
0x64: {  	s16 =	sadd.s32 @!p3 s6, s16;
	s17 =	simm.s32 @!p3 $0x1000  }
0x65: {  	[tilespmem:s17], [sflag:$0xB] =	stream.linear.gather @!p3 [hbm4b:s16+s24], $0x800, $0x38;
	[tilespmem:$0x1F880] =	vst v63  }
0x66: {  	s17 =	sand.u32 $0x1, s12  }
0x67: {  	p6 =	seq.s32 s17, $0x1  }
0x68: {  	p1 =	por !p1, !p6  }
0x69: {  	p1 =	por !p1, !p1  }
0x6a: {  	s12 =	sshll.u32 @p1 s12, $0xB  }
0x6b: {  	s16 =	sadd.s32 @p1 s9, s12  }
0x6c: {  	s17 =	simm.s32 @p1 $0x0;
	s12 =	sadd.s32 @p1 s7, s12;
	s16 =	sshrl.u32 @p1 s16, $0x3  }
0x6d: {  	s24 =	simm.s32 @p1 $0x800;
	s12 =	sshrl.u32 @p1 s12, $0x3;
	s16 =	sadd.s32 @p1 s5, s16  }
0x6e: {  	[tilespmem:s24], [sflag:$0xA] =	stream.linear.gather @p1 [hbm4b:s16+s17], $0x800, $0x38;
	[tilespmem:$0x1F880] =	vst v63  }
0x6f: {  	s12 =	sadd.s32 @p1 s6, s12;
	s16 =	simm.s32 @p1 $0x1800;
	s24 =	sadd.s32 $0x3, s15  }
0x70: {  	[tilespmem:s16], [sflag:$0xC] =	stream.linear.gather @p1 [hbm4b:s12+s17], $0x800, $0x38;
	[tilespmem:$0x1F880] =	vst v63  }
0x71: {  	s16 =	sand.u32 $0xF, s24  }
0x72: {  	p4 =	slt.u32 s15, $0x7A;
	p5 =	seq.s32 s16, $0x0  }
0x73: {  	s17 =	sand.u32 $0x10, s24;
	p1 =	por !p4, !p5  }
0x74: {  	p6 =	seq.s32 s17, $0x0;
	p4 =	por !p1, !p1  }
0x75: {  	p1 =	por !p6, !p4  }
0x76: {  	p3 =	por !p1, !p1  }
0x77: {  	p1 =	sne.s32 @!p3 s17, $0x0  }
0x78: {  	p4 =	por @!p3 !p1, !p4  }
0x79: {  	p4 =	por @!p3 !p4, !p4  }
0x7a: {  	p4 =	por p3, p4  }
.Ltmp4:
0x7b: {  	_ = 	snop;
	(pc) =	sbr.rel @!p4 .LBB2_4-.Ltmp4, $1  }
0x7c: {  	_ =	sdelay $0x3  }
0x7d: {  	s12 =	simm.s32 @!p3 $0xA  }
0x7e: {  	s12 =	simm.s32 @p3 $0x9  }
0x7f: {  	_ =	swait.ge [sflag:s12], $0x800  }
0x80: {  	s24 =	simm.s32 @!p3 $0xC;
	[sflag:s12] =	ssyncset.done $0x0  }
0x81: {  	s24 =	simm.s32 @p3 $0xB;
	[sflag:s12] =	ssyncadd.s32 $0xFFFFF800  }
0x82: {  	_ =	swait.ge [sflag:s24], $0x800  }
0x83: {  	[sflag:s24] =	ssyncset.done $0x0  }
0x84: {  	p1 =	por !p3, !p3;
	[sflag:s24] =	ssyncadd.s32 $0xFFFFF800  }
.LBB2_4:
0x85: {  	s12 =	sand.u32 $0x3, s15;
	s24 =	simm.s32 $0x1800  }
0x86: {  	s24 =	simm.s32 @!p2 $0x1000;
	p2 =	sgt.s32 s12, $0x1  }
.Ltmp5:
0x87: {  	_ = 	snop;
	(pc) =	sbr.rel @p2 .LBB2_12-.Ltmp5, $3  }
0x88: {  	_ =	sdelay $0x1  }
0x89: {  	s10 =	sshll.u32 s10, $0x7  }
0x8a: {  	s10 =	sor.u32 s10, s24  }
0x8b: {  	p2 =	seq.s32 s12, $0x0  }
.Ltmp6:
0x8c: {  	_ = 	snop;
	(pc) =	sbr.rel @!p2 .LBB2_8-.Ltmp6, $1  }
0x8d: {  	_ =	sdelay $0x3  }
0x8e: {  	p2 =	sgt.u32 s15, $0x79  }
.Ltmp7:
0x8f: {  	_ = 	snop;
	(pc) =	sbr.rel @p2 .LBB2_15-.Ltmp7, $4  }
0x90: {  	_ =	swait.ge [sflag:s3], $0x2800  }
0x91: {  	[sflag:s3] =	ssyncset.done $0x0  }
0x92: {  	[sflag:s3] =	ssyncadd.s32 $0xFFFFD800  }
0x93: {  	[spmem:s2] =	stream.indirect.scatter.add.f32 [tilespmem:s28], [sflag:$0x5], $0x80, s10, s26, $0xb8;
	[tilespmem:$0x1F880] =	vst v63  }
0x94: {  	p2 =	seq.s32 s15, $0x0  }
0x95: {  	s10 =	simm.s32 @!p2 $0x8  }
0x96: {  	p3 =	sne.s32 @!p2 s17, $0x0;
	_ =	swait.ge @!p2 [sflag:s10], $0x2800  }
0x97: {  	p3 =	por p2, !p3;
	[sflag:s10] =	ssyncset.done @!p2 $0x0  }
.Ltmp8:
0x98: {  	[sflag:s10] =	ssyncadd.s32 @!p2 $0xFFFFD800;
	s10 =	sshll.u32 @p3 s16, $0x7;
	(pc) =	sbr.rel .LBB2_15-.Ltmp8, $4  }
0x99: {  	[tilespmem:s21], [sflag:$0x4] =	stream.indirect.gather @p3 [hbm4b:s1+s26], $0x80, s10, s26, $0xb8;
	[tilespmem:$0x1F880] =	vst v63  }
0x9a: {  	s10 =	sshll.u32 @p1 s16, $0x7  }
0x9b: {  	s12 =	simm.s32 @p1 $0x50;
	s16 =	simm.s32 @p1 $0x9800;
	s10 =	sor.u32 @p1 $0x800, s10  }
0x9c: {  	[tilespmem:s16], [sflag:$0x4] =	stream.indirect.gather @p1 [hbm4b:s1+s12], $0x80, s10, s12, $0xb8;
	[tilespmem:$0x1F880] =	vst v63  }
.LBB2_12:
0x9d: {  	p3 =	seq.s32 s12, $0x2  }
.Ltmp9:
0x9e: {  	_ = 	snop;
	(pc) =	sbr.rel @!p3 .LBB2_13-.Ltmp9, $2  }
0x9f: {  	_ =	sdelay $0x2  }
0xa0: {  	p2 =	sgt.u32 s15, $0x79  }
.Ltmp10:
0xa1: {  	(pc) =	sbr.rel @p2 .LBB2_15-.Ltmp10, $4  }
0xa2: {  	_ =	swait.ge [sflag:s11], $0x2800  }
0xa3: {  	[sflag:s11] =	ssyncset.done $0x0  }
0xa4: {  	[sflag:s11] =	ssyncadd.s32 $0xFFFFD800  }
0xa5: {  	[spmem:s2] =	stream.indirect.scatter.add.f32 [tilespmem:s0], [sflag:$0x7], $0x80, s10, s26, $0xb8;
	[tilespmem:$0x1F880] =	vst v63  }
0xa6: {  	p2 =	seq.s32 s15, $0x0  }
0xa7: {  	s10 =	simm.s32 @!p2 $0x6  }
0xa8: {  	p3 =	sne.s32 @!p2 s17, $0x0;
	_ =	swait.ge @!p2 [sflag:s10], $0x2800  }
0xa9: {  	p3 =	por p2, !p3;
	[sflag:s10] =	ssyncset.done @!p2 $0x0  }
.Ltmp11:
0xaa: {  	[sflag:s10] =	ssyncadd.s32 @!p2 $0xFFFFD800;
	s10 =	sshll.u32 @p3 s16, $0x7;
	(pc) =	sbr.rel .LBB2_15-.Ltmp11, $4  }
0xab: {  	[tilespmem:s30], [sflag:$0x2] =	stream.indirect.gather @p3 [hbm4b:s1+s26], $0x80, s10, s26, $0xb8;
	[tilespmem:$0x1F880] =	vst v63  }
0xac: {  	s10 =	sshll.u32 @p1 s16, $0x7  }
0xad: {  	s12 =	simm.s32 @p1 $0x50;
	s16 =	simm.s32 @p1 $0x4800;
	s10 =	sor.u32 @p1 $0x800, s10  }
0xae: {  	[tilespmem:s16], [sflag:$0x2] =	stream.indirect.gather @p1 [hbm4b:s1+s12], $0x80, s10, s12, $0xb8;
	[tilespmem:$0x1F880] =	vst v63  }
.LBB2_8:
0xaf: {  	p2 =	sgt.u32 s15, $0x79  }
.Ltmp12:
0xb0: {  	_ = 	snop;
	(pc) =	sbr.rel @p2 .LBB2_15-.Ltmp12, $4  }
0xb1: {  	_ =	swait.ge [sflag:s22], $0x2800  }
0xb2: {  	[sflag:s22] =	ssyncset.done $0x0  }
0xb3: {  	[sflag:s22] =	ssyncadd.s32 $0xFFFFD800  }
0xb4: {  	[spmem:s2] =	stream.indirect.scatter.add.f32 [tilespmem:s30], [sflag:$0x6], $0x80, s10, s26, $0xb8;
	[tilespmem:$0x1F880] =	vst v63  }
0xb5: {  	p2 =	seq.s32 s15, $0x0  }
0xb6: {  	s10 =	simm.s32 @!p2 $0x5  }
0xb7: {  	p3 =	sne.s32 @!p2 s17, $0x0;
	_ =	swait.ge @!p2 [sflag:s10], $0x2800  }
0xb8: {  	p3 =	por p2, !p3;
	[sflag:s10] =	ssyncset.done @!p2 $0x0  }
.Ltmp13:
0xb9: {  	[sflag:s10] =	ssyncadd.s32 @!p2 $0xFFFFD800;
	s10 =	sshll.u32 @p3 s16, $0x7;
	(pc) =	sbr.rel .LBB2_15-.Ltmp13, $4  }
0xba: {  	[tilespmem:s28], [sflag:$0x1] =	stream.indirect.gather @p3 [hbm4b:s1+s26], $0x80, s10, s26, $0xb8;
	[tilespmem:$0x1F880] =	vst v63  }
0xbb: {  	s10 =	sshll.u32 @p1 s16, $0x7  }
0xbc: {  	s12 =	simm.s32 @p1 $0x50;
	s16 =	simm.s32 @p1 $0x2000;
	s10 =	sor.u32 @p1 $0x800, s10  }
0xbd: {  	[tilespmem:s16], [sflag:$0x1] =	stream.indirect.gather @p1 [hbm4b:s1+s12], $0x80, s10, s12, $0xb8;
	[tilespmem:$0x1F880] =	vst v63  }
.LBB2_13:
.Ltmp14:
0xbe: {  	(pc) =	sbr.rel @p2 .LBB2_15-.Ltmp14, $4  }
0xbf: {  	_ =	swait.ge [sflag:s13], $0x2800  }
0xc0: {  	[sflag:s13] =	ssyncset.done $0x0  }
0xc1: {  	[sflag:s13] =	ssyncadd.s32 $0xFFFFD800  }
0xc2: {  	[spmem:s2] =	stream.indirect.scatter.add.f32 [tilespmem:s21], [sflag:$0x8], $0x80, s10, s26, $0xb8;
	[tilespmem:$0x1F880] =	vst v63  }
0xc3: {  	p2 =	seq.s32 s15, $0x0  }
0xc4: {  	s10 =	simm.s32 @!p2 $0x7  }
0xc5: {  	p3 =	sne.s32 @!p2 s17, $0x0;
	_ =	swait.ge @!p2 [sflag:s10], $0x2800  }
0xc6: {  	p3 =	por p2, !p3;
	[sflag:s10] =	ssyncset.done @!p2 $0x0  }
.Ltmp15:
0xc7: {  	[sflag:s10] =	ssyncadd.s32 @!p2 $0xFFFFD800;
	s10 =	sshll.u32 @p3 s16, $0x7;
	(pc) =	sbr.rel .LBB2_15-.Ltmp15, $4  }
0xc8: {  	[tilespmem:s0], [sflag:$0x3] =	stream.indirect.gather @p3 [hbm4b:s1+s26], $0x80, s10, s26, $0xb8;
	[tilespmem:$0x1F880] =	vst v63  }
0xc9: {  	s10 =	sshll.u32 @p1 s16, $0x7  }
0xca: {  	s12 =	simm.s32 @p1 $0x50;
	s16 =	simm.s32 @p1 $0x7000;
	s10 =	sor.u32 @p1 $0x800, s10  }
0xcb: {  	[tilespmem:s16], [sflag:$0x3] =	stream.indirect.gather @p1 [hbm4b:s1+s12], $0x80, s10, s12, $0xb8;
	[tilespmem:$0x1F880] =	vst v63  }
.LBB2_17:
0xcc: {  	_ =	sfence.sel $0x180000  }
0xcd: {  	[bflag:$0x0] =	sbarrier.arrive $0xFFFF  }
0xce: {  	_ =	strace $0x9000004D  }
0xcf: {  	s0 =	stileid.u32;
	[bflag:$0x2] =	sbarrier.arrive $0xFFFF  }
0xd0: {  	p0 =	sne.s32 s0, $0x0;
	s0 =	rddreg [dreg:$0x3]  }
0xd1: {  	s0 =	sadd.s32 @!p0 $0x100000, s0  }
0xd2: {  	[sflag:s0] =	ssyncadd.tile.s32 @!p0 $0x1;
	_ =	shalt  }
.Lfunc_end2:
_tile_overlayer_lowered:
.L_overlay_start_2:
0xd3: {  	(tag) =	ssettag $0x2  }
0xd4: {  	s0 =	rddreg [dreg:$0x0];
	s2 =	stileid.u32  }
0xd5: {  	s1 =	rddreg [dreg:$0x1];
	p0 =	sne.s32 s2, $0x0  }
0xd6: {  	s3 =	rddreg [dreg:$0x2];
	[bflag:$0x3] =	sbarrier.arrive $0xFFFF;
	s2 =	simm.s32 @!p0 $0x1C0D  }
0xd7: {  	[timem:s3], [sflag:s2] =	dma.local @!p0 [hbm:s0], s1  }
0xd8: {  	s0 =	simm.s32 @!p0 $0xD  }
0xd9: {  	_ =	swait.ge @!p0 [sflag:s0], s1  }
0xda: {  	s1 =	ssub.s32 @!p0 $0x0, s1;
	[sflag:s0] =	ssyncset.done @!p0 $0x0  }
0xdb: {  	[sflag:s0] =	ssyncadd.s32 @!p0 s1  }
0xdc: {  	[bflag:$0x3] =	sbarrier.arrive $0xFFFF  }
0xdd: {  	_ =	shalt  }

// kernel: kernel.8.cloned.1.call-start
scs
__scs_entry_jumppad:
0x0: {  	(pc) =	sbr.rel $0x88, $3  }
0x1: {  	(tag) =	ssettag $0x0;
	lr =	simm.s32 $0x1  }
0x2: {  	[smem:$0x3F9B] =	sst lr;
	_ =	strace $0xD0000000  }
0x3: {  	_ = 	snop  }
0x4: {  	_ = 	snop  }
0x5: {  	_ = 	snop  }
0x6: {  	_ = 	snop  }
0x7: {  	_ = 	snop  }
__scs_overlays_trampoline_lowered:
0x8: {  	[smem:$0x3FAA] =	sst s0  }
0x9: {  	[smem:$0x3FAB] =	sst s1  }
0xa: {  	[smem:$0x3FAC] =	sst s2  }
0xb: {  	[smem:$0x3FAD] =	sst s3  }
0xc: {  	[smem:$0x3FAE] =	sst s4  }
0xd: {  	[smem:$0x3FAF] =	sst s5  }
0xe: {  	[smem:$0x3FB0] =	sst s6  }
0xf: {  	[smem:$0x3FB1] =	sst s7  }
0x10: {  	[smem:$0x3FB2] =	sst s8  }
0x11: {  	[smem:$0x3FB3] =	sst s9;
	s0 =	simm.s32 @!p0 $0x0  }
0x12: {  	s1 =	sld [smem:$0x3F99];
	s0 =	simm.s32 @p0 $0x1  }
0x13: {  	[smem:$0x3FB4] =	sst s0;
	s0 =	simm.s32 @!p1 $0x0  }
0x14: {  	s2 =	sld [smem:$0x3F98];
	s0 =	simm.s32 @p1 $0x1  }
0x15: {  	[smem:$0x3FB5] =	sst s0;
	s0 =	simm.s32 @!p2 $0x0  }
0x16: {  	s3 =	sld [smem:$0x3FDB];
	s0 =	simm.s32 @p2 $0x1  }
0x17: {  	s4 =	simm.s32 $0x1BF5;
	[smem:$0x3FB7] =	sst s0  }
0x18: {  	s0 =	sld [smem:$0x3F9A];
	_ =	swait.ge [sflag:s4], $0x0  }
0x19: {  	s7 =	sld [smem:$0x3F9B]  }
0x1a: {  	s8 =	sadd.s32 $0xFFFFE003, lr  }
0x1b: {  	s9 =	sadd.s32 $0xFFFFFEF7, lr;
	s5 =	simm.s32 $0xFFFFFFFF;
	p2 =	slt.u32 s8, $0xFFFFF086  }
0x1c: {  	p1 =	slt.u32 s9, $0xF7A;
	s5 =	simm.s32 @!p2 $0x0  }
0x1d: {  	s5 =	simm.s32 @p1 $0x1;
	p0 =	seq.s32 s7, s2  }
0x1e: {  	s7 =	smul.u32 @!p0 $0xF7A, s2;
	p2 =	seq.s32 @!p0 s5, $0x0  }
0x1f: {  	s9 =	smul.u32 $0xF7A, s1;
	s8 =	simm.s32 @!p0 $0x1BF5;
	p2 =	por !p2, p0  }
0x20: {  	[sflag:s8] =	ssyncset.s32 @!p0 $0xFFFFF086;
	s6 =	sadd.s32 @!p0 s3, s7;
	s7 =	simm.s32 @!p0 $0x108  }
0x21: {  	s3 =	sadd.s32 s3, s9;
	s6 =	sadd.s32 @!p0 $0x88, s6;
	s7 =	simm.s32 @p2 $0x1082  }
0x22: {  	[simem:s7], [sflag:s8] =	dma.local @!p0 [hbm:s6], $0xF7A  }
0x23: {  	s9 =	sor.u32 $0xD0000000, s2;
	s6 =	simm.s32 $0x108;
	_ =	swait.ge @!p0 [sflag:s8], $0x0  }
0x24: {  	s3 =	sadd.s32 $0x88, s3;
	s6 =	simm.s32 @!p1 $0x1082;
	[sflag:s4] =	ssyncset.s32 $0xFFFFF086  }
0x25: {  	[simem:s6], [sflag:s4] =	dma.local [hbm:s3], $0xF7A  }
0x26: {  	[smem:$0x3F9B] =	sst s1;
	(tag) =	ssettag s2;
	_ =	strace s9  }
0x27: {  	s1 =	sld [smem:$0x3FAB]  }
0x28: {  	s2 =	sld [smem:$0x3FAC]  }
0x29: {  	s4 =	sld [smem:$0x3FAE]  }
0x2a: {  	p0 =	seq.s32 s5, $0x0;
	s5 =	sld [smem:$0x3FAF]  }
0x2b: {  	s6 =	sld [smem:$0x3FB0]  }
0x2c: {  	s7 =	sld [smem:$0x3FB1]  }
0x2d: {  	s3 =	simm.s32 $0x108;
	s8 =	sld [smem:$0x3FB2]  }
0x2e: {  	s3 =	simm.s32 @!p0 $0x1082;
	s9 =	sld [smem:$0x3FB3]  }
0x2f: {  	lr =	sadd.s32 s0, s3;
	s0 =	sld [smem:$0x3FAA]  }
0x30: {  	s3 =	sld [smem:$0x3FAD]  }
0x31: {  	[smem:$0x3FB6] =	sst s10  }
0x32: {  	s10 =	sld [smem:$0x3FB4];
	_ =	sdelay $0x3  }
0x33: {  	p0 =	seq.s32 s10, $0x1;
	s10 =	sld [smem:$0x3FB6];
	_ =	sdelay $0x3  }
0x34: {  	[smem:$0x3FB6] =	sst s10  }
0x35: {  	s10 =	sld [smem:$0x3FB5];
	_ =	sdelay $0x3  }
0x36: {  	p1 =	seq.s32 s10, $0x1;
	s10 =	sld [smem:$0x3FB6];
	_ =	sdelay $0x3  }
0x37: {  	[smem:$0x3FB6] =	sst s10  }
0x38: {  	s10 =	sld [smem:$0x3FB7]  }
0x39: {  	_ = 	snop;
	(pc) =	sbr.ind lr, $3  }
0x3a: {  	_ = 	snop  }
0x3b: {  	_ = 	snop  }
0x3c: {  	p2 =	seq.s32 s10, $0x1;
	s10 =	sld [smem:$0x3FB6]  }
0x3d: {  	_ =	shalt  }
0x3e: {  	_ =	shalt  }
0x3f: {  	_ =	shalt  }
0x40: {  	_ =	shalt  }
0x41: {  	_ =	shalt  }
0x42: {  	_ =	shalt  }
0x43: {  	_ =	shalt  }
0x44: {  	_ =	shalt  }
0x45: {  	_ =	shalt  }
0x46: {  	_ =	shalt  }
0x47: {  	_ =	shalt  }
0x48: {  	_ =	shalt  }
0x49: {  	_ =	shalt  }
0x4a: {  	_ =	shalt  }
0x4b: {  	_ =	shalt  }
0x4c: {  	_ =	shalt  }
0x4d: {  	_ =	shalt  }
0x4e: {  	_ =	shalt  }
0x4f: {  	_ =	shalt  }
0x50: {  	_ =	shalt  }
0x51: {  	_ =	shalt  }
0x52: {  	_ =	shalt  }
0x53: {  	_ =	shalt  }
0x54: {  	_ =	shalt  }
0x55: {  	_ =	shalt  }
0x56: {  	_ =	shalt  }
0x57: {  	_ =	shalt  }
0x58: {  	_ =	shalt  }
0x59: {  	_ =	shalt  }
0x5a: {  	_ =	shalt  }
0x5b: {  	_ =	shalt  }
0x5c: {  	_ =	shalt  }
0x5d: {  	_ =	shalt  }
0x5e: {  	_ =	shalt  }
0x5f: {  	_ =	shalt  }
0x60: {  	_ =	shalt  }
0x61: {  	_ =	shalt  }
0x62: {  	_ =	shalt  }
0x63: {  	_ =	shalt  }
0x64: {  	_ =	shalt  }
0x65: {  	_ =	shalt  }
0x66: {  	_ =	shalt  }
0x67: {  	_ =	shalt  }
0x68: {  	_ =	shalt  }
0x69: {  	_ =	shalt  }
0x6a: {  	_ =	shalt  }
0x6b: {  	_ =	shalt  }
0x6c: {  	_ =	shalt  }
0x6d: {  	_ =	shalt  }
0x6e: {  	_ =	shalt  }
0x6f: {  	_ =	shalt  }
0x70: {  	_ =	shalt  }
0x71: {  	_ =	shalt  }
0x72: {  	_ =	shalt  }
0x73: {  	_ =	shalt  }
0x74: {  	_ =	shalt  }
0x75: {  	_ =	shalt  }
0x76: {  	_ =	shalt  }
0x77: {  	_ =	shalt  }
0x78: {  	_ =	shalt  }
0x79: {  	_ =	shalt  }
0x7a: {  	_ =	shalt  }
0x7b: {  	_ =	shalt  }
0x7c: {  	_ =	shalt  }
0x7d: {  	_ =	shalt  }
0x7e: {  	_ =	shalt  }
0x7f: {  	_ =	shalt  }
0x80: {  	_ =	shalt  }
0x81: {  	_ =	shalt  }
0x82: {  	_ =	shalt  }
0x83: {  	_ =	shalt  }
0x84: {  	_ =	shalt  }
0x85: {  	_ =	shalt  }
0x86: {  	_ =	shalt  }
0x87: {  	_ =	shalt  }
.Lfunc_end0:
.L_simem_size_0:
called_computation_lowered:
.L_overlay_start_0:
0x88: {  	s2 =	sld [smem:$0x3FD9]  }
0x89: {  	s3 =	sld [smem:$0x3FFE];
	_ =	sdelay $0x1  }
0x8a: {  	s1 =	srdreg.scid  }
0x8b: {  	s0 =	sand.u32 $0x1, s1  }
0x8c: {  	s17 =	sshll.u32 s0, $0xA;
	s2 =	sadd.s32 s3, s2  }
0x8d: {  	s2 =	sadd.s32 s2, s17  }
0x8e: {  	[smem:$0x3FC2] =	sst s2  }
0x8f: {  	_ = 	snop  }
0x90: {  	s2 =	sld [smem:$0x3FD0];
	(tm) =	ssettm $0x1  }
0x91: {  	s18 =	sld [smem:$0x3FFB];
	_ =	sdelay $0x3  }
0x92: {  	_ =	strace s18  }
0x93: {  	s3 =	sld [smem:$0x3FFC];
	_ =	sdelay $0x3  }
0x94: {  	_ =	strace s3  }
0x95: {  	s3 =	sld [smem:$0x3FFD];
	_ =	sdelay $0x3  }
0x96: {  	_ =	strace s3  }
0x97: {  	_ =	strace $0x8FFFFFFF  }
0x98: {  	s19 =	sld [smem:$0x3FDB];
	_ =	sdelay $0x1  }
0x99: {  	s4 =	simm.s32 $_scs_section_size  }
0x9a: {  	s5 =	simm.s32 $_size__tile_overlayer_lowered;
	s6 =	simm.s32 $_tile_overlayer_lowered  }
0x9b: {  	s22 =	simm.s32 $0x1BFF;
	s21 =	sshll.u32 s6, $0x1;
	s3 =	sadd.s32 s4, s19  }
0x9c: {  	s7 =	simm.s32 $0x0;
	s20 =	sshll.u32 s5, $0x1;
	s5 =	sadd.s32 s21, s3  }
0x9d: {  	[timem:s7], [sflag:s22] =	dma.local [hbm:s5], s20  }
0x9e: {  	_ =	swait.ge [sflag:s22], s20  }
0x9f: {  	s4 =	ssub.s32 $0x0, s20;
	[sflag:s22] =	ssyncset.done $0x0  }
0xa0: {  	[sflag:s22] =	ssyncadd.s32 s4;
	_ =	sdelay $0x1  }
0xa1: {  	s23 =	simm.s32 $0x1B8B  }
0xa2: {  	_ =	swait.ge [sflag:s23], $0x1  }
0xa3: {  	[sflag:s23] =	ssyncset.done $0x0  }
0xa4: {  	s25 =	simm.s32 $0x1B8E;
	s24 =	sld [smem:$0x3FFE];
	[sflag:s23] =	ssyncadd.s32 $0xFFFFFFFF  }
0xa5: {  	s26 =	simm.s32 $execute0_lowered;
	[smem:$0x3FD2] =	sst s25  }
0xa6: {  	s5 =	sshll.u32 s26, $0x1;
	_ =	strace $0x80000046;
	[dreg:$0x1] =	wrdreg $0xFFFFFFFF  }
0xa7: {  	s28 =	simm.s32 $_size_execute0_lowered;
	s3 =	sadd.s32 s3, s5;
	[dreg:$0x0] =	wrdreg $0x0  }
0xa8: {  	s5 =	sshll.u32 s28, $0x1;
	[dreg:$0x2] =	wrdreg s3  }
0xa9: {  	[dreg:$0x3] =	wrdreg s5  }
0xaa: {  	[dreg:$0x4] =	wrdreg $0xC0  }
0xab: {  	_ =	task [dreg:s7], $0x5FFFF  }
0xac: {  	[dreg:$0x1] =	wrdreg $0xFFFFFFFF  }
0xad: {  	[dreg:$0x0] =	wrdreg $0x60  }
0xae: {  	[dreg:$0x2] =	wrdreg s24  }
0xaf: {  	[dreg:$0x3] =	wrdreg s2  }
0xb0: {  	[dreg:$0x4] =	wrdreg $0x48000  }
0xb1: {  	[dreg:$0x5] =	wrdreg $0x9  }
0xb2: {  	_ =	task.clear_ibuf [dreg:s7], $0x6FFFF;
	_ =	strace $0x90000046  }
0xb3: {  	s29 =	simm.s32 $0x9;
	_ =	strace $0x80000048  }
0xb4: {  	_ =	swait.ge [sflag:s29], $0x1  }
0xb5: {  	[sflag:s29] =	ssyncadd.s32 $0xFFFFFFFF  }
0xb6: {  	_ =	strace $0x90000048  }
0xb7: {  	_ =	sfence  }
0xb8: {  	s30 =	sld [smem:$0x0];
	_ =	sdelay $0x2  }
0xb9: {  	s31 =	sshll.u32 s1, $0xD;
	s1 =	sshrl.u32 s1, $0x2  }
0xba: {  	s3 =	sand.u32 $0x4000, s31;
	s1 =	sadd.s32 s1, s30  }
0xbb: {  	s0 =	sor.u32 s3, s0;
	s1 =	sshll.u32 s1, $0x11  }
0xbc: {  	s0 =	sor.u32 s1, s0  }
0xbd: {  	s0 =	sadd.s32 $0x8F2B, s0  }
0xbe: {  	[sflag:s0] =	ssyncadd.remote.s32 $0x1  }
0xbf: {  	_ =	sfence.sel $0xFFFF  }
0xc0: {  	[dreg:$0x0] =	wrdreg $0xFFFFFFFF;
	(pc) =	sbr.abs _section_cstart, $3  }
0xc1: {  	[dreg:$0x1] =	wrdreg $0xFFFFFFFF  }
0xc2: {  	_ =	task.clear_ibuf [dreg:s7], $0x2FFFF;
	_ =	strace $0x9FFFFFFF  }
0xc3: {  	(tm) =	ssettm $0x7FFFFFFF  }
tec
execute0_lowered:
.L_overlay_start_1:
0x0: {  	(tag) =	ssettag $0x1  }
0x1: {  	s6 =	rddreg [dreg:$0x0]  }
0x2: {  	s9 =	rddreg [dreg:$0x1]  }
0x3: {  	s2 =	rddreg [dreg:$0x2]  }
0x4: {  	s0 =	rddreg [dreg:$0x3];
	s3 =	simm.s32 $0x0;
	s4 =	srdreg.scid  }
0x5: {  	s1 =	stileid.u32;
	s16 =	simm.s32 $0x2000;
	s17 =	simm.s32 $0x50  }
0x6: {  	s18 =	simm.s32 $0x1;
	[smem:$0x7FF] =	sst s3;
	s26 =	smul.u32 $0x2780, s1  }
0x7: {  	s10 =	sand.u32 $0x1, s4;
	s8 =	smul.u32 $0x4F000, s1;
	s4 =	sadd.s32 $0x9600, s6  }
0x8: {  	s14 =	smul.u32 $0x13C00, s1;
	s29 =	sshll.u32 s1, $0xB;
	p0 =	seq.s32 s1, $0xF  }
0x9: {  	s19 =	simm.s32 $0x0;
	_ =	strace $0x80000047;
	s12 =	smul.u32 $0x138800, s10  }
0xa: {  	s5 =	sshll.u32 s10, $0xA;
	s11 =	ssub.s32 $0x2, s10;
	s31 =	smul.u32 $0x3, s10  }
0xb: {  	s7 =	sadd.s32 s5, s6;
	s28 =	sadd.s32 s26, s6;
	s13 =	sshrl.u32 s11, $0x1  }
0xc: {  	s8 =	sshrl.u32 s8, $0x2;
	s6 =	sadd.s32 $0x2EC80, s6;
	s11 =	ssub.s32 s11, s13  }
0xd: {  	s15 =	sadd.s32 s8, s2;
	s5 =	sadd.s32 $0x9C00, s28;
	s13 =	sadd.s32 $0x128400, s2  }
0xe: {  	s14 =	sadd.s32 s14, s12;
	s7 =	sadd.s32 s29, s7;
	s12 =	sshrl.u32 s12, $0x3  }
0xf: {  	s30 =	sshrl.u32 s14, $0x3;
	s7 =	sadd.s32 $0x1600, s7;
	s10 =	smax.u32 s11, $0x1  }
0x10: {  	s14 =	sshll.u32 @!p0 s1, $0x6;
	s11 =	ssub.s32 $0x40, s31;
	s8 =	sadd.s32 s9, s30  }
0x11: {  	s9 =	sadd.s32 s9, s12;
	s12 =	sshrl.u32 @p0 s13, $0x3;
	s13 =	sor.u32 @!p0 $0x1C02, s14  }
0x12: {  	s14 =	sshrl.u32 @!p0 s15, $0x3;
	s15 =	simm.s32 $0x2;
	s9 =	sadd.s32 $0x25080, s9  }
.LBB2_1:
0x13: {  	s20 =	simm.s32 @p0 $0x1FC2  }
0x14: {  	[spmem:s12], [sflag:s20] =	dma.local @p0 [hbm:s6], $0x2080  }
0x15: {  	s20 =	simm.s32 @p0 $0x2  }
0x16: {  	_ =	swait.ge @p0 [sflag:s20], $0x2080  }
0x17: {  	[sflag:s20] =	ssyncset.done @p0 $0x0  }
0x18: {  	[sflag:s20] =	ssyncadd.s32 @p0 $0xFFFFDF80;
	s20 =	simm.s32 @!p0 $0x2  }
0x19: {  	[spmem:s14], [sflag:s13] =	dma.local @!p0 [hbm:s5], $0x2780  }
0x1a: {  	_ =	swait.ge @!p0 [sflag:s20], $0x2780  }
0x1b: {  	[sflag:s20] =	ssyncset.done @!p0 $0x0  }
0x1c: {  	[sflag:s20] =	ssyncadd.s32 @!p0 $0xFFFFD880  }
0x1d: {  	[tilespmem:s3], [sflag:$0x2] =	stream.linear.gather [hbm4b:s7+s3], $0x2000, $0x38;
	[tilespmem:$0x18080] =	vst v63  }
0x1e: {  	_ =	swait.ge [sflag:s15], $0x2000  }
0x1f: {  	[sflag:s15] =	ssyncset.done $0x0  }
0x20: {  	[sflag:s15] =	ssyncadd.s32 $0xFFFFE000  }
0x21: {  	[tilespmem:s16], [sflag:$0x2] =	stream.linear.gather [hbm4b:s4+s3], $0x2800, $0x38;
	[tilespmem:$0x18080] =	vst v63  }
0x22: {  	_ =	swait.ge [sflag:s15], $0x2800  }
0x23: {  	p2 =	seq.s32 s11, $0x1;
	[sflag:s15] =	ssyncset.done $0x0  }
.Ltmp0:
0x24: {  	p1 =	por $0x1, $0x1;
	[sflag:s15] =	ssyncadd.s32 $0xFFFFD800;
	(pc) =	sbr.rel @p2 .LBB2_3-.Ltmp0, $4  }
0x25: {  	s21 =	simm.s32 @!p1 $0x1;
	[bflag:$0x0] =	sbarrier.arrive $0xFFFF  }
0x26: {  	_ =	swait.ge @!p1 [sflag:s21], $0x2800  }
0x27: {  	s22 =	simm.s32 $0x0;
	[sflag:s21] =	ssyncset.done @!p1 $0x0  }
0x28: {  	s20 =	simm.s32 $0x1;
	[sflag:s21] =	ssyncadd.s32 @!p1 $0xFFFFD800;
	s21 =	simm.s32 $0x80  }
.LBB2_2:
0x29: {  	[spmem:s2] =	stream.indirect.scatter.add.f32 [tilespmem:s16], [sflag:$0x1], $0x80, s22, s17, $0xb8;
	[tilespmem:$0x18080] =	vst v63  }
0x2a: {  	p1 =	slt.u32 s20, $0x8;
	s20 =	sadd.s32 $0x1, s20  }
0x2b: {  	p2 =	seq.s32 s11, s20  }
.Ltmp1:
0x2c: {  	(pc) =	sbr.rel @!p2 .LBB2_2-.Ltmp1, $4  }
0x2d: {  	s22 =	smov.u32 s21;
	s23 =	simm.s32 @!p1 $0x1  }
0x2e: {  	_ =	swait.ge @!p1 [sflag:s23], $0x2800  }
0x2f: {  	[sflag:s23] =	ssyncset.done @!p1 $0x0  }
0x30: {  	s21 =	sadd.s32 $0x80, s21;
	[sflag:s23] =	ssyncadd.s32 @!p1 $0xFFFFD800  }
.LBB2_3:
0x31: {  	[spmem:s2] =	stream.indirect.scatter.add.f32 [tilespmem:s16], [sflag:$0x1], $0x80, s22, s17, $0xb8;
	[tilespmem:$0x18080] =	vst v63  }
0x32: {  	_ =	swait.ge [sflag:s18], $0x2800  }
0x33: {  	[sflag:s18] =	ssyncset.done $0x0  }
0x34: {  	[sflag:s18] =	ssyncadd.s32 $0xFFFFD800  }
0x35: {  	_ =	swait.ge [sflag:s18], $0x2800  }
0x36: {  	[sflag:s18] =	ssyncset.done $0x0  }
0x37: {  	[sflag:s18] =	ssyncadd.s32 $0xFFFFD800  }
0x38: {  	_ =	swait.ge [sflag:s18], $0x2800  }
0x39: {  	[sflag:s18] =	ssyncset.done $0x0  }
0x3a: {  	[sflag:s18] =	ssyncadd.s32 $0xFFFFD800  }
0x3b: {  	_ =	swait.ge [sflag:s18], $0x2800  }
0x3c: {  	[sflag:s18] =	ssyncset.done $0x0  }
0x3d: {  	[sflag:s18] =	ssyncadd.s32 $0xFFFFD800  }
0x3e: {  	_ =	swait.ge [sflag:s18], $0x2800  }
0x3f: {  	[sflag:s18] =	ssyncset.done $0x0  }
0x40: {  	[sflag:s18] =	ssyncadd.s32 $0xFFFFD800  }
0x41: {  	_ =	swait.ge [sflag:s18], $0x2800  }
0x42: {  	[sflag:s18] =	ssyncset.done $0x0  }
0x43: {  	[sflag:s18] =	ssyncadd.s32 $0xFFFFD800  }
0x44: {  	_ =	swait.ge [sflag:s18], $0x2800  }
0x45: {  	[sflag:s18] =	ssyncset.done $0x0  }
0x46: {  	[sflag:s18] =	ssyncadd.s32 $0xFFFFD800  }
0x47: {  	_ =	swait.ge [sflag:s18], $0x2800  }
0x48: {  	[sflag:s18] =	ssyncset.done $0x0  }
0x49: {  	[sflag:s18] =	ssyncadd.s32 $0xFFFFD800  }
0x4a: {  	s20 =	simm.s32 @p0 $0x1FC2;
	[bflag:$0x0] =	sbarrier.arrive $0xFFFF  }
0x4b: {  	[hbm:s9], [sflag:s20] =	dma.local @p0 [spmem:s12], $0x2080  }
0x4c: {  	s20 =	simm.s32 @p0 $0x2  }
0x4d: {  	s19 =	sadd.s32 $0x1, s19;
	_ =	swait.ge @p0 [sflag:s20], $0x2080  }
0x4e: {  	p1 =	sne.s32 s19, s10;
	[sflag:s20] =	ssyncset.done @p0 $0x0  }
.Ltmp2:
0x4f: {  	[sflag:s20] =	ssyncadd.s32 @p0 $0xFFFFDF80;
	s20 =	simm.s32 @!p0 $0x2;
	(pc) =	sbr.rel @p1 .LBB2_1-.Ltmp2, $4  }
0x50: {  	[hbm:s8], [sflag:s13] =	dma.local @!p0 [spmem:s14], $0x2780  }
0x51: {  	_ =	swait.ge @!p0 [sflag:s20], $0x2780  }
0x52: {  	[sflag:s20] =	ssyncset.done @!p0 $0x0  }
0x53: {  	[sflag:s20] =	ssyncadd.s32 @!p0 $0xFFFFD880  }
0x54: {  	_ =	sfence.sel $0x180000  }
0x55: {  	[bflag:$0x0] =	sbarrier.arrive $0xFFFF  }
0x56: {  	p0 =	sne.s32 s1, $0x0;
	_ =	strace $0x90000047  }
0x57: {  	s0 =	sadd.s32 @!p0 $0x100000, s0;
	[bflag:$0x2] =	sbarrier.arrive $0xFFFF  }
0x58: {  	[sflag:s0] =	ssyncadd.tile.s32 @!p0 $0x1;
	_ =	shalt  }
.Lfunc_end2:
_tile_overlayer_lowered:
.L_overlay_start_2:
0x59: {  	(tag) =	ssettag $0x2  }
0x5a: {  	s0 =	rddreg [dreg:$0x0];
	s2 =	stileid.u32  }
0x5b: {  	s1 =	rddreg [dreg:$0x1];
	p0 =	sne.s32 s2, $0x0  }
0x5c: {  	s3 =	rddreg [dreg:$0x2];
	[bflag:$0x3] =	sbarrier.arrive $0xFFFF;
	s2 =	simm.s32 @!p0 $0x1C02  }
0x5d: {  	[timem:s3], [sflag:s2] =	dma.local @!p0 [hbm:s0], s1  }
0x5e: {  	s0 =	simm.s32 @!p0 $0x2  }
0x5f: {  	_ =	swait.ge @!p0 [sflag:s0], s1  }
0x60: {  	s1 =	ssub.s32 @!p0 $0x0, s1;
	[sflag:s0] =	ssyncset.done @!p0 $0x0  }
0x61: {  	[sflag:s0] =	ssyncadd.s32 @!p0 s1  }
0x62: {  	[bflag:$0x3] =	sbarrier.arrive $0xFFFF  }
0x63: {  	_ =	shalt  }

</sc_bundles>
